<compile_context>
chip_gen: v7x
topology: tpu7x:2x2x1
jax: 0.10.2.dev20260603
libtpu: 0.0.44.dev20260713+nightly
codegen_flags: <defaults>
</compile_context>

<pallas_src>
import functools

import jax
import jax.numpy as jnp
from jax import lax
from jax.experimental import pallas as pl
from jax.experimental.pallas import tpu as pltpu
from jax.experimental.pallas import tpu_sc as plsc

NC = 2
NS = 16


def _sc_segment_sum(table, src, dst, zeros, *, n_pad, n_edges, d):
    nw = NC * NS
    epw = n_edges // nw
    k = 80
    nch = epw // k
    nb = 4
    ni = 8
    rpt = n_pad // NS
    mesh = plsc.VectorSubcoreMesh(core_axis_name="c", subcore_axis_name="s")

    @functools.partial(
        pl.kernel,
        out_type=jax.ShapeDtypeStruct((NC * n_pad, d), jnp.float32),
        mesh=mesh,
        scratch_types=[
            [pltpu.VMEM((k,), jnp.int32) for _ in range(ni)],
            [pltpu.VMEM((k,), jnp.int32) for _ in range(ni)],
            [pltpu.VMEM((k, d), jnp.float32) for _ in range(nb)],
            pltpu.VMEM_SHARED((n_pad, d), jnp.float32),
            [pltpu.SemaphoreType.DMA for _ in range(ni)],
            [pltpu.SemaphoreType.DMA for _ in range(nb)],
            [pltpu.SemaphoreType.DMA for _ in range(nb)],
        ],
    )
    def agg(table_h, src_h, dst_h, zeros_h, out_h,
            srcb, dstb, rows, acc, semi, semg, sems):
        cid = lax.axis_index("c")
        sid = lax.axis_index("s")
        wid = sid * NC + cid
        base = wid * epw
        r0 = sid * rpt

        def fire_idx(i, q):
            b = base + i * k
            pltpu.async_copy(src_h.at[pl.ds(b, k)], srcb[q], semi[q])
            pltpu.async_copy(dst_h.at[pl.ds(b, k)], dstb[q], semi[q])

        def wait_idx(q):
            pltpu.make_async_copy(src_h.at[pl.ds(base, k)], srcb[q], semi[q]).wait()
            pltpu.make_async_copy(dst_h.at[pl.ds(base, k)], dstb[q], semi[q]).wait()

        def fire_gather(q, p):
            pltpu.async_copy(table_h.at[srcb[q]], rows[p], semg[p])

        def wait_gather(q, p):
            pltpu.make_async_copy(table_h.at[srcb[q]], rows[p], semg[p]).wait()

        def fire_scatter(q, p):
            pltpu.async_copy(rows[p], acc.at[dstb[q]], sems[p], add=True)

        def wait_scatter(q, p):
            pltpu.make_async_copy(rows[p], acc.at[dstb[q]], sems[p]).wait()

        for j in range(min(5, nch)):
            fire_idx(j, j)
        pltpu.sync_copy(zeros_h.at[pl.ds(r0, rpt)], acc.at[pl.ds(r0, rpt)])
        plsc.subcore_barrier()
        for j in range(min(3, nch)):
            wait_idx(j)
            fire_gather(j, j)

        def step(i, p, q):
            @pl.when(i >= 1)
            def _drain_scatter():
                wait_scatter((q - 1) % ni, (p - 1) % nb)

            @pl.when(i + 3 < nch)
            def _fire_next_gather():
                wait_idx((q + 3) % ni)
                fire_gather((q + 3) % ni, (p + 3) % nb)

            wait_gather(q, p)
            fire_scatter(q, p)

            @pl.when(i + 5 < nch)
            def _prefetch_idx():
                fire_idx(i + 5, (q + 5) % ni)

        def octet(j, carry):
            for u in range(ni):
                i = ni * j + u

                @pl.when(i < nch)
                def _chunk():
                    step(i, u % nb, u)

            return carry

        lax.fori_loop(0, (nch + ni - 1) // ni, octet, 0)
        if nch >= 1:
            wait_scatter((nch - 1) % ni, (nch - 1) % nb)
        plsc.subcore_barrier()
        pltpu.sync_copy(acc.at[pl.ds(r0, rpt)],
                        out_h.at[pl.ds(cid * n_pad + r0, rpt)])

    return agg(table, src, dst, zeros)


def _tc_mm1(x, W1, *, n_nodes):
    br = 2000
    in_ch = W1.shape[0]
    hid = W1.shape[1]

    def body(x_ref, w1_ref, o_ref):
        o_ref[...] = jnp.dot(x_ref[...], w1_ref[...],
                             preferred_element_type=jnp.float32)

    return pl.pallas_call(
        body,
        grid=(n_nodes // br,),
        in_specs=[
            pl.BlockSpec((br, in_ch), lambda i: (i, 0)),
            pl.BlockSpec((in_ch, hid), lambda i: (0, 0)),
        ],
        out_specs=pl.BlockSpec((br, hid), lambda i: (i, 0)),
        out_shape=jax.ShapeDtypeStruct((n_nodes, hid), jnp.float32),
    )(x, W1)


def _tc_elu_mm2(p, b1, W2, *, n_nodes):
    br = 2000
    hid = W2.shape[0]
    out_ch = W2.shape[1]

    def body(p_ref, b1_ref, w2_ref, o_ref):
        h = p_ref[0] + p_ref[1] + b1_ref[...]
        h = jnp.where(h > 0, h, jnp.exp(jnp.minimum(h, 0.0)) - 1.0)
        t = jnp.dot(h, w2_ref[...], preferred_element_type=jnp.float32)
        o_ref[...] = jnp.pad(t, ((0, 0), (0, hid - out_ch)))

    return pl.pallas_call(
        body,
        grid=(n_nodes // br,),
        in_specs=[
            pl.BlockSpec((NC, br, hid), lambda i: (0, i, 0)),
            pl.BlockSpec((1, hid), lambda i: (0, 0)),
            pl.BlockSpec((hid, out_ch), lambda i: (0, 0)),
        ],
        out_specs=pl.BlockSpec((br, hid), lambda i: (i, 0)),
        out_shape=jax.ShapeDtypeStruct((n_nodes, hid), jnp.float32),
    )(p, b1, W2)


def _tc_softmax(q, b2, *, n_nodes, out_ch):
    br = 2000
    hid = q.shape[-1]

    def body(q_ref, b2_ref, o_ref):
        t = q_ref[0, :, :out_ch] + q_ref[1, :, :out_ch] + b2_ref[...]
        m = jnp.max(t, axis=1, keepdims=True)
        e = jnp.exp(t - m)
        o_ref[...] = e / jnp.sum(e, axis=1, keepdims=True)

    return pl.pallas_call(
        body,
        grid=(n_nodes // br,),
        in_specs=[
            pl.BlockSpec((NC, br, hid), lambda i: (0, i, 0)),
            pl.BlockSpec((1, out_ch), lambda i: (0, 0)),
        ],
        out_specs=pl.BlockSpec((br, out_ch), lambda i: (i, 0)),
        out_shape=jax.ShapeDtypeStruct((n_nodes, out_ch), jnp.float32),
    )(q, b2)


def kernel(x, edge_index, W1, b1, W2, b2):
    n, in_ch = x.shape
    n_edges = edge_index.shape[1]
    hid = W1.shape[1]
    out_ch = W2.shape[1]

    npad = -(-n // (NS * 8)) * (NS * 8)
    src = edge_index[0]
    dst = edge_index[1]

    h1 = _tc_mm1(x, W1, n_nodes=n)
    p1 = _sc_segment_sum(h1, src, dst, jnp.zeros((npad, hid), jnp.float32),
                         n_pad=npad, n_edges=n_edges, d=hid)
    p1 = p1.reshape(NC, npad, hid)

    h3 = _tc_elu_mm2(p1, b1.reshape(1, hid), W2, n_nodes=n)
    p2 = _sc_segment_sum(h3, src, dst, jnp.zeros((npad, hid), jnp.float32),
                         n_pad=npad, n_edges=n_edges, d=hid)
    p2 = p2.reshape(NC, npad, hid)
    return _tc_softmax(p2, b2.reshape(1, out_ch), n_nodes=n, out_ch=out_ch)

# --- scband reference (transcript-rebuilt; emitter-appended) ---
"""Pipeline reference for scband-gcn-75565654606208 (READ-ONLY COPY).

The authoritative reference and input builder live on the scoring server;
editing this copy changes nothing except your own understanding.
"""

import jax, jax.numpy as jnp
import numpy as np

N_NODES = 10000
N_EDGES = 320000
IN_CH = 128
HID_CH = 128
OUT_CH = 64


def setup_inputs(seed: int = 0) -> dict:
    key = jax.random.key(seed)
    k1, k2, k3, k4 = jax.random.split(key, 4)
    x = jax.random.normal(k1, (N_NODES, IN_CH), dtype=jnp.float32)
    edge_index = jax.random.randint(k2, (2, N_EDGES), 0, N_NODES, dtype=jnp.int32)
    W1 = jax.random.normal(k3, (IN_CH, HID_CH), dtype=jnp.float32) * (1.0 / np.sqrt(IN_CH))
    b1 = jnp.zeros((HID_CH,), dtype=jnp.float32)
    W2 = jax.random.normal(k4, (HID_CH, OUT_CH), dtype=jnp.float32) * (1.0 / np.sqrt(HID_CH))
    b2 = jnp.zeros((OUT_CH,), dtype=jnp.float32)
    return {"x": x, "edge_index": edge_index, "W1": W1, "b1": b1, "W2": W2, "b2": b2}


def reference(x, edge_index, W1, b1, W2, b2):
    # GCNConv with normalize=False, no edge_weight: out[dst] = sum_{e: dst(e)=dst} (x @ W)[src(e)] + bias
    # Dropout is identity in eval mode.
    src = edge_index[0]
    dst = edge_index[1]
    n = x.shape[0]
    # conv1
    h = x @ W1
    h = jax.ops.segment_sum(h[src], dst, num_segments=n) + b1
    # elu
    h = jax.nn.elu(h)
    # conv2
    h = h @ W2
    h = jax.ops.segment_sum(h[src], dst, num_segments=n) + b2
    # softmax over feature dim
    return jax.nn.softmax(h, axis=1)

if __name__ == "__main__":
    import jax
    _d = setup_inputs()
    print(jax.jit(kernel)(*tuple(_d.values())))

</pallas_src>

<mosaic_0001>
#map = affine_map<(d0, d1) -> (0, 0)>
#map1 = affine_map<(d0, d1) -> (0)>
module attributes {stable_mosaic.version = 14 : i64} {
  func.func @agg(%arg0: i32, %arg1: i32, %arg2: memref<10000x128xf32, #tpu.memory_space<hbm>>, %arg3: memref<320000xi32, #tpu.memory_space<hbm>>, %arg4: memref<320000xi32, #tpu.memory_space<hbm>>, %arg5: memref<10112x128xf32, #tpu.memory_space<hbm>>, %arg6: memref<20224x128xf32, #tpu.memory_space<hbm>>, %arg7: memref<80xi32, #tpu.memory_space<vmem>>, %arg8: memref<80xi32, #tpu.memory_space<vmem>>, %arg9: memref<80xi32, #tpu.memory_space<vmem>>, %arg10: memref<80xi32, #tpu.memory_space<vmem>>, %arg11: memref<80xi32, #tpu.memory_space<vmem>>, %arg12: memref<80xi32, #tpu.memory_space<vmem>>, %arg13: memref<80xi32, #tpu.memory_space<vmem>>, %arg14: memref<80xi32, #tpu.memory_space<vmem>>, %arg15: memref<80xi32, #tpu.memory_space<vmem>>, %arg16: memref<80xi32, #tpu.memory_space<vmem>>, %arg17: memref<80xi32, #tpu.memory_space<vmem>>, %arg18: memref<80xi32, #tpu.memory_space<vmem>>, %arg19: memref<80xi32, #tpu.memory_space<vmem>>, %arg20: memref<80xi32, #tpu.memory_space<vmem>>, %arg21: memref<80xi32, #tpu.memory_space<vmem>>, %arg22: memref<80xi32, #tpu.memory_space<vmem>>, %arg23: memref<80x128xf32, #tpu.memory_space<vmem>>, %arg24: memref<80x128xf32, #tpu.memory_space<vmem>>, %arg25: memref<80x128xf32, #tpu.memory_space<vmem>>, %arg26: memref<80x128xf32, #tpu.memory_space<vmem>>, %arg27: memref<10112x128xf32, #tpu.memory_space<vmem_shared>>, %arg28: memref<!tpu.dma_semaphore, #tpu.memory_space<semaphore_mem>>, %arg29: memref<!tpu.dma_semaphore, #tpu.memory_space<semaphore_mem>>, %arg30: memref<!tpu.dma_semaphore, #tpu.memory_space<semaphore_mem>>, %arg31: memref<!tpu.dma_semaphore, #tpu.memory_space<semaphore_mem>>, %arg32: memref<!tpu.dma_semaphore, #tpu.memory_space<semaphore_mem>>, %arg33: memref<!tpu.dma_semaphore, #tpu.memory_space<semaphore_mem>>, %arg34: memref<!tpu.dma_semaphore, #tpu.memory_space<semaphore_mem>>, %arg35: memref<!tpu.dma_semaphore, #tpu.memory_space<semaphore_mem>>, %arg36: memref<!tpu.dma_semaphore, #tpu.memory_space<semaphore_mem>>, %arg37: memref<!tpu.dma_semaphore, #tpu.memory_space<semaphore_mem>>, %arg38: memref<!tpu.dma_semaphore, #tpu.memory_space<semaphore_mem>>, %arg39: memref<!tpu.dma_semaphore, #tpu.memory_space<semaphore_mem>>, %arg40: memref<!tpu.dma_semaphore, #tpu.memory_space<semaphore_mem>>, %arg41: memref<!tpu.dma_semaphore, #tpu.memory_space<semaphore_mem>>, %arg42: memref<!tpu.dma_semaphore, #tpu.memory_space<semaphore_mem>>, %arg43: memref<!tpu.dma_semaphore, #tpu.memory_space<semaphore_mem>>) attributes {dimension_semantics = [#tpu.dimension_semantics<core_parallel>, #tpu.dimension_semantics<subcore_parallel>], iteration_bounds = array<i64: 2, 16>, scalar_prefetch = 0 : i64, scratch_operands = 37 : i64, tpu.core_type = #tpu.core_type<sc_vector_subcore>, window_params = [{transform_indices = #map}, {transform_indices = #map1}, {transform_indices = #map1}, {transform_indices = #map}, {transform_indices = #map}]} {
    %mul3A = arith.constant 2 : i32
    %mul3A_0 = arith.muli %arg1, %mul3A : i32
    %add3A = arith.addi %mul3A_0, %arg0 : i32
    %mul3A_1 = arith.constant 10000 : i32
    %mul3A_2 = arith.muli %add3A, %mul3A_1 : i32
    %mul3A_3 = arith.constant 632 : i32
    %mul3A_4 = arith.muli %arg1, %mul3A_3 : i32
    %add3A_5 = arith.constant 0 : i32
    %add3A_6 = arith.addi %mul3A_2, %add3A_5 : i32
    %dma_start3A = tpu.memref_slice %arg3[%add3A_6] : memref<320000xi32, #tpu.memory_space<hbm>> -> memref<80xi32, #tpu.memory_space<hbm>>
    %dma_start3A_7 = tpu.memref_slice %arg3[%add3A_6] : memref<320000xi32, #tpu.memory_space<hbm>> -> memref<80xi32, #tpu.memory_space<hbm>>
    tpu.enqueue_dma source(%dma_start3A_7 : memref<80xi32, #tpu.memory_space<hbm>>) target(%arg7 : memref<80xi32, #tpu.memory_space<vmem>>) target_semaphore(%arg28 : memref<!tpu.dma_semaphore, #tpu.memory_space<semaphore_mem>>)
    %dma_start3A_8 = tpu.memref_slice %arg4[%add3A_6] : memref<320000xi32, #tpu.memory_space<hbm>> -> memref<80xi32, #tpu.memory_space<hbm>>
    %dma_start3A_9 = tpu.memref_slice %arg4[%add3A_6] : memref<320000xi32, #tpu.memory_space<hbm>> -> memref<80xi32, #tpu.memory_space<hbm>>
    tpu.enqueue_dma source(%dma_start3A_9 : memref<80xi32, #tpu.memory_space<hbm>>) target(%arg15 : memref<80xi32, #tpu.memory_space<vmem>>) target_semaphore(%arg28 : memref<!tpu.dma_semaphore, #tpu.memory_space<semaphore_mem>>)
    %add3A_10 = arith.constant 80 : i32
    %add3A_11 = arith.addi %mul3A_2, %add3A_10 : i32
    %dma_start3A_12 = tpu.memref_slice %arg3[%add3A_11] : memref<320000xi32, #tpu.memory_space<hbm>> -> memref<80xi32, #tpu.memory_space<hbm>>
    %dma_start3A_13 = tpu.memref_slice %arg3[%add3A_11] : memref<320000xi32, #tpu.memory_space<hbm>> -> memref<80xi32, #tpu.memory_space<hbm>>
    tpu.enqueue_dma source(%dma_start3A_13 : memref<80xi32, #tpu.memory_space<hbm>>) target(%arg8 : memref<80xi32, #tpu.memory_space<vmem>>) target_semaphore(%arg29 : memref<!tpu.dma_semaphore, #tpu.memory_space<semaphore_mem>>)
    %dma_start3A_14 = tpu.memref_slice %arg4[%add3A_11] : memref<320000xi32, #tpu.memory_space<hbm>> -> memref<80xi32, #tpu.memory_space<hbm>>
    %dma_start3A_15 = tpu.memref_slice %arg4[%add3A_11] : memref<320000xi32, #tpu.memory_space<hbm>> -> memref<80xi32, #tpu.memory_space<hbm>>
    tpu.enqueue_dma source(%dma_start3A_15 : memref<80xi32, #tpu.memory_space<hbm>>) target(%arg16 : memref<80xi32, #tpu.memory_space<vmem>>) target_semaphore(%arg29 : memref<!tpu.dma_semaphore, #tpu.memory_space<semaphore_mem>>)
    %add3A_16 = arith.constant 160 : i32
    %add3A_17 = arith.addi %mul3A_2, %add3A_16 : i32
    %dma_start3A_18 = tpu.memref_slice %arg3[%add3A_17] : memref<320000xi32, #tpu.memory_space<hbm>> -> memref<80xi32, #tpu.memory_space<hbm>>
    %dma_start3A_19 = tpu.memref_slice %arg3[%add3A_17] : memref<320000xi32, #tpu.memory_space<hbm>> -> memref<80xi32, #tpu.memory_space<hbm>>
    tpu.enqueue_dma source(%dma_start3A_19 : memref<80xi32, #tpu.memory_space<hbm>>) target(%arg9 : memref<80xi32, #tpu.memory_space<vmem>>) target_semaphore(%arg30 : memref<!tpu.dma_semaphore, #tpu.memory_space<semaphore_mem>>)
    %dma_start3A_20 = tpu.memref_slice %arg4[%add3A_17] : memref<320000xi32, #tpu.memory_space<hbm>> -> memref<80xi32, #tpu.memory_space<hbm>>
    %dma_start3A_21 = tpu.memref_slice %arg4[%add3A_17] : memref<320000xi32, #tpu.memory_space<hbm>> -> memref<80xi32, #tpu.memory_space<hbm>>
    tpu.enqueue_dma source(%dma_start3A_21 : memref<80xi32, #tpu.memory_space<hbm>>) target(%arg17 : memref<80xi32, #tpu.memory_space<vmem>>) target_semaphore(%arg30 : memref<!tpu.dma_semaphore, #tpu.memory_space<semaphore_mem>>)
    %add3A_22 = arith.constant 240 : i32
    %add3A_23 = arith.addi %mul3A_2, %add3A_22 : i32
    %dma_start3A_24 = tpu.memref_slice %arg3[%add3A_23] : memref<320000xi32, #tpu.memory_space<hbm>> -> memref<80xi32, #tpu.memory_space<hbm>>
    %dma_start3A_25 = tpu.memref_slice %arg3[%add3A_23] : memref<320000xi32, #tpu.memory_space<hbm>> -> memref<80xi32, #tpu.memory_space<hbm>>
    tpu.enqueue_dma source(%dma_start3A_25 : memref<80xi32, #tpu.memory_space<hbm>>) target(%arg10 : memref<80xi32, #tpu.memory_space<vmem>>) target_semaphore(%arg31 : memref<!tpu.dma_semaphore, #tpu.memory_space<semaphore_mem>>)
    %dma_start3A_26 = tpu.memref_slice %arg4[%add3A_23] : memref<320000xi32, #tpu.memory_space<hbm>> -> memref<80xi32, #tpu.memory_space<hbm>>
    %dma_start3A_27 = tpu.memref_slice %arg4[%add3A_23] : memref<320000xi32, #tpu.memory_space<hbm>> -> memref<80xi32, #tpu.memory_space<hbm>>
    tpu.enqueue_dma source(%dma_start3A_27 : memref<80xi32, #tpu.memory_space<hbm>>) target(%arg18 : memref<80xi32, #tpu.memory_space<vmem>>) target_semaphore(%arg31 : memref<!tpu.dma_semaphore, #tpu.memory_space<semaphore_mem>>)
    %add3A_28 = arith.constant 320 : i32
    %add3A_29 = arith.addi %mul3A_2, %add3A_28 : i32
    %dma_start3A_30 = tpu.memref_slice %arg3[%add3A_29] : memref<320000xi32, #tpu.memory_space<hbm>> -> memref<80xi32, #tpu.memory_space<hbm>>
    %dma_start3A_31 = tpu.memref_slice %arg3[%add3A_29] : memref<320000xi32, #tpu.memory_space<hbm>> -> memref<80xi32, #tpu.memory_space<hbm>>
    tpu.enqueue_dma source(%dma_start3A_31 : memref<80xi32, #tpu.memory_space<hbm>>) target(%arg11 : memref<80xi32, #tpu.memory_space<vmem>>) target_semaphore(%arg32 : memref<!tpu.dma_semaphore, #tpu.memory_space<semaphore_mem>>)
    %dma_start3A_32 = tpu.memref_slice %arg4[%add3A_29] : memref<320000xi32, #tpu.memory_space<hbm>> -> memref<80xi32, #tpu.memory_space<hbm>>
    %dma_start3A_33 = tpu.memref_slice %arg4[%add3A_29] : memref<320000xi32, #tpu.memory_space<hbm>> -> memref<80xi32, #tpu.memory_space<hbm>>
    tpu.enqueue_dma source(%dma_start3A_33 : memref<80xi32, #tpu.memory_space<hbm>>) target(%arg19 : memref<80xi32, #tpu.memory_space<vmem>>) target_semaphore(%arg32 : memref<!tpu.dma_semaphore, #tpu.memory_space<semaphore_mem>>)
    "tpu.region"() ({
      %run_scoped3A = tpu.sem_alloc : memref<!tpu.dma_semaphore, #tpu.memory_space<semaphore_mem>>
      %dma_start3A_66 = arith.constant 0 : i32
      %dma_start3A_67 = tpu.memref_slice %arg27[%mul3A_4, %dma_start3A_66] : memref<10112x128xf32, #tpu.memory_space<vmem_shared>> -> memref<632x128xf32, #tpu.memory_space<vmem_shared>>
      %dma_start3A_68 = arith.constant 0 : i32
      %dma_start3A_69 = tpu.memref_slice %arg5[%mul3A_4, %dma_start3A_68] : memref<10112x128xf32, #tpu.memory_space<hbm>> -> memref<632x128xf32, #tpu.memory_space<hbm>>
      tpu.enqueue_dma source(%dma_start3A_69 : memref<632x128xf32, #tpu.memory_space<hbm>>) target(%dma_start3A_67 : memref<632x128xf32, #tpu.memory_space<vmem_shared>>) target_semaphore(%run_scoped3A : memref<!tpu.dma_semaphore, #tpu.memory_space<semaphore_mem>>)
      %dma_wait3A_70 = arith.constant 0 : i32
      %dma_wait3A_71 = tpu.memref_slice %arg27[%mul3A_4, %dma_wait3A_70] : memref<10112x128xf32, #tpu.memory_space<vmem_shared>> -> memref<632x128xf32, #tpu.memory_space<vmem_shared>>
      %dma_wait3A_72 = arith.constant 0 : i32
      %dma_wait3A_73 = tpu.memref_slice %arg5[%mul3A_4, %dma_wait3A_72] : memref<10112x128xf32, #tpu.memory_space<hbm>> -> memref<632x128xf32, #tpu.memory_space<hbm>>
      tpu.wait_dma2 semaphore(%run_scoped3A : memref<!tpu.dma_semaphore, #tpu.memory_space<semaphore_mem>>) src(%dma_wait3A_73 : memref<632x128xf32, #tpu.memory_space<hbm>>) dst(%dma_wait3A_71 : memref<632x128xf32, #tpu.memory_space<vmem_shared>>)
      tpu.yield
    }) : () -> ()
    %barrier3A = arith.constant 0 : index
    tpu.barrier barrier_id(%barrier3A)
    %dma_wait3A = tpu.memref_slice %arg3[%mul3A_2] : memref<320000xi32, #tpu.memory_space<hbm>> -> memref<80xi32, #tpu.memory_space<hbm>>
    %dma_wait3A_34 = tpu.memref_slice %arg3[%mul3A_2] : memref<320000xi32, #tpu.memory_space<hbm>> -> memref<80xi32, #tpu.memory_space<hbm>>
    tpu.wait_dma2 semaphore(%arg28 : memref<!tpu.dma_semaphore, #tpu.memory_space<semaphore_mem>>) src(%dma_wait3A_34 : memref<80xi32, #tpu.memory_space<hbm>>) dst(%arg7 : memref<80xi32, #tpu.memory_space<vmem>>)
    %dma_wait3A_35 = tpu.memref_slice %arg4[%mul3A_2] : memref<320000xi32, #tpu.memory_space<hbm>> -> memref<80xi32, #tpu.memory_space<hbm>>
    %dma_wait3A_36 = tpu.memref_slice %arg4[%mul3A_2] : memref<320000xi32, #tpu.memory_space<hbm>> -> memref<80xi32, #tpu.memory_space<hbm>>
    tpu.wait_dma2 semaphore(%arg28 : memref<!tpu.dma_semaphore, #tpu.memory_space<semaphore_mem>>) src(%dma_wait3A_36 : memref<80xi32, #tpu.memory_space<hbm>>) dst(%arg15 : memref<80xi32, #tpu.memory_space<vmem>>)
    %dma_start3A_37 = arith.constant 0 : i32
    %dma_start3A_38 = arith.constant 0 : i32
    %dma_start3A_39 = tpu.memref_slice %arg2[%dma_start3A_37, %dma_start3A_38] : memref<10000x128xf32, #tpu.memory_space<hbm>> -> memref<10000x128xf32, #tpu.memory_space<hbm>>
    tpu.enqueue_indirect_dma source(%dma_start3A_39 : memref<10000x128xf32, #tpu.memory_space<hbm>>) target(%arg23 : memref<80x128xf32, #tpu.memory_space<vmem>>) offsets(%arg7 : memref<80xi32, #tpu.memory_space<vmem>>) semaphore(%arg36 : memref<!tpu.dma_semaphore, #tpu.memory_space<semaphore_mem>>)
    %dma_wait3A_40 = tpu.memref_slice %arg3[%mul3A_2] : memref<320000xi32, #tpu.memory_space<hbm>> -> memref<80xi32, #tpu.memory_space<hbm>>
    %dma_wait3A_41 = tpu.memref_slice %arg3[%mul3A_2] : memref<320000xi32, #tpu.memory_space<hbm>> -> memref<80xi32, #tpu.memory_space<hbm>>
    tpu.wait_dma2 semaphore(%arg29 : memref<!tpu.dma_semaphore, #tpu.memory_space<semaphore_mem>>) src(%dma_wait3A_41 : memref<80xi32, #tpu.memory_space<hbm>>) dst(%arg8 : memref<80xi32, #tpu.memory_space<vmem>>)
    %dma_wait3A_42 = tpu.memref_slice %arg4[%mul3A_2] : memref<320000xi32, #tpu.memory_space<hbm>> -> memref<80xi32, #tpu.memory_space<hbm>>
    %dma_wait3A_43 = tpu.memref_slice %arg4[%mul3A_2] : memref<320000xi32, #tpu.memory_space<hbm>> -> memref<80xi32, #tpu.memory_space<hbm>>
    tpu.wait_dma2 semaphore(%arg29 : memref<!tpu.dma_semaphore, #tpu.memory_space<semaphore_mem>>) src(%dma_wait3A_43 : memref<80xi32, #tpu.memory_space<hbm>>) dst(%arg16 : memref<80xi32, #tpu.memory_space<vmem>>)
    %dma_start3A_44 = arith.constant 0 : i32
    %dma_start3A_45 = arith.constant 0 : i32
    %dma_start3A_46 = tpu.memref_slice %arg2[%dma_start3A_44, %dma_start3A_45] : memref<10000x128xf32, #tpu.memory_space<hbm>> -> memref<10000x128xf32, #tpu.memory_space<hbm>>
    tpu.enqueue_indirect_dma source(%dma_start3A_46 : memref<10000x128xf32, #tpu.memory_space<hbm>>) target(%arg24 : memref<80x128xf32, #tpu.memory_space<vmem>>) offsets(%arg8 : memref<80xi32, #tpu.memory_space<vmem>>) semaphore(%arg37 : memref<!tpu.dma_semaphore, #tpu.memory_space<semaphore_mem>>)
    %dma_wait3A_47 = tpu.memref_slice %arg3[%mul3A_2] : memref<320000xi32, #tpu.memory_space<hbm>> -> memref<80xi32, #tpu.memory_space<hbm>>
    %dma_wait3A_48 = tpu.memref_slice %arg3[%mul3A_2] : memref<320000xi32, #tpu.memory_space<hbm>> -> memref<80xi32, #tpu.memory_space<hbm>>
    tpu.wait_dma2 semaphore(%arg30 : memref<!tpu.dma_semaphore, #tpu.memory_space<semaphore_mem>>) src(%dma_wait3A_48 : memref<80xi32, #tpu.memory_space<hbm>>) dst(%arg9 : memref<80xi32, #tpu.memory_space<vmem>>)
    %dma_wait3A_49 = tpu.memref_slice %arg4[%mul3A_2] : memref<320000xi32, #tpu.memory_space<hbm>> -> memref<80xi32, #tpu.memory_space<hbm>>
    %dma_wait3A_50 = tpu.memref_slice %arg4[%mul3A_2] : memref<320000xi32, #tpu.memory_space<hbm>> -> memref<80xi32, #tpu.memory_space<hbm>>
    tpu.wait_dma2 semaphore(%arg30 : memref<!tpu.dma_semaphore, #tpu.memory_space<semaphore_mem>>) src(%dma_wait3A_50 : memref<80xi32, #tpu.memory_space<hbm>>) dst(%arg17 : memref<80xi32, #tpu.memory_space<vmem>>)
    %dma_start3A_51 = arith.constant 0 : i32
    %dma_start3A_52 = arith.constant 0 : i32
    %dma_start3A_53 = tpu.memref_slice %arg2[%dma_start3A_51, %dma_start3A_52] : memref<10000x128xf32, #tpu.memory_space<hbm>> -> memref<10000x128xf32, #tpu.memory_space<hbm>>
    tpu.enqueue_indirect_dma source(%dma_start3A_53 : memref<10000x128xf32, #tpu.memory_space<hbm>>) target(%arg25 : memref<80x128xf32, #tpu.memory_space<vmem>>) offsets(%arg9 : memref<80xi32, #tpu.memory_space<vmem>>) semaphore(%arg38 : memref<!tpu.dma_semaphore, #tpu.memory_space<semaphore_mem>>)
    %scan3A = arith.constant 0 : i32
    %scan3A_54 = arith.constant 0 : i32
    %scan3A_55 = arith.constant 16 : i32
    %scan3A_56 = arith.addi %scan3A_54, %scan3A_55 : i32
    %scan3A_57 = arith.constant 1 : i32
    scf.for %scan3A_66 = %scan3A_54 to %scan3A_56 step %scan3A_57  : i32 {
      %mul3A_67 = arith.constant 8 : i32
      %mul3A_68 = arith.muli %mul3A_67, %scan3A_66 : i32
      %add3A_69 = arith.constant 0 : i32
      %add3A_70 = arith.addi %mul3A_68, %add3A_69 : i32
      %lt3A = arith.constant 125 : i32
      %lt3A_71 = arith.cmpi slt, %add3A_70, %lt3A : i32
      %convert_element_type3A = arith.extui %lt3A_71 : i1 to i32
      %cond3A = arith.constant 0 : i32
      %cond3A_72 = arith.cmpi ne, %convert_element_type3A, %cond3A : i32
      scf.if %cond3A_72 {
        %ge3A = arith.constant 1 : i32
        %ge3A_136 = arith.cmpi sge, %add3A_70, %ge3A : i32
        %convert_element_type3A_137 = arith.extui %ge3A_136 : i1 to i32
        %cond3A_138 = arith.constant 0 : i32
        %cond3A_139 = arith.cmpi ne, %convert_element_type3A_137, %cond3A_138 : i32
        scf.if %cond3A_139 {
          %dma_wait3A_160 = arith.constant 0 : i32
          %dma_wait3A_161 = arith.constant 0 : i32
          %dma_wait3A_162 = tpu.memref_slice %arg27[%dma_wait3A_160, %dma_wait3A_161] : memref<10112x128xf32, #tpu.memory_space<vmem_shared>> -> memref<10112x128xf32, #tpu.memory_space<vmem_shared>>
          tpu.wait_indirect_dma semaphore(%arg43 : memref<!tpu.dma_semaphore, #tpu.memory_space<semaphore_mem>>) src(%arg26 : memref<80x128xf32, #tpu.memory_space<vmem>>) dst(%dma_wait3A_162 : memref<10112x128xf32, #tpu.memory_space<vmem_shared>>)
        } else {
        }
        %add3A_140 = arith.constant 3 : i32
        %add3A_141 = arith.addi %add3A_70, %add3A_140 : i32
        %lt3A_142 = arith.constant 125 : i32
        %lt3A_143 = arith.cmpi slt, %add3A_141, %lt3A_142 : i32
        %convert_element_type3A_144 = arith.extui %lt3A_143 : i1 to i32
        %cond3A_145 = arith.constant 0 : i32
        %cond3A_146 = arith.cmpi ne, %convert_element_type3A_144, %cond3A_145 : i32
        scf.if %cond3A_146 {
          %dma_wait3A_160 = tpu.memref_slice %arg3[%mul3A_2] : memref<320000xi32, #tpu.memory_space<hbm>> -> memref<80xi32, #tpu.memory_space<hbm>>
          %dma_wait3A_161 = tpu.memref_slice %arg3[%mul3A_2] : memref<320000xi32, #tpu.memory_space<hbm>> -> memref<80xi32, #tpu.memory_space<hbm>>
          tpu.wait_dma2 semaphore(%arg31 : memref<!tpu.dma_semaphore, #tpu.memory_space<semaphore_mem>>) src(%dma_wait3A_161 : memref<80xi32, #tpu.memory_space<hbm>>) dst(%arg10 : memref<80xi32, #tpu.memory_space<vmem>>)
          %dma_wait3A_162 = tpu.memref_slice %arg4[%mul3A_2] : memref<320000xi32, #tpu.memory_space<hbm>> -> memref<80xi32, #tpu.memory_space<hbm>>
          %dma_wait3A_163 = tpu.memref_slice %arg4[%mul3A_2] : memref<320000xi32, #tpu.memory_space<hbm>> -> memref<80xi32, #tpu.memory_space<hbm>>
          tpu.wait_dma2 semaphore(%arg31 : memref<!tpu.dma_semaphore, #tpu.memory_space<semaphore_mem>>) src(%dma_wait3A_163 : memref<80xi32, #tpu.memory_space<hbm>>) dst(%arg18 : memref<80xi32, #tpu.memory_space<vmem>>)
          %dma_start3A_164 = arith.constant 0 : i32
          %dma_start3A_165 = arith.constant 0 : i32
          %dma_start3A_166 = tpu.memref_slice %arg2[%dma_start3A_164, %dma_start3A_165] : memref<10000x128xf32, #tpu.memory_space<hbm>> -> memref<10000x128xf32, #tpu.memory_space<hbm>>
          tpu.enqueue_indirect_dma source(%dma_start3A_166 : memref<10000x128xf32, #tpu.memory_space<hbm>>) target(%arg26 : memref<80x128xf32, #tpu.memory_space<vmem>>) offsets(%arg10 : memref<80xi32, #tpu.memory_space<vmem>>) semaphore(%arg39 : memref<!tpu.dma_semaphore, #tpu.memory_space<semaphore_mem>>)
        } else {
        }
        %dma_wait3A_147 = arith.constant 0 : i32
        %dma_wait3A_148 = arith.constant 0 : i32
        %dma_wait3A_149 = tpu.memref_slice %arg2[%dma_wait3A_147, %dma_wait3A_148] : memref<10000x128xf32, #tpu.memory_space<hbm>> -> memref<10000x128xf32, #tpu.memory_space<hbm>>
        tpu.wait_indirect_dma semaphore(%arg36 : memref<!tpu.dma_semaphore, #tpu.memory_space<semaphore_mem>>) src(%dma_wait3A_149 : memref<10000x128xf32, #tpu.memory_space<hbm>>) dst(%arg23 : memref<80x128xf32, #tpu.memory_space<vmem>>)
        %dma_start3A_150 = arith.constant 0 : i32
        %dma_start3A_151 = arith.constant 0 : i32
        %dma_start3A_152 = tpu.memref_slice %arg27[%dma_start3A_150, %dma_start3A_151] : memref<10112x128xf32, #tpu.memory_space<vmem_shared>> -> memref<10112x128xf32, #tpu.memory_space<vmem_shared>>
        tpu.enqueue_indirect_dma source(%arg23 : memref<80x128xf32, #tpu.memory_space<vmem>>) target(%dma_start3A_152 : memref<10112x128xf32, #tpu.memory_space<vmem_shared>>) offsets(%arg15 : memref<80xi32, #tpu.memory_space<vmem>>) semaphore(%arg40 : memref<!tpu.dma_semaphore, #tpu.memory_space<semaphore_mem>>) {add = true}
        %add3A_153 = arith.constant 5 : i32
        %add3A_154 = arith.addi %add3A_70, %add3A_153 : i32
        %lt3A_155 = arith.constant 125 : i32
        %lt3A_156 = arith.cmpi slt, %add3A_154, %lt3A_155 : i32
        %convert_element_type3A_157 = arith.extui %lt3A_156 : i1 to i32
        %cond3A_158 = arith.constant 0 : i32
        %cond3A_159 = arith.cmpi ne, %convert_element_type3A_157, %cond3A_158 : i32
        scf.if %cond3A_159 {
          %add3A_160 = arith.constant 5 : i32
          %add3A_161 = arith.addi %add3A_70, %add3A_160 : i32
          %mul3A_162 = arith.constant 80 : i32
          %mul3A_163 = arith.muli %add3A_161, %mul3A_162 : i32
          %add3A_164 = arith.addi %mul3A_2, %mul3A_163 : i32
          %dma_start3A_165 = tpu.memref_slice %arg3[%add3A_164] : memref<320000xi32, #tpu.memory_space<hbm>> -> memref<80xi32, #tpu.memory_space<hbm>>
          %dma_start3A_166 = tpu.memref_slice %arg3[%add3A_164] : memref<320000xi32, #tpu.memory_space<hbm>> -> memref<80xi32, #tpu.memory_space<hbm>>
          tpu.enqueue_dma source(%dma_start3A_166 : memref<80xi32, #tpu.memory_space<hbm>>) target(%arg12 : memref<80xi32, #tpu.memory_space<vmem>>) target_semaphore(%arg33 : memref<!tpu.dma_semaphore, #tpu.memory_space<semaphore_mem>>)
          %dma_start3A_167 = tpu.memref_slice %arg4[%add3A_164] : memref<320000xi32, #tpu.memory_space<hbm>> -> memref<80xi32, #tpu.memory_space<hbm>>
          %dma_start3A_168 = tpu.memref_slice %arg4[%add3A_164] : memref<320000xi32, #tpu.memory_space<hbm>> -> memref<80xi32, #tpu.memory_space<hbm>>
          tpu.enqueue_dma source(%dma_start3A_168 : memref<80xi32, #tpu.memory_space<hbm>>) target(%arg20 : memref<80xi32, #tpu.memory_space<vmem>>) target_semaphore(%arg33 : memref<!tpu.dma_semaphore, #tpu.memory_space<semaphore_mem>>)
        } else {
        }
      } else {
      }
      %mul3A_73 = arith.constant 8 : i32
      %mul3A_74 = arith.muli %mul3A_73, %scan3A_66 : i32
      %add3A_75 = arith.constant 1 : i32
      %add3A_76 = arith.addi %mul3A_74, %add3A_75 : i32
      %lt3A_77 = arith.constant 125 : i32
      %lt3A_78 = arith.cmpi slt, %add3A_76, %lt3A_77 : i32
      %convert_element_type3A_79 = arith.extui %lt3A_78 : i1 to i32
      %cond3A_80 = arith.constant 0 : i32
      %cond3A_81 = arith.cmpi ne, %convert_element_type3A_79, %cond3A_80 : i32
      scf.if %cond3A_81 {
        %ge3A = arith.constant 1 : i32
        %ge3A_136 = arith.cmpi sge, %add3A_76, %ge3A : i32
        %convert_element_type3A_137 = arith.extui %ge3A_136 : i1 to i32
        %cond3A_138 = arith.constant 0 : i32
        %cond3A_139 = arith.cmpi ne, %convert_element_type3A_137, %cond3A_138 : i32
        scf.if %cond3A_139 {
          %dma_wait3A_160 = arith.constant 0 : i32
          %dma_wait3A_161 = arith.constant 0 : i32
          %dma_wait3A_162 = tpu.memref_slice %arg27[%dma_wait3A_160, %dma_wait3A_161] : memref<10112x128xf32, #tpu.memory_space<vmem_shared>> -> memref<10112x128xf32, #tpu.memory_space<vmem_shared>>
          tpu.wait_indirect_dma semaphore(%arg40 : memref<!tpu.dma_semaphore, #tpu.memory_space<semaphore_mem>>) src(%arg23 : memref<80x128xf32, #tpu.memory_space<vmem>>) dst(%dma_wait3A_162 : memref<10112x128xf32, #tpu.memory_space<vmem_shared>>)
        } else {
        }
        %add3A_140 = arith.constant 3 : i32
        %add3A_141 = arith.addi %add3A_76, %add3A_140 : i32
        %lt3A_142 = arith.constant 125 : i32
        %lt3A_143 = arith.cmpi slt, %add3A_141, %lt3A_142 : i32
        %convert_element_type3A_144 = arith.extui %lt3A_143 : i1 to i32
        %cond3A_145 = arith.constant 0 : i32
        %cond3A_146 = arith.cmpi ne, %convert_element_type3A_144, %cond3A_145 : i32
        scf.if %cond3A_146 {
          %dma_wait3A_160 = tpu.memref_slice %arg3[%mul3A_2] : memref<320000xi32, #tpu.memory_space<hbm>> -> memref<80xi32, #tpu.memory_space<hbm>>
          %dma_wait3A_161 = tpu.memref_slice %arg3[%mul3A_2] : memref<320000xi32, #tpu.memory_space<hbm>> -> memref<80xi32, #tpu.memory_space<hbm>>
          tpu.wait_dma2 semaphore(%arg32 : memref<!tpu.dma_semaphore, #tpu.memory_space<semaphore_mem>>) src(%dma_wait3A_161 : memref<80xi32, #tpu.memory_space<hbm>>) dst(%arg11 : memref<80xi32, #tpu.memory_space<vmem>>)
          %dma_wait3A_162 = tpu.memref_slice %arg4[%mul3A_2] : memref<320000xi32, #tpu.memory_space<hbm>> -> memref<80xi32, #tpu.memory_space<hbm>>
          %dma_wait3A_163 = tpu.memref_slice %arg4[%mul3A_2] : memref<320000xi32, #tpu.memory_space<hbm>> -> memref<80xi32, #tpu.memory_space<hbm>>
          tpu.wait_dma2 semaphore(%arg32 : memref<!tpu.dma_semaphore, #tpu.memory_space<semaphore_mem>>) src(%dma_wait3A_163 : memref<80xi32, #tpu.memory_space<hbm>>) dst(%arg19 : memref<80xi32, #tpu.memory_space<vmem>>)
          %dma_start3A_164 = arith.constant 0 : i32
          %dma_start3A_165 = arith.constant 0 : i32
          %dma_start3A_166 = tpu.memref_slice %arg2[%dma_start3A_164, %dma_start3A_165] : memref<10000x128xf32, #tpu.memory_space<hbm>> -> memref<10000x128xf32, #tpu.memory_space<hbm>>
          tpu.enqueue_indirect_dma source(%dma_start3A_166 : memref<10000x128xf32, #tpu.memory_space<hbm>>) target(%arg23 : memref<80x128xf32, #tpu.memory_space<vmem>>) offsets(%arg11 : memref<80xi32, #tpu.memory_space<vmem>>) semaphore(%arg36 : memref<!tpu.dma_semaphore, #tpu.memory_space<semaphore_mem>>)
        } else {
        }
        %dma_wait3A_147 = arith.constant 0 : i32
        %dma_wait3A_148 = arith.constant 0 : i32
        %dma_wait3A_149 = tpu.memref_slice %arg2[%dma_wait3A_147, %dma_wait3A_148] : memref<10000x128xf32, #tpu.memory_space<hbm>> -> memref<10000x128xf32, #tpu.memory_space<hbm>>
        tpu.wait_indirect_dma semaphore(%arg37 : memref<!tpu.dma_semaphore, #tpu.memory_space<semaphore_mem>>) src(%dma_wait3A_149 : memref<10000x128xf32, #tpu.memory_space<hbm>>) dst(%arg24 : memref<80x128xf32, #tpu.memory_space<vmem>>)
        %dma_start3A_150 = arith.constant 0 : i32
        %dma_start3A_151 = arith.constant 0 : i32
        %dma_start3A_152 = tpu.memref_slice %arg27[%dma_start3A_150, %dma_start3A_151] : memref<10112x128xf32, #tpu.memory_space<vmem_shared>> -> memref<10112x128xf32, #tpu.memory_space<vmem_shared>>
        tpu.enqueue_indirect_dma source(%arg24 : memref<80x128xf32, #tpu.memory_space<vmem>>) target(%dma_start3A_152 : memref<10112x128xf32, #tpu.memory_space<vmem_shared>>) offsets(%arg16 : memref<80xi32, #tpu.memory_space<vmem>>) semaphore(%arg41 : memref<!tpu.dma_semaphore, #tpu.memory_space<semaphore_mem>>) {add = true}
        %add3A_153 = arith.constant 5 : i32
        %add3A_154 = arith.addi %add3A_76, %add3A_153 : i32
        %lt3A_155 = arith.constant 125 : i32
        %lt3A_156 = arith.cmpi slt, %add3A_154, %lt3A_155 : i32
        %convert_element_type3A_157 = arith.extui %lt3A_156 : i1 to i32
        %cond3A_158 = arith.constant 0 : i32
        %cond3A_159 = arith.cmpi ne, %convert_element_type3A_157, %cond3A_158 : i32
        scf.if %cond3A_159 {
          %add3A_160 = arith.constant 5 : i32
          %add3A_161 = arith.addi %add3A_76, %add3A_160 : i32
          %mul3A_162 = arith.constant 80 : i32
          %mul3A_163 = arith.muli %add3A_161, %mul3A_162 : i32
          %add3A_164 = arith.addi %mul3A_2, %mul3A_163 : i32
          %dma_start3A_165 = tpu.memref_slice %arg3[%add3A_164] : memref<320000xi32, #tpu.memory_space<hbm>> -> memref<80xi32, #tpu.memory_space<hbm>>
          %dma_start3A_166 = tpu.memref_slice %arg3[%add3A_164] : memref<320000xi32, #tpu.memory_space<hbm>> -> memref<80xi32, #tpu.memory_space<hbm>>
          tpu.enqueue_dma source(%dma_start3A_166 : memref<80xi32, #tpu.memory_space<hbm>>) target(%arg13 : memref<80xi32, #tpu.memory_space<vmem>>) target_semaphore(%arg34 : memref<!tpu.dma_semaphore, #tpu.memory_space<semaphore_mem>>)
          %dma_start3A_167 = tpu.memref_slice %arg4[%add3A_164] : memref<320000xi32, #tpu.memory_space<hbm>> -> memref<80xi32, #tpu.memory_space<hbm>>
          %dma_start3A_168 = tpu.memref_slice %arg4[%add3A_164] : memref<320000xi32, #tpu.memory_space<hbm>> -> memref<80xi32, #tpu.memory_space<hbm>>
          tpu.enqueue_dma source(%dma_start3A_168 : memref<80xi32, #tpu.memory_space<hbm>>) target(%arg21 : memref<80xi32, #tpu.memory_space<vmem>>) target_semaphore(%arg34 : memref<!tpu.dma_semaphore, #tpu.memory_space<semaphore_mem>>)
        } else {
        }
      } else {
      }
      %mul3A_82 = arith.constant 8 : i32
      %mul3A_83 = arith.muli %mul3A_82, %scan3A_66 : i32
      %add3A_84 = arith.constant 2 : i32
      %add3A_85 = arith.addi %mul3A_83, %add3A_84 : i32
      %lt3A_86 = arith.constant 125 : i32
      %lt3A_87 = arith.cmpi slt, %add3A_85, %lt3A_86 : i32
      %convert_element_type3A_88 = arith.extui %lt3A_87 : i1 to i32
      %cond3A_89 = arith.constant 0 : i32
      %cond3A_90 = arith.cmpi ne, %convert_element_type3A_88, %cond3A_89 : i32
      scf.if %cond3A_90 {
        %ge3A = arith.constant 1 : i32
        %ge3A_136 = arith.cmpi sge, %add3A_85, %ge3A : i32
        %convert_element_type3A_137 = arith.extui %ge3A_136 : i1 to i32
        %cond3A_138 = arith.constant 0 : i32
        %cond3A_139 = arith.cmpi ne, %convert_element_type3A_137, %cond3A_138 : i32
        scf.if %cond3A_139 {
          %dma_wait3A_160 = arith.constant 0 : i32
          %dma_wait3A_161 = arith.constant 0 : i32
          %dma_wait3A_162 = tpu.memref_slice %arg27[%dma_wait3A_160, %dma_wait3A_161] : memref<10112x128xf32, #tpu.memory_space<vmem_shared>> -> memref<10112x128xf32, #tpu.memory_space<vmem_shared>>
          tpu.wait_indirect_dma semaphore(%arg41 : memref<!tpu.dma_semaphore, #tpu.memory_space<semaphore_mem>>) src(%arg24 : memref<80x128xf32, #tpu.memory_space<vmem>>) dst(%dma_wait3A_162 : memref<10112x128xf32, #tpu.memory_space<vmem_shared>>)
        } else {
        }
        %add3A_140 = arith.constant 3 : i32
        %add3A_141 = arith.addi %add3A_85, %add3A_140 : i32
        %lt3A_142 = arith.constant 125 : i32
        %lt3A_143 = arith.cmpi slt, %add3A_141, %lt3A_142 : i32
        %convert_element_type3A_144 = arith.extui %lt3A_143 : i1 to i32
        %cond3A_145 = arith.constant 0 : i32
        %cond3A_146 = arith.cmpi ne, %convert_element_type3A_144, %cond3A_145 : i32
        scf.if %cond3A_146 {
          %dma_wait3A_160 = tpu.memref_slice %arg3[%mul3A_2] : memref<320000xi32, #tpu.memory_space<hbm>> -> memref<80xi32, #tpu.memory_space<hbm>>
          %dma_wait3A_161 = tpu.memref_slice %arg3[%mul3A_2] : memref<320000xi32, #tpu.memory_space<hbm>> -> memref<80xi32, #tpu.memory_space<hbm>>
          tpu.wait_dma2 semaphore(%arg33 : memref<!tpu.dma_semaphore, #tpu.memory_space<semaphore_mem>>) src(%dma_wait3A_161 : memref<80xi32, #tpu.memory_space<hbm>>) dst(%arg12 : memref<80xi32, #tpu.memory_space<vmem>>)
          %dma_wait3A_162 = tpu.memref_slice %arg4[%mul3A_2] : memref<320000xi32, #tpu.memory_space<hbm>> -> memref<80xi32, #tpu.memory_space<hbm>>
          %dma_wait3A_163 = tpu.memref_slice %arg4[%mul3A_2] : memref<320000xi32, #tpu.memory_space<hbm>> -> memref<80xi32, #tpu.memory_space<hbm>>
          tpu.wait_dma2 semaphore(%arg33 : memref<!tpu.dma_semaphore, #tpu.memory_space<semaphore_mem>>) src(%dma_wait3A_163 : memref<80xi32, #tpu.memory_space<hbm>>) dst(%arg20 : memref<80xi32, #tpu.memory_space<vmem>>)
          %dma_start3A_164 = arith.constant 0 : i32
          %dma_start3A_165 = arith.constant 0 : i32
          %dma_start3A_166 = tpu.memref_slice %arg2[%dma_start3A_164, %dma_start3A_165] : memref<10000x128xf32, #tpu.memory_space<hbm>> -> memref<10000x128xf32, #tpu.memory_space<hbm>>
          tpu.enqueue_indirect_dma source(%dma_start3A_166 : memref<10000x128xf32, #tpu.memory_space<hbm>>) target(%arg24 : memref<80x128xf32, #tpu.memory_space<vmem>>) offsets(%arg12 : memref<80xi32, #tpu.memory_space<vmem>>) semaphore(%arg37 : memref<!tpu.dma_semaphore, #tpu.memory_space<semaphore_mem>>)
        } else {
        }
        %dma_wait3A_147 = arith.constant 0 : i32
        %dma_wait3A_148 = arith.constant 0 : i32
        %dma_wait3A_149 = tpu.memref_slice %arg2[%dma_wait3A_147, %dma_wait3A_148] : memref<10000x128xf32, #tpu.memory_space<hbm>> -> memref<10000x128xf32, #tpu.memory_space<hbm>>
        tpu.wait_indirect_dma semaphore(%arg38 : memref<!tpu.dma_semaphore, #tpu.memory_space<semaphore_mem>>) src(%dma_wait3A_149 : memref<10000x128xf32, #tpu.memory_space<hbm>>) dst(%arg25 : memref<80x128xf32, #tpu.memory_space<vmem>>)
        %dma_start3A_150 = arith.constant 0 : i32
        %dma_start3A_151 = arith.constant 0 : i32
        %dma_start3A_152 = tpu.memref_slice %arg27[%dma_start3A_150, %dma_start3A_151] : memref<10112x128xf32, #tpu.memory_space<vmem_shared>> -> memref<10112x128xf32, #tpu.memory_space<vmem_shared>>
        tpu.enqueue_indirect_dma source(%arg25 : memref<80x128xf32, #tpu.memory_space<vmem>>) target(%dma_start3A_152 : memref<10112x128xf32, #tpu.memory_space<vmem_shared>>) offsets(%arg17 : memref<80xi32, #tpu.memory_space<vmem>>) semaphore(%arg42 : memref<!tpu.dma_semaphore, #tpu.memory_space<semaphore_mem>>) {add = true}
        %add3A_153 = arith.constant 5 : i32
        %add3A_154 = arith.addi %add3A_85, %add3A_153 : i32
        %lt3A_155 = arith.constant 125 : i32
        %lt3A_156 = arith.cmpi slt, %add3A_154, %lt3A_155 : i32
        %convert_element_type3A_157 = arith.extui %lt3A_156 : i1 to i32
        %cond3A_158 = arith.constant 0 : i32
        %cond3A_159 = arith.cmpi ne, %convert_element_type3A_157, %cond3A_158 : i32
        scf.if %cond3A_159 {
          %add3A_160 = arith.constant 5 : i32
          %add3A_161 = arith.addi %add3A_85, %add3A_160 : i32
          %mul3A_162 = arith.constant 80 : i32
          %mul3A_163 = arith.muli %add3A_161, %mul3A_162 : i32
          %add3A_164 = arith.addi %mul3A_2, %mul3A_163 : i32
          %dma_start3A_165 = tpu.memref_slice %arg3[%add3A_164] : memref<320000xi32, #tpu.memory_space<hbm>> -> memref<80xi32, #tpu.memory_space<hbm>>
          %dma_start3A_166 = tpu.memref_slice %arg3[%add3A_164] : memref<320000xi32, #tpu.memory_space<hbm>> -> memref<80xi32, #tpu.memory_space<hbm>>
          tpu.enqueue_dma source(%dma_start3A_166 : memref<80xi32, #tpu.memory_space<hbm>>) target(%arg14 : memref<80xi32, #tpu.memory_space<vmem>>) target_semaphore(%arg35 : memref<!tpu.dma_semaphore, #tpu.memory_space<semaphore_mem>>)
          %dma_start3A_167 = tpu.memref_slice %arg4[%add3A_164] : memref<320000xi32, #tpu.memory_space<hbm>> -> memref<80xi32, #tpu.memory_space<hbm>>
          %dma_start3A_168 = tpu.memref_slice %arg4[%add3A_164] : memref<320000xi32, #tpu.memory_space<hbm>> -> memref<80xi32, #tpu.memory_space<hbm>>
          tpu.enqueue_dma source(%dma_start3A_168 : memref<80xi32, #tpu.memory_space<hbm>>) target(%arg22 : memref<80xi32, #tpu.memory_space<vmem>>) target_semaphore(%arg35 : memref<!tpu.dma_semaphore, #tpu.memory_space<semaphore_mem>>)
        } else {
        }
      } else {
      }
      %mul3A_91 = arith.constant 8 : i32
      %mul3A_92 = arith.muli %mul3A_91, %scan3A_66 : i32
      %add3A_93 = arith.constant 3 : i32
      %add3A_94 = arith.addi %mul3A_92, %add3A_93 : i32
      %lt3A_95 = arith.constant 125 : i32
      %lt3A_96 = arith.cmpi slt, %add3A_94, %lt3A_95 : i32
      %convert_element_type3A_97 = arith.extui %lt3A_96 : i1 to i32
      %cond3A_98 = arith.constant 0 : i32
      %cond3A_99 = arith.cmpi ne, %convert_element_type3A_97, %cond3A_98 : i32
      scf.if %cond3A_99 {
        %ge3A = arith.constant 1 : i32
        %ge3A_136 = arith.cmpi sge, %add3A_94, %ge3A : i32
        %convert_element_type3A_137 = arith.extui %ge3A_136 : i1 to i32
        %cond3A_138 = arith.constant 0 : i32
        %cond3A_139 = arith.cmpi ne, %convert_element_type3A_137, %cond3A_138 : i32
        scf.if %cond3A_139 {
          %dma_wait3A_160 = arith.constant 0 : i32
          %dma_wait3A_161 = arith.constant 0 : i32
          %dma_wait3A_162 = tpu.memref_slice %arg27[%dma_wait3A_160, %dma_wait3A_161] : memref<10112x128xf32, #tpu.memory_space<vmem_shared>> -> memref<10112x128xf32, #tpu.memory_space<vmem_shared>>
          tpu.wait_indirect_dma semaphore(%arg42 : memref<!tpu.dma_semaphore, #tpu.memory_space<semaphore_mem>>) src(%arg25 : memref<80x128xf32, #tpu.memory_space<vmem>>) dst(%dma_wait3A_162 : memref<10112x128xf32, #tpu.memory_space<vmem_shared>>)
        } else {
        }
        %add3A_140 = arith.constant 3 : i32
        %add3A_141 = arith.addi %add3A_94, %add3A_140 : i32
        %lt3A_142 = arith.constant 125 : i32
        %lt3A_143 = arith.cmpi slt, %add3A_141, %lt3A_142 : i32
        %convert_element_type3A_144 = arith.extui %lt3A_143 : i1 to i32
        %cond3A_145 = arith.constant 0 : i32
        %cond3A_146 = arith.cmpi ne, %convert_element_type3A_144, %cond3A_145 : i32
        scf.if %cond3A_146 {
          %dma_wait3A_160 = tpu.memref_slice %arg3[%mul3A_2] : memref<320000xi32, #tpu.memory_space<hbm>> -> memref<80xi32, #tpu.memory_space<hbm>>
          %dma_wait3A_161 = tpu.memref_slice %arg3[%mul3A_2] : memref<320000xi32, #tpu.memory_space<hbm>> -> memref<80xi32, #tpu.memory_space<hbm>>
          tpu.wait_dma2 semaphore(%arg34 : memref<!tpu.dma_semaphore, #tpu.memory_space<semaphore_mem>>) src(%dma_wait3A_161 : memref<80xi32, #tpu.memory_space<hbm>>) dst(%arg13 : memref<80xi32, #tpu.memory_space<vmem>>)
          %dma_wait3A_162 = tpu.memref_slice %arg4[%mul3A_2] : memref<320000xi32, #tpu.memory_space<hbm>> -> memref<80xi32, #tpu.memory_space<hbm>>
          %dma_wait3A_163 = tpu.memref_slice %arg4[%mul3A_2] : memref<320000xi32, #tpu.memory_space<hbm>> -> memref<80xi32, #tpu.memory_space<hbm>>
          tpu.wait_dma2 semaphore(%arg34 : memref<!tpu.dma_semaphore, #tpu.memory_space<semaphore_mem>>) src(%dma_wait3A_163 : memref<80xi32, #tpu.memory_space<hbm>>) dst(%arg21 : memref<80xi32, #tpu.memory_space<vmem>>)
          %dma_start3A_164 = arith.constant 0 : i32
          %dma_start3A_165 = arith.constant 0 : i32
          %dma_start3A_166 = tpu.memref_slice %arg2[%dma_start3A_164, %dma_start3A_165] : memref<10000x128xf32, #tpu.memory_space<hbm>> -> memref<10000x128xf32, #tpu.memory_space<hbm>>
          tpu.enqueue_indirect_dma source(%dma_start3A_166 : memref<10000x128xf32, #tpu.memory_space<hbm>>) target(%arg25 : memref<80x128xf32, #tpu.memory_space<vmem>>) offsets(%arg13 : memref<80xi32, #tpu.memory_space<vmem>>) semaphore(%arg38 : memref<!tpu.dma_semaphore, #tpu.memory_space<semaphore_mem>>)
        } else {
        }
        %dma_wait3A_147 = arith.constant 0 : i32
        %dma_wait3A_148 = arith.constant 0 : i32
        %dma_wait3A_149 = tpu.memref_slice %arg2[%dma_wait3A_147, %dma_wait3A_148] : memref<10000x128xf32, #tpu.memory_space<hbm>> -> memref<10000x128xf32, #tpu.memory_space<hbm>>
        tpu.wait_indirect_dma semaphore(%arg39 : memref<!tpu.dma_semaphore, #tpu.memory_space<semaphore_mem>>) src(%dma_wait3A_149 : memref<10000x128xf32, #tpu.memory_space<hbm>>) dst(%arg26 : memref<80x128xf32, #tpu.memory_space<vmem>>)
        %dma_start3A_150 = arith.constant 0 : i32
        %dma_start3A_151 = arith.constant 0 : i32
        %dma_start3A_152 = tpu.memref_slice %arg27[%dma_start3A_150, %dma_start3A_151] : memref<10112x128xf32, #tpu.memory_space<vmem_shared>> -> memref<10112x128xf32, #tpu.memory_space<vmem_shared>>
        tpu.enqueue_indirect_dma source(%arg26 : memref<80x128xf32, #tpu.memory_space<vmem>>) target(%dma_start3A_152 : memref<10112x128xf32, #tpu.memory_space<vmem_shared>>) offsets(%arg18 : memref<80xi32, #tpu.memory_space<vmem>>) semaphore(%arg43 : memref<!tpu.dma_semaphore, #tpu.memory_space<semaphore_mem>>) {add = true}
        %add3A_153 = arith.constant 5 : i32
        %add3A_154 = arith.addi %add3A_94, %add3A_153 : i32
        %lt3A_155 = arith.constant 125 : i32
        %lt3A_156 = arith.cmpi slt, %add3A_154, %lt3A_155 : i32
        %convert_element_type3A_157 = arith.extui %lt3A_156 : i1 to i32
        %cond3A_158 = arith.constant 0 : i32
        %cond3A_159 = arith.cmpi ne, %convert_element_type3A_157, %cond3A_158 : i32
        scf.if %cond3A_159 {
          %add3A_160 = arith.constant 5 : i32
          %add3A_161 = arith.addi %add3A_94, %add3A_160 : i32
          %mul3A_162 = arith.constant 80 : i32
          %mul3A_163 = arith.muli %add3A_161, %mul3A_162 : i32
          %add3A_164 = arith.addi %mul3A_2, %mul3A_163 : i32
          %dma_start3A_165 = tpu.memref_slice %arg3[%add3A_164] : memref<320000xi32, #tpu.memory_space<hbm>> -> memref<80xi32, #tpu.memory_space<hbm>>
          %dma_start3A_166 = tpu.memref_slice %arg3[%add3A_164] : memref<320000xi32, #tpu.memory_space<hbm>> -> memref<80xi32, #tpu.memory_space<hbm>>
          tpu.enqueue_dma source(%dma_start3A_166 : memref<80xi32, #tpu.memory_space<hbm>>) target(%arg7 : memref<80xi32, #tpu.memory_space<vmem>>) target_semaphore(%arg28 : memref<!tpu.dma_semaphore, #tpu.memory_space<semaphore_mem>>)
          %dma_start3A_167 = tpu.memref_slice %arg4[%add3A_164] : memref<320000xi32, #tpu.memory_space<hbm>> -> memref<80xi32, #tpu.memory_space<hbm>>
          %dma_start3A_168 = tpu.memref_slice %arg4[%add3A_164] : memref<320000xi32, #tpu.memory_space<hbm>> -> memref<80xi32, #tpu.memory_space<hbm>>
          tpu.enqueue_dma source(%dma_start3A_168 : memref<80xi32, #tpu.memory_space<hbm>>) target(%arg15 : memref<80xi32, #tpu.memory_space<vmem>>) target_semaphore(%arg28 : memref<!tpu.dma_semaphore, #tpu.memory_space<semaphore_mem>>)
        } else {
        }
      } else {
      }
      %mul3A_100 = arith.constant 8 : i32
      %mul3A_101 = arith.muli %mul3A_100, %scan3A_66 : i32
      %add3A_102 = arith.constant 4 : i32
      %add3A_103 = arith.addi %mul3A_101, %add3A_102 : i32
      %lt3A_104 = arith.constant 125 : i32
      %lt3A_105 = arith.cmpi slt, %add3A_103, %lt3A_104 : i32
      %convert_element_type3A_106 = arith.extui %lt3A_105 : i1 to i32
      %cond3A_107 = arith.constant 0 : i32
      %cond3A_108 = arith.cmpi ne, %convert_element_type3A_106, %cond3A_107 : i32
      scf.if %cond3A_108 {
        %ge3A = arith.constant 1 : i32
        %ge3A_136 = arith.cmpi sge, %add3A_103, %ge3A : i32
        %convert_element_type3A_137 = arith.extui %ge3A_136 : i1 to i32
        %cond3A_138 = arith.constant 0 : i32
        %cond3A_139 = arith.cmpi ne, %convert_element_type3A_137, %cond3A_138 : i32
        scf.if %cond3A_139 {
          %dma_wait3A_160 = arith.constant 0 : i32
          %dma_wait3A_161 = arith.constant 0 : i32
          %dma_wait3A_162 = tpu.memref_slice %arg27[%dma_wait3A_160, %dma_wait3A_161] : memref<10112x128xf32, #tpu.memory_space<vmem_shared>> -> memref<10112x128xf32, #tpu.memory_space<vmem_shared>>
          tpu.wait_indirect_dma semaphore(%arg43 : memref<!tpu.dma_semaphore, #tpu.memory_space<semaphore_mem>>) src(%arg26 : memref<80x128xf32, #tpu.memory_space<vmem>>) dst(%dma_wait3A_162 : memref<10112x128xf32, #tpu.memory_space<vmem_shared>>)
        } else {
        }
        %add3A_140 = arith.constant 3 : i32
        %add3A_141 = arith.addi %add3A_103, %add3A_140 : i32
        %lt3A_142 = arith.constant 125 : i32
        %lt3A_143 = arith.cmpi slt, %add3A_141, %lt3A_142 : i32
        %convert_element_type3A_144 = arith.extui %lt3A_143 : i1 to i32
        %cond3A_145 = arith.constant 0 : i32
        %cond3A_146 = arith.cmpi ne, %convert_element_type3A_144, %cond3A_145 : i32
        scf.if %cond3A_146 {
          %dma_wait3A_160 = tpu.memref_slice %arg3[%mul3A_2] : memref<320000xi32, #tpu.memory_space<hbm>> -> memref<80xi32, #tpu.memory_space<hbm>>
          %dma_wait3A_161 = tpu.memref_slice %arg3[%mul3A_2] : memref<320000xi32, #tpu.memory_space<hbm>> -> memref<80xi32, #tpu.memory_space<hbm>>
          tpu.wait_dma2 semaphore(%arg35 : memref<!tpu.dma_semaphore, #tpu.memory_space<semaphore_mem>>) src(%dma_wait3A_161 : memref<80xi32, #tpu.memory_space<hbm>>) dst(%arg14 : memref<80xi32, #tpu.memory_space<vmem>>)
          %dma_wait3A_162 = tpu.memref_slice %arg4[%mul3A_2] : memref<320000xi32, #tpu.memory_space<hbm>> -> memref<80xi32, #tpu.memory_space<hbm>>
          %dma_wait3A_163 = tpu.memref_slice %arg4[%mul3A_2] : memref<320000xi32, #tpu.memory_space<hbm>> -> memref<80xi32, #tpu.memory_space<hbm>>
          tpu.wait_dma2 semaphore(%arg35 : memref<!tpu.dma_semaphore, #tpu.memory_space<semaphore_mem>>) src(%dma_wait3A_163 : memref<80xi32, #tpu.memory_space<hbm>>) dst(%arg22 : memref<80xi32, #tpu.memory_space<vmem>>)
          %dma_start3A_164 = arith.constant 0 : i32
          %dma_start3A_165 = arith.constant 0 : i32
          %dma_start3A_166 = tpu.memref_slice %arg2[%dma_start3A_164, %dma_start3A_165] : memref<10000x128xf32, #tpu.memory_space<hbm>> -> memref<10000x128xf32, #tpu.memory_space<hbm>>
          tpu.enqueue_indirect_dma source(%dma_start3A_166 : memref<10000x128xf32, #tpu.memory_space<hbm>>) target(%arg26 : memref<80x128xf32, #tpu.memory_space<vmem>>) offsets(%arg14 : memref<80xi32, #tpu.memory_space<vmem>>) semaphore(%arg39 : memref<!tpu.dma_semaphore, #tpu.memory_space<semaphore_mem>>)
        } else {
        }
        %dma_wait3A_147 = arith.constant 0 : i32
        %dma_wait3A_148 = arith.constant 0 : i32
        %dma_wait3A_149 = tpu.memref_slice %arg2[%dma_wait3A_147, %dma_wait3A_148] : memref<10000x128xf32, #tpu.memory_space<hbm>> -> memref<10000x128xf32, #tpu.memory_space<hbm>>
        tpu.wait_indirect_dma semaphore(%arg36 : memref<!tpu.dma_semaphore, #tpu.memory_space<semaphore_mem>>) src(%dma_wait3A_149 : memref<10000x128xf32, #tpu.memory_space<hbm>>) dst(%arg23 : memref<80x128xf32, #tpu.memory_space<vmem>>)
        %dma_start3A_150 = arith.constant 0 : i32
        %dma_start3A_151 = arith.constant 0 : i32
        %dma_start3A_152 = tpu.memref_slice %arg27[%dma_start3A_150, %dma_start3A_151] : memref<10112x128xf32, #tpu.memory_space<vmem_shared>> -> memref<10112x128xf32, #tpu.memory_space<vmem_shared>>
        tpu.enqueue_indirect_dma source(%arg23 : memref<80x128xf32, #tpu.memory_space<vmem>>) target(%dma_start3A_152 : memref<10112x128xf32, #tpu.memory_space<vmem_shared>>) offsets(%arg19 : memref<80xi32, #tpu.memory_space<vmem>>) semaphore(%arg40 : memref<!tpu.dma_semaphore, #tpu.memory_space<semaphore_mem>>) {add = true}
        %add3A_153 = arith.constant 5 : i32
        %add3A_154 = arith.addi %add3A_103, %add3A_153 : i32
        %lt3A_155 = arith.constant 125 : i32
        %lt3A_156 = arith.cmpi slt, %add3A_154, %lt3A_155 : i32
        %convert_element_type3A_157 = arith.extui %lt3A_156 : i1 to i32
        %cond3A_158 = arith.constant 0 : i32
        %cond3A_159 = arith.cmpi ne, %convert_element_type3A_157, %cond3A_158 : i32
        scf.if %cond3A_159 {
          %add3A_160 = arith.constant 5 : i32
          %add3A_161 = arith.addi %add3A_103, %add3A_160 : i32
          %mul3A_162 = arith.constant 80 : i32
          %mul3A_163 = arith.muli %add3A_161, %mul3A_162 : i32
          %add3A_164 = arith.addi %mul3A_2, %mul3A_163 : i32
          %dma_start3A_165 = tpu.memref_slice %arg3[%add3A_164] : memref<320000xi32, #tpu.memory_space<hbm>> -> memref<80xi32, #tpu.memory_space<hbm>>
          %dma_start3A_166 = tpu.memref_slice %arg3[%add3A_164] : memref<320000xi32, #tpu.memory_space<hbm>> -> memref<80xi32, #tpu.memory_space<hbm>>
          tpu.enqueue_dma source(%dma_start3A_166 : memref<80xi32, #tpu.memory_space<hbm>>) target(%arg8 : memref<80xi32, #tpu.memory_space<vmem>>) target_semaphore(%arg29 : memref<!tpu.dma_semaphore, #tpu.memory_space<semaphore_mem>>)
          %dma_start3A_167 = tpu.memref_slice %arg4[%add3A_164] : memref<320000xi32, #tpu.memory_space<hbm>> -> memref<80xi32, #tpu.memory_space<hbm>>
          %dma_start3A_168 = tpu.memref_slice %arg4[%add3A_164] : memref<320000xi32, #tpu.memory_space<hbm>> -> memref<80xi32, #tpu.memory_space<hbm>>
          tpu.enqueue_dma source(%dma_start3A_168 : memref<80xi32, #tpu.memory_space<hbm>>) target(%arg16 : memref<80xi32, #tpu.memory_space<vmem>>) target_semaphore(%arg29 : memref<!tpu.dma_semaphore, #tpu.memory_space<semaphore_mem>>)
        } else {
        }
      } else {
      }
      %mul3A_109 = arith.constant 8 : i32
      %mul3A_110 = arith.muli %mul3A_109, %scan3A_66 : i32
      %add3A_111 = arith.constant 5 : i32
      %add3A_112 = arith.addi %mul3A_110, %add3A_111 : i32
      %lt3A_113 = arith.constant 125 : i32
      %lt3A_114 = arith.cmpi slt, %add3A_112, %lt3A_113 : i32
      %convert_element_type3A_115 = arith.extui %lt3A_114 : i1 to i32
      %cond3A_116 = arith.constant 0 : i32
      %cond3A_117 = arith.cmpi ne, %convert_element_type3A_115, %cond3A_116 : i32
      scf.if %cond3A_117 {
        %ge3A = arith.constant 1 : i32
        %ge3A_136 = arith.cmpi sge, %add3A_112, %ge3A : i32
        %convert_element_type3A_137 = arith.extui %ge3A_136 : i1 to i32
        %cond3A_138 = arith.constant 0 : i32
        %cond3A_139 = arith.cmpi ne, %convert_element_type3A_137, %cond3A_138 : i32
        scf.if %cond3A_139 {
          %dma_wait3A_160 = arith.constant 0 : i32
          %dma_wait3A_161 = arith.constant 0 : i32
          %dma_wait3A_162 = tpu.memref_slice %arg27[%dma_wait3A_160, %dma_wait3A_161] : memref<10112x128xf32, #tpu.memory_space<vmem_shared>> -> memref<10112x128xf32, #tpu.memory_space<vmem_shared>>
          tpu.wait_indirect_dma semaphore(%arg40 : memref<!tpu.dma_semaphore, #tpu.memory_space<semaphore_mem>>) src(%arg23 : memref<80x128xf32, #tpu.memory_space<vmem>>) dst(%dma_wait3A_162 : memref<10112x128xf32, #tpu.memory_space<vmem_shared>>)
        } else {
        }
        %add3A_140 = arith.constant 3 : i32
        %add3A_141 = arith.addi %add3A_112, %add3A_140 : i32
        %lt3A_142 = arith.constant 125 : i32
        %lt3A_143 = arith.cmpi slt, %add3A_141, %lt3A_142 : i32
        %convert_element_type3A_144 = arith.extui %lt3A_143 : i1 to i32
        %cond3A_145 = arith.constant 0 : i32
        %cond3A_146 = arith.cmpi ne, %convert_element_type3A_144, %cond3A_145 : i32
        scf.if %cond3A_146 {
          %dma_wait3A_160 = tpu.memref_slice %arg3[%mul3A_2] : memref<320000xi32, #tpu.memory_space<hbm>> -> memref<80xi32, #tpu.memory_space<hbm>>
          %dma_wait3A_161 = tpu.memref_slice %arg3[%mul3A_2] : memref<320000xi32, #tpu.memory_space<hbm>> -> memref<80xi32, #tpu.memory_space<hbm>>
          tpu.wait_dma2 semaphore(%arg28 : memref<!tpu.dma_semaphore, #tpu.memory_space<semaphore_mem>>) src(%dma_wait3A_161 : memref<80xi32, #tpu.memory_space<hbm>>) dst(%arg7 : memref<80xi32, #tpu.memory_space<vmem>>)
          %dma_wait3A_162 = tpu.memref_slice %arg4[%mul3A_2] : memref<320000xi32, #tpu.memory_space<hbm>> -> memref<80xi32, #tpu.memory_space<hbm>>
          %dma_wait3A_163 = tpu.memref_slice %arg4[%mul3A_2] : memref<320000xi32, #tpu.memory_space<hbm>> -> memref<80xi32, #tpu.memory_space<hbm>>
          tpu.wait_dma2 semaphore(%arg28 : memref<!tpu.dma_semaphore, #tpu.memory_space<semaphore_mem>>) src(%dma_wait3A_163 : memref<80xi32, #tpu.memory_space<hbm>>) dst(%arg15 : memref<80xi32, #tpu.memory_space<vmem>>)
          %dma_start3A_164 = arith.constant 0 : i32
          %dma_start3A_165 = arith.constant 0 : i32
          %dma_start3A_166 = tpu.memref_slice %arg2[%dma_start3A_164, %dma_start3A_165] : memref<10000x128xf32, #tpu.memory_space<hbm>> -> memref<10000x128xf32, #tpu.memory_space<hbm>>
          tpu.enqueue_indirect_dma source(%dma_start3A_166 : memref<10000x128xf32, #tpu.memory_space<hbm>>) target(%arg23 : memref<80x128xf32, #tpu.memory_space<vmem>>) offsets(%arg7 : memref<80xi32, #tpu.memory_space<vmem>>) semaphore(%arg36 : memref<!tpu.dma_semaphore, #tpu.memory_space<semaphore_mem>>)
        } else {
        }
        %dma_wait3A_147 = arith.constant 0 : i32
        %dma_wait3A_148 = arith.constant 0 : i32
        %dma_wait3A_149 = tpu.memref_slice %arg2[%dma_wait3A_147, %dma_wait3A_148] : memref<10000x128xf32, #tpu.memory_space<hbm>> -> memref<10000x128xf32, #tpu.memory_space<hbm>>
        tpu.wait_indirect_dma semaphore(%arg37 : memref<!tpu.dma_semaphore, #tpu.memory_space<semaphore_mem>>) src(%dma_wait3A_149 : memref<10000x128xf32, #tpu.memory_space<hbm>>) dst(%arg24 : memref<80x128xf32, #tpu.memory_space<vmem>>)
        %dma_start3A_150 = arith.constant 0 : i32
        %dma_start3A_151 = arith.constant 0 : i32
        %dma_start3A_152 = tpu.memref_slice %arg27[%dma_start3A_150, %dma_start3A_151] : memref<10112x128xf32, #tpu.memory_space<vmem_shared>> -> memref<10112x128xf32, #tpu.memory_space<vmem_shared>>
        tpu.enqueue_indirect_dma source(%arg24 : memref<80x128xf32, #tpu.memory_space<vmem>>) target(%dma_start3A_152 : memref<10112x128xf32, #tpu.memory_space<vmem_shared>>) offsets(%arg20 : memref<80xi32, #tpu.memory_space<vmem>>) semaphore(%arg41 : memref<!tpu.dma_semaphore, #tpu.memory_space<semaphore_mem>>) {add = true}
        %add3A_153 = arith.constant 5 : i32
        %add3A_154 = arith.addi %add3A_112, %add3A_153 : i32
        %lt3A_155 = arith.constant 125 : i32
        %lt3A_156 = arith.cmpi slt, %add3A_154, %lt3A_155 : i32
        %convert_element_type3A_157 = arith.extui %lt3A_156 : i1 to i32
        %cond3A_158 = arith.constant 0 : i32
        %cond3A_159 = arith.cmpi ne, %convert_element_type3A_157, %cond3A_158 : i32
        scf.if %cond3A_159 {
          %add3A_160 = arith.constant 5 : i32
          %add3A_161 = arith.addi %add3A_112, %add3A_160 : i32
          %mul3A_162 = arith.constant 80 : i32
          %mul3A_163 = arith.muli %add3A_161, %mul3A_162 : i32
          %add3A_164 = arith.addi %mul3A_2, %mul3A_163 : i32
          %dma_start3A_165 = tpu.memref_slice %arg3[%add3A_164] : memref<320000xi32, #tpu.memory_space<hbm>> -> memref<80xi32, #tpu.memory_space<hbm>>
          %dma_start3A_166 = tpu.memref_slice %arg3[%add3A_164] : memref<320000xi32, #tpu.memory_space<hbm>> -> memref<80xi32, #tpu.memory_space<hbm>>
          tpu.enqueue_dma source(%dma_start3A_166 : memref<80xi32, #tpu.memory_space<hbm>>) target(%arg9 : memref<80xi32, #tpu.memory_space<vmem>>) target_semaphore(%arg30 : memref<!tpu.dma_semaphore, #tpu.memory_space<semaphore_mem>>)
          %dma_start3A_167 = tpu.memref_slice %arg4[%add3A_164] : memref<320000xi32, #tpu.memory_space<hbm>> -> memref<80xi32, #tpu.memory_space<hbm>>
          %dma_start3A_168 = tpu.memref_slice %arg4[%add3A_164] : memref<320000xi32, #tpu.memory_space<hbm>> -> memref<80xi32, #tpu.memory_space<hbm>>
          tpu.enqueue_dma source(%dma_start3A_168 : memref<80xi32, #tpu.memory_space<hbm>>) target(%arg17 : memref<80xi32, #tpu.memory_space<vmem>>) target_semaphore(%arg30 : memref<!tpu.dma_semaphore, #tpu.memory_space<semaphore_mem>>)
        } else {
        }
      } else {
      }
      %mul3A_118 = arith.constant 8 : i32
      %mul3A_119 = arith.muli %mul3A_118, %scan3A_66 : i32
      %add3A_120 = arith.constant 6 : i32
      %add3A_121 = arith.addi %mul3A_119, %add3A_120 : i32
      %lt3A_122 = arith.constant 125 : i32
      %lt3A_123 = arith.cmpi slt, %add3A_121, %lt3A_122 : i32
      %convert_element_type3A_124 = arith.extui %lt3A_123 : i1 to i32
      %cond3A_125 = arith.constant 0 : i32
      %cond3A_126 = arith.cmpi ne, %convert_element_type3A_124, %cond3A_125 : i32
      scf.if %cond3A_126 {
        %ge3A = arith.constant 1 : i32
        %ge3A_136 = arith.cmpi sge, %add3A_121, %ge3A : i32
        %convert_element_type3A_137 = arith.extui %ge3A_136 : i1 to i32
        %cond3A_138 = arith.constant 0 : i32
        %cond3A_139 = arith.cmpi ne, %convert_element_type3A_137, %cond3A_138 : i32
        scf.if %cond3A_139 {
          %dma_wait3A_160 = arith.constant 0 : i32
          %dma_wait3A_161 = arith.constant 0 : i32
          %dma_wait3A_162 = tpu.memref_slice %arg27[%dma_wait3A_160, %dma_wait3A_161] : memref<10112x128xf32, #tpu.memory_space<vmem_shared>> -> memref<10112x128xf32, #tpu.memory_space<vmem_shared>>
          tpu.wait_indirect_dma semaphore(%arg41 : memref<!tpu.dma_semaphore, #tpu.memory_space<semaphore_mem>>) src(%arg24 : memref<80x128xf32, #tpu.memory_space<vmem>>) dst(%dma_wait3A_162 : memref<10112x128xf32, #tpu.memory_space<vmem_shared>>)
        } else {
        }
        %add3A_140 = arith.constant 3 : i32
        %add3A_141 = arith.addi %add3A_121, %add3A_140 : i32
        %lt3A_142 = arith.constant 125 : i32
        %lt3A_143 = arith.cmpi slt, %add3A_141, %lt3A_142 : i32
        %convert_element_type3A_144 = arith.extui %lt3A_143 : i1 to i32
        %cond3A_145 = arith.constant 0 : i32
        %cond3A_146 = arith.cmpi ne, %convert_element_type3A_144, %cond3A_145 : i32
        scf.if %cond3A_146 {
          %dma_wait3A_160 = tpu.memref_slice %arg3[%mul3A_2] : memref<320000xi32, #tpu.memory_space<hbm>> -> memref<80xi32, #tpu.memory_space<hbm>>
          %dma_wait3A_161 = tpu.memref_slice %arg3[%mul3A_2] : memref<320000xi32, #tpu.memory_space<hbm>> -> memref<80xi32, #tpu.memory_space<hbm>>
          tpu.wait_dma2 semaphore(%arg29 : memref<!tpu.dma_semaphore, #tpu.memory_space<semaphore_mem>>) src(%dma_wait3A_161 : memref<80xi32, #tpu.memory_space<hbm>>) dst(%arg8 : memref<80xi32, #tpu.memory_space<vmem>>)
          %dma_wait3A_162 = tpu.memref_slice %arg4[%mul3A_2] : memref<320000xi32, #tpu.memory_space<hbm>> -> memref<80xi32, #tpu.memory_space<hbm>>
          %dma_wait3A_163 = tpu.memref_slice %arg4[%mul3A_2] : memref<320000xi32, #tpu.memory_space<hbm>> -> memref<80xi32, #tpu.memory_space<hbm>>
          tpu.wait_dma2 semaphore(%arg29 : memref<!tpu.dma_semaphore, #tpu.memory_space<semaphore_mem>>) src(%dma_wait3A_163 : memref<80xi32, #tpu.memory_space<hbm>>) dst(%arg16 : memref<80xi32, #tpu.memory_space<vmem>>)
          %dma_start3A_164 = arith.constant 0 : i32
          %dma_start3A_165 = arith.constant 0 : i32
          %dma_start3A_166 = tpu.memref_slice %arg2[%dma_start3A_164, %dma_start3A_165] : memref<10000x128xf32, #tpu.memory_space<hbm>> -> memref<10000x128xf32, #tpu.memory_space<hbm>>
          tpu.enqueue_indirect_dma source(%dma_start3A_166 : memref<10000x128xf32, #tpu.memory_space<hbm>>) target(%arg24 : memref<80x128xf32, #tpu.memory_space<vmem>>) offsets(%arg8 : memref<80xi32, #tpu.memory_space<vmem>>) semaphore(%arg37 : memref<!tpu.dma_semaphore, #tpu.memory_space<semaphore_mem>>)
        } else {
        }
        %dma_wait3A_147 = arith.constant 0 : i32
        %dma_wait3A_148 = arith.constant 0 : i32
        %dma_wait3A_149 = tpu.memref_slice %arg2[%dma_wait3A_147, %dma_wait3A_148] : memref<10000x128xf32, #tpu.memory_space<hbm>> -> memref<10000x128xf32, #tpu.memory_space<hbm>>
        tpu.wait_indirect_dma semaphore(%arg38 : memref<!tpu.dma_semaphore, #tpu.memory_space<semaphore_mem>>) src(%dma_wait3A_149 : memref<10000x128xf32, #tpu.memory_space<hbm>>) dst(%arg25 : memref<80x128xf32, #tpu.memory_space<vmem>>)
        %dma_start3A_150 = arith.constant 0 : i32
        %dma_start3A_151 = arith.constant 0 : i32
        %dma_start3A_152 = tpu.memref_slice %arg27[%dma_start3A_150, %dma_start3A_151] : memref<10112x128xf32, #tpu.memory_space<vmem_shared>> -> memref<10112x128xf32, #tpu.memory_space<vmem_shared>>
        tpu.enqueue_indirect_dma source(%arg25 : memref<80x128xf32, #tpu.memory_space<vmem>>) target(%dma_start3A_152 : memref<10112x128xf32, #tpu.memory_space<vmem_shared>>) offsets(%arg21 : memref<80xi32, #tpu.memory_space<vmem>>) semaphore(%arg42 : memref<!tpu.dma_semaphore, #tpu.memory_space<semaphore_mem>>) {add = true}
        %add3A_153 = arith.constant 5 : i32
        %add3A_154 = arith.addi %add3A_121, %add3A_153 : i32
        %lt3A_155 = arith.constant 125 : i32
        %lt3A_156 = arith.cmpi slt, %add3A_154, %lt3A_155 : i32
        %convert_element_type3A_157 = arith.extui %lt3A_156 : i1 to i32
        %cond3A_158 = arith.constant 0 : i32
        %cond3A_159 = arith.cmpi ne, %convert_element_type3A_157, %cond3A_158 : i32
        scf.if %cond3A_159 {
          %add3A_160 = arith.constant 5 : i32
          %add3A_161 = arith.addi %add3A_121, %add3A_160 : i32
          %mul3A_162 = arith.constant 80 : i32
          %mul3A_163 = arith.muli %add3A_161, %mul3A_162 : i32
          %add3A_164 = arith.addi %mul3A_2, %mul3A_163 : i32
          %dma_start3A_165 = tpu.memref_slice %arg3[%add3A_164] : memref<320000xi32, #tpu.memory_space<hbm>> -> memref<80xi32, #tpu.memory_space<hbm>>
          %dma_start3A_166 = tpu.memref_slice %arg3[%add3A_164] : memref<320000xi32, #tpu.memory_space<hbm>> -> memref<80xi32, #tpu.memory_space<hbm>>
          tpu.enqueue_dma source(%dma_start3A_166 : memref<80xi32, #tpu.memory_space<hbm>>) target(%arg10 : memref<80xi32, #tpu.memory_space<vmem>>) target_semaphore(%arg31 : memref<!tpu.dma_semaphore, #tpu.memory_space<semaphore_mem>>)
          %dma_start3A_167 = tpu.memref_slice %arg4[%add3A_164] : memref<320000xi32, #tpu.memory_space<hbm>> -> memref<80xi32, #tpu.memory_space<hbm>>
          %dma_start3A_168 = tpu.memref_slice %arg4[%add3A_164] : memref<320000xi32, #tpu.memory_space<hbm>> -> memref<80xi32, #tpu.memory_space<hbm>>
          tpu.enqueue_dma source(%dma_start3A_168 : memref<80xi32, #tpu.memory_space<hbm>>) target(%arg18 : memref<80xi32, #tpu.memory_space<vmem>>) target_semaphore(%arg31 : memref<!tpu.dma_semaphore, #tpu.memory_space<semaphore_mem>>)
        } else {
        }
      } else {
      }
      %mul3A_127 = arith.constant 8 : i32
      %mul3A_128 = arith.muli %mul3A_127, %scan3A_66 : i32
      %add3A_129 = arith.constant 7 : i32
      %add3A_130 = arith.addi %mul3A_128, %add3A_129 : i32
      %lt3A_131 = arith.constant 125 : i32
      %lt3A_132 = arith.cmpi slt, %add3A_130, %lt3A_131 : i32
      %convert_element_type3A_133 = arith.extui %lt3A_132 : i1 to i32
      %cond3A_134 = arith.constant 0 : i32
      %cond3A_135 = arith.cmpi ne, %convert_element_type3A_133, %cond3A_134 : i32
      scf.if %cond3A_135 {
        %ge3A = arith.constant 1 : i32
        %ge3A_136 = arith.cmpi sge, %add3A_130, %ge3A : i32
        %convert_element_type3A_137 = arith.extui %ge3A_136 : i1 to i32
        %cond3A_138 = arith.constant 0 : i32
        %cond3A_139 = arith.cmpi ne, %convert_element_type3A_137, %cond3A_138 : i32
        scf.if %cond3A_139 {
          %dma_wait3A_160 = arith.constant 0 : i32
          %dma_wait3A_161 = arith.constant 0 : i32
          %dma_wait3A_162 = tpu.memref_slice %arg27[%dma_wait3A_160, %dma_wait3A_161] : memref<10112x128xf32, #tpu.memory_space<vmem_shared>> -> memref<10112x128xf32, #tpu.memory_space<vmem_shared>>
          tpu.wait_indirect_dma semaphore(%arg42 : memref<!tpu.dma_semaphore, #tpu.memory_space<semaphore_mem>>) src(%arg25 : memref<80x128xf32, #tpu.memory_space<vmem>>) dst(%dma_wait3A_162 : memref<10112x128xf32, #tpu.memory_space<vmem_shared>>)
        } else {
        }
        %add3A_140 = arith.constant 3 : i32
        %add3A_141 = arith.addi %add3A_130, %add3A_140 : i32
        %lt3A_142 = arith.constant 125 : i32
        %lt3A_143 = arith.cmpi slt, %add3A_141, %lt3A_142 : i32
        %convert_element_type3A_144 = arith.extui %lt3A_143 : i1 to i32
        %cond3A_145 = arith.constant 0 : i32
        %cond3A_146 = arith.cmpi ne, %convert_element_type3A_144, %cond3A_145 : i32
        scf.if %cond3A_146 {
          %dma_wait3A_160 = tpu.memref_slice %arg3[%mul3A_2] : memref<320000xi32, #tpu.memory_space<hbm>> -> memref<80xi32, #tpu.memory_space<hbm>>
          %dma_wait3A_161 = tpu.memref_slice %arg3[%mul3A_2] : memref<320000xi32, #tpu.memory_space<hbm>> -> memref<80xi32, #tpu.memory_space<hbm>>
          tpu.wait_dma2 semaphore(%arg30 : memref<!tpu.dma_semaphore, #tpu.memory_space<semaphore_mem>>) src(%dma_wait3A_161 : memref<80xi32, #tpu.memory_space<hbm>>) dst(%arg9 : memref<80xi32, #tpu.memory_space<vmem>>)
          %dma_wait3A_162 = tpu.memref_slice %arg4[%mul3A_2] : memref<320000xi32, #tpu.memory_space<hbm>> -> memref<80xi32, #tpu.memory_space<hbm>>
          %dma_wait3A_163 = tpu.memref_slice %arg4[%mul3A_2] : memref<320000xi32, #tpu.memory_space<hbm>> -> memref<80xi32, #tpu.memory_space<hbm>>
          tpu.wait_dma2 semaphore(%arg30 : memref<!tpu.dma_semaphore, #tpu.memory_space<semaphore_mem>>) src(%dma_wait3A_163 : memref<80xi32, #tpu.memory_space<hbm>>) dst(%arg17 : memref<80xi32, #tpu.memory_space<vmem>>)
          %dma_start3A_164 = arith.constant 0 : i32
          %dma_start3A_165 = arith.constant 0 : i32
          %dma_start3A_166 = tpu.memref_slice %arg2[%dma_start3A_164, %dma_start3A_165] : memref<10000x128xf32, #tpu.memory_space<hbm>> -> memref<10000x128xf32, #tpu.memory_space<hbm>>
          tpu.enqueue_indirect_dma source(%dma_start3A_166 : memref<10000x128xf32, #tpu.memory_space<hbm>>) target(%arg25 : memref<80x128xf32, #tpu.memory_space<vmem>>) offsets(%arg9 : memref<80xi32, #tpu.memory_space<vmem>>) semaphore(%arg38 : memref<!tpu.dma_semaphore, #tpu.memory_space<semaphore_mem>>)
        } else {
        }
        %dma_wait3A_147 = arith.constant 0 : i32
        %dma_wait3A_148 = arith.constant 0 : i32
        %dma_wait3A_149 = tpu.memref_slice %arg2[%dma_wait3A_147, %dma_wait3A_148] : memref<10000x128xf32, #tpu.memory_space<hbm>> -> memref<10000x128xf32, #tpu.memory_space<hbm>>
        tpu.wait_indirect_dma semaphore(%arg39 : memref<!tpu.dma_semaphore, #tpu.memory_space<semaphore_mem>>) src(%dma_wait3A_149 : memref<10000x128xf32, #tpu.memory_space<hbm>>) dst(%arg26 : memref<80x128xf32, #tpu.memory_space<vmem>>)
        %dma_start3A_150 = arith.constant 0 : i32
        %dma_start3A_151 = arith.constant 0 : i32
        %dma_start3A_152 = tpu.memref_slice %arg27[%dma_start3A_150, %dma_start3A_151] : memref<10112x128xf32, #tpu.memory_space<vmem_shared>> -> memref<10112x128xf32, #tpu.memory_space<vmem_shared>>
        tpu.enqueue_indirect_dma source(%arg26 : memref<80x128xf32, #tpu.memory_space<vmem>>) target(%dma_start3A_152 : memref<10112x128xf32, #tpu.memory_space<vmem_shared>>) offsets(%arg22 : memref<80xi32, #tpu.memory_space<vmem>>) semaphore(%arg43 : memref<!tpu.dma_semaphore, #tpu.memory_space<semaphore_mem>>) {add = true}
        %add3A_153 = arith.constant 5 : i32
        %add3A_154 = arith.addi %add3A_130, %add3A_153 : i32
        %lt3A_155 = arith.constant 125 : i32
        %lt3A_156 = arith.cmpi slt, %add3A_154, %lt3A_155 : i32
        %convert_element_type3A_157 = arith.extui %lt3A_156 : i1 to i32
        %cond3A_158 = arith.constant 0 : i32
        %cond3A_159 = arith.cmpi ne, %convert_element_type3A_157, %cond3A_158 : i32
        scf.if %cond3A_159 {
          %add3A_160 = arith.constant 5 : i32
          %add3A_161 = arith.addi %add3A_130, %add3A_160 : i32
          %mul3A_162 = arith.constant 80 : i32
          %mul3A_163 = arith.muli %add3A_161, %mul3A_162 : i32
          %add3A_164 = arith.addi %mul3A_2, %mul3A_163 : i32
          %dma_start3A_165 = tpu.memref_slice %arg3[%add3A_164] : memref<320000xi32, #tpu.memory_space<hbm>> -> memref<80xi32, #tpu.memory_space<hbm>>
          %dma_start3A_166 = tpu.memref_slice %arg3[%add3A_164] : memref<320000xi32, #tpu.memory_space<hbm>> -> memref<80xi32, #tpu.memory_space<hbm>>
          tpu.enqueue_dma source(%dma_start3A_166 : memref<80xi32, #tpu.memory_space<hbm>>) target(%arg11 : memref<80xi32, #tpu.memory_space<vmem>>) target_semaphore(%arg32 : memref<!tpu.dma_semaphore, #tpu.memory_space<semaphore_mem>>)
          %dma_start3A_167 = tpu.memref_slice %arg4[%add3A_164] : memref<320000xi32, #tpu.memory_space<hbm>> -> memref<80xi32, #tpu.memory_space<hbm>>
          %dma_start3A_168 = tpu.memref_slice %arg4[%add3A_164] : memref<320000xi32, #tpu.memory_space<hbm>> -> memref<80xi32, #tpu.memory_space<hbm>>
          tpu.enqueue_dma source(%dma_start3A_168 : memref<80xi32, #tpu.memory_space<hbm>>) target(%arg19 : memref<80xi32, #tpu.memory_space<vmem>>) target_semaphore(%arg32 : memref<!tpu.dma_semaphore, #tpu.memory_space<semaphore_mem>>)
        } else {
        }
      } else {
      }
    }
    %scan3A_58 = arith.constant 16 : i32
    %dma_wait3A_59 = arith.constant 0 : i32
    %dma_wait3A_60 = arith.constant 0 : i32
    %dma_wait3A_61 = tpu.memref_slice %arg27[%dma_wait3A_59, %dma_wait3A_60] : memref<10112x128xf32, #tpu.memory_space<vmem_shared>> -> memref<10112x128xf32, #tpu.memory_space<vmem_shared>>
    tpu.wait_indirect_dma semaphore(%arg40 : memref<!tpu.dma_semaphore, #tpu.memory_space<semaphore_mem>>) src(%arg23 : memref<80x128xf32, #tpu.memory_space<vmem>>) dst(%dma_wait3A_61 : memref<10112x128xf32, #tpu.memory_space<vmem_shared>>)
    %barrier3A_62 = arith.constant 0 : index
    tpu.barrier barrier_id(%barrier3A_62)
    %mul3A_63 = arith.constant 10112 : i32
    %mul3A_64 = arith.muli %arg0, %mul3A_63 : i32
    %add3A_65 = arith.addi %mul3A_64, %mul3A_4 : i32
    "tpu.region"() ({
      %run_scoped3A = tpu.sem_alloc : memref<!tpu.dma_semaphore, #tpu.memory_space<semaphore_mem>>
      %dma_start3A_66 = arith.constant 0 : i32
      %dma_start3A_67 = tpu.memref_slice %arg6[%add3A_65, %dma_start3A_66] : memref<20224x128xf32, #tpu.memory_space<hbm>> -> memref<632x128xf32, #tpu.memory_space<hbm>>
      %dma_start3A_68 = arith.constant 0 : i32
      %dma_start3A_69 = tpu.memref_slice %arg27[%mul3A_4, %dma_start3A_68] : memref<10112x128xf32, #tpu.memory_space<vmem_shared>> -> memref<632x128xf32, #tpu.memory_space<vmem_shared>>
      tpu.enqueue_dma source(%dma_start3A_69 : memref<632x128xf32, #tpu.memory_space<vmem_shared>>) target(%dma_start3A_67 : memref<632x128xf32, #tpu.memory_space<hbm>>) target_semaphore(%run_scoped3A : memref<!tpu.dma_semaphore, #tpu.memory_space<semaphore_mem>>)
      %dma_wait3A_70 = arith.constant 0 : i32
      %dma_wait3A_71 = tpu.memref_slice %arg6[%add3A_65, %dma_wait3A_70] : memref<20224x128xf32, #tpu.memory_space<hbm>> -> memref<632x128xf32, #tpu.memory_space<hbm>>
      %dma_wait3A_72 = arith.constant 0 : i32
      %dma_wait3A_73 = tpu.memref_slice %arg27[%mul3A_4, %dma_wait3A_72] : memref<10112x128xf32, #tpu.memory_space<vmem_shared>> -> memref<632x128xf32, #tpu.memory_space<vmem_shared>>
      tpu.wait_dma2 semaphore(%run_scoped3A : memref<!tpu.dma_semaphore, #tpu.memory_space<semaphore_mem>>) src(%dma_wait3A_73 : memref<632x128xf32, #tpu.memory_space<vmem_shared>>) dst(%dma_wait3A_71 : memref<632x128xf32, #tpu.memory_space<hbm>>)
      tpu.yield
    }) : () -> ()
    return
  }
}

#map = affine_map<(d0, d1) -> (0, 0)>
#map1 = affine_map<(d0, d1) -> (0)>
module attributes {stable_mosaic.version = 14 : i64} {
  func.func @agg(%arg0: i32, %arg1: i32, %arg2: memref<10000x128xf32, #tpu.memory_space<hbm>>, %arg3: memref<320000xi32, #tpu.memory_space<hbm>>, %arg4: memref<320000xi32, #tpu.memory_space<hbm>>, %arg5: memref<10112x128xf32, #tpu.memory_space<hbm>>, %arg6: memref<20224x128xf32, #tpu.memory_space<hbm>>, %arg7: memref<80xi32, #tpu.memory_space<vmem>>, %arg8: memref<80xi32, #tpu.memory_space<vmem>>, %arg9: memref<80xi32, #tpu.memory_space<vmem>>, %arg10: memref<80xi32, #tpu.memory_space<vmem>>, %arg11: memref<80xi32, #tpu.memory_space<vmem>>, %arg12: memref<80xi32, #tpu.memory_space<vmem>>, %arg13: memref<80xi32, #tpu.memory_space<vmem>>, %arg14: memref<80xi32, #tpu.memory_space<vmem>>, %arg15: memref<80xi32, #tpu.memory_space<vmem>>, %arg16: memref<80xi32, #tpu.memory_space<vmem>>, %arg17: memref<80xi32, #tpu.memory_space<vmem>>, %arg18: memref<80xi32, #tpu.memory_space<vmem>>, %arg19: memref<80xi32, #tpu.memory_space<vmem>>, %arg20: memref<80xi32, #tpu.memory_space<vmem>>, %arg21: memref<80xi32, #tpu.memory_space<vmem>>, %arg22: memref<80xi32, #tpu.memory_space<vmem>>, %arg23: memref<80x128xf32, #tpu.memory_space<vmem>>, %arg24: memref<80x128xf32, #tpu.memory_space<vmem>>, %arg25: memref<80x128xf32, #tpu.memory_space<vmem>>, %arg26: memref<80x128xf32, #tpu.memory_space<vmem>>, %arg27: memref<10112x128xf32, #tpu.memory_space<vmem_shared>>, %arg28: memref<!tpu.dma_semaphore, #tpu.memory_space<semaphore_mem>>, %arg29: memref<!tpu.dma_semaphore, #tpu.memory_space<semaphore_mem>>, %arg30: memref<!tpu.dma_semaphore, #tpu.memory_space<semaphore_mem>>, %arg31: memref<!tpu.dma_semaphore, #tpu.memory_space<semaphore_mem>>, %arg32: memref<!tpu.dma_semaphore, #tpu.memory_space<semaphore_mem>>, %arg33: memref<!tpu.dma_semaphore, #tpu.memory_space<semaphore_mem>>, %arg34: memref<!tpu.dma_semaphore, #tpu.memory_space<semaphore_mem>>, %arg35: memref<!tpu.dma_semaphore, #tpu.memory_space<semaphore_mem>>, %arg36: memref<!tpu.dma_semaphore, #tpu.memory_space<semaphore_mem>>, %arg37: memref<!tpu.dma_semaphore, #tpu.memory_space<semaphore_mem>>, %arg38: memref<!tpu.dma_semaphore, #tpu.memory_space<semaphore_mem>>, %arg39: memref<!tpu.dma_semaphore, #tpu.memory_space<semaphore_mem>>, %arg40: memref<!tpu.dma_semaphore, #tpu.memory_space<semaphore_mem>>, %arg41: memref<!tpu.dma_semaphore, #tpu.memory_space<semaphore_mem>>, %arg42: memref<!tpu.dma_semaphore, #tpu.memory_space<semaphore_mem>>, %arg43: memref<!tpu.dma_semaphore, #tpu.memory_space<semaphore_mem>>) attributes {dimension_semantics = [#tpu.dimension_semantics<core_parallel>, #tpu.dimension_semantics<subcore_parallel>], iteration_bounds = array<i64: 2, 16>, scalar_prefetch = 0 : i64, scratch_operands = 37 : i64, tpu.core_type = #tpu.core_type<sc_vector_subcore>, window_params = [{transform_indices = #map}, {transform_indices = #map1}, {transform_indices = #map1}, {transform_indices = #map}, {transform_indices = #map}]} {
    %mul3A = arith.constant 2 : i32
    %mul3A_0 = arith.muli %arg1, %mul3A : i32
    %add3A = arith.addi %mul3A_0, %arg0 : i32
    %mul3A_1 = arith.constant 10000 : i32
    %mul3A_2 = arith.muli %add3A, %mul3A_1 : i32
    %mul3A_3 = arith.constant 632 : i32
    %mul3A_4 = arith.muli %arg1, %mul3A_3 : i32
    %add3A_5 = arith.constant 0 : i32
    %add3A_6 = arith.addi %mul3A_2, %add3A_5 : i32
    %dma_start3A = tpu.memref_slice %arg3[%add3A_6] : memref<320000xi32, #tpu.memory_space<hbm>> -> memref<80xi32, #tpu.memory_space<hbm>>
    %dma_start3A_7 = tpu.memref_slice %arg3[%add3A_6] : memref<320000xi32, #tpu.memory_space<hbm>> -> memref<80xi32, #tpu.memory_space<hbm>>
    tpu.enqueue_dma source(%dma_start3A_7 : memref<80xi32, #tpu.memory_space<hbm>>) target(%arg7 : memref<80xi32, #tpu.memory_space<vmem>>) target_semaphore(%arg28 : memref<!tpu.dma_semaphore, #tpu.memory_space<semaphore_mem>>)
    %dma_start3A_8 = tpu.memref_slice %arg4[%add3A_6] : memref<320000xi32, #tpu.memory_space<hbm>> -> memref<80xi32, #tpu.memory_space<hbm>>
    %dma_start3A_9 = tpu.memref_slice %arg4[%add3A_6] : memref<320000xi32, #tpu.memory_space<hbm>> -> memref<80xi32, #tpu.memory_space<hbm>>
    tpu.enqueue_dma source(%dma_start3A_9 : memref<80xi32, #tpu.memory_space<hbm>>) target(%arg15 : memref<80xi32, #tpu.memory_space<vmem>>) target_semaphore(%arg28 : memref<!tpu.dma_semaphore, #tpu.memory_space<semaphore_mem>>)
    %add3A_10 = arith.constant 80 : i32
    %add3A_11 = arith.addi %mul3A_2, %add3A_10 : i32
    %dma_start3A_12 = tpu.memref_slice %arg3[%add3A_11] : memref<320000xi32, #tpu.memory_space<hbm>> -> memref<80xi32, #tpu.memory_space<hbm>>
    %dma_start3A_13 = tpu.memref_slice %arg3[%add3A_11] : memref<320000xi32, #tpu.memory_space<hbm>> -> memref<80xi32, #tpu.memory_space<hbm>>
    tpu.enqueue_dma source(%dma_start3A_13 : memref<80xi32, #tpu.memory_space<hbm>>) target(%arg8 : memref<80xi32, #tpu.memory_space<vmem>>) target_semaphore(%arg29 : memref<!tpu.dma_semaphore, #tpu.memory_space<semaphore_mem>>)
    %dma_start3A_14 = tpu.memref_slice %arg4[%add3A_11] : memref<320000xi32, #tpu.memory_space<hbm>> -> memref<80xi32, #tpu.memory_space<hbm>>
    %dma_start3A_15 = tpu.memref_slice %arg4[%add3A_11] : memref<320000xi32, #tpu.memory_space<hbm>> -> memref<80xi32, #tpu.memory_space<hbm>>
    tpu.enqueue_dma source(%dma_start3A_15 : memref<80xi32, #tpu.memory_space<hbm>>) target(%arg16 : memref<80xi32, #tpu.memory_space<vmem>>) target_semaphore(%arg29 : memref<!tpu.dma_semaphore, #tpu.memory_space<semaphore_mem>>)
    %add3A_16 = arith.constant 160 : i32
    %add3A_17 = arith.addi %mul3A_2, %add3A_16 : i32
    %dma_start3A_18 = tpu.memref_slice %arg3[%add3A_17] : memref<320000xi32, #tpu.memory_space<hbm>> -> memref<80xi32, #tpu.memory_space<hbm>>
    %dma_start3A_19 = tpu.memref_slice %arg3[%add3A_17] : memref<320000xi32, #tpu.memory_space<hbm>> -> memref<80xi32, #tpu.memory_space<hbm>>
    tpu.enqueue_dma source(%dma_start3A_19 : memref<80xi32, #tpu.memory_space<hbm>>) target(%arg9 : memref<80xi32, #tpu.memory_space<vmem>>) target_semaphore(%arg30 : memref<!tpu.dma_semaphore, #tpu.memory_space<semaphore_mem>>)
    %dma_start3A_20 = tpu.memref_slice %arg4[%add3A_17] : memref<320000xi32, #tpu.memory_space<hbm>> -> memref<80xi32, #tpu.memory_space<hbm>>
    %dma_start3A_21 = tpu.memref_slice %arg4[%add3A_17] : memref<320000xi32, #tpu.memory_space<hbm>> -> memref<80xi32, #tpu.memory_space<hbm>>
    tpu.enqueue_dma source(%dma_start3A_21 : memref<80xi32, #tpu.memory_space<hbm>>) target(%arg17 : memref<80xi32, #tpu.memory_space<vmem>>) target_semaphore(%arg30 : memref<!tpu.dma_semaphore, #tpu.memory_space<semaphore_mem>>)
    %add3A_22 = arith.constant 240 : i32
    %add3A_23 = arith.addi %mul3A_2, %add3A_22 : i32
    %dma_start3A_24 = tpu.memref_slice %arg3[%add3A_23] : memref<320000xi32, #tpu.memory_space<hbm>> -> memref<80xi32, #tpu.memory_space<hbm>>
    %dma_start3A_25 = tpu.memref_slice %arg3[%add3A_23] : memref<320000xi32, #tpu.memory_space<hbm>> -> memref<80xi32, #tpu.memory_space<hbm>>
    tpu.enqueue_dma source(%dma_start3A_25 : memref<80xi32, #tpu.memory_space<hbm>>) target(%arg10 : memref<80xi32, #tpu.memory_space<vmem>>) target_semaphore(%arg31 : memref<!tpu.dma_semaphore, #tpu.memory_space<semaphore_mem>>)
    %dma_start3A_26 = tpu.memref_slice %arg4[%add3A_23] : memref<320000xi32, #tpu.memory_space<hbm>> -> memref<80xi32, #tpu.memory_space<hbm>>
    %dma_start3A_27 = tpu.memref_slice %arg4[%add3A_23] : memref<320000xi32, #tpu.memory_space<hbm>> -> memref<80xi32, #tpu.memory_space<hbm>>
    tpu.enqueue_dma source(%dma_start3A_27 : memref<80xi32, #tpu.memory_space<hbm>>) target(%arg18 : memref<80xi32, #tpu.memory_space<vmem>>) target_semaphore(%arg31 : memref<!tpu.dma_semaphore, #tpu.memory_space<semaphore_mem>>)
    %add3A_28 = arith.constant 320 : i32
    %add3A_29 = arith.addi %mul3A_2, %add3A_28 : i32
    %dma_start3A_30 = tpu.memref_slice %arg3[%add3A_29] : memref<320000xi32, #tpu.memory_space<hbm>> -> memref<80xi32, #tpu.memory_space<hbm>>
    %dma_start3A_31 = tpu.memref_slice %arg3[%add3A_29] : memref<320000xi32, #tpu.memory_space<hbm>> -> memref<80xi32, #tpu.memory_space<hbm>>
    tpu.enqueue_dma source(%dma_start3A_31 : memref<80xi32, #tpu.memory_space<hbm>>) target(%arg11 : memref<80xi32, #tpu.memory_space<vmem>>) target_semaphore(%arg32 : memref<!tpu.dma_semaphore, #tpu.memory_space<semaphore_mem>>)
    %dma_start3A_32 = tpu.memref_slice %arg4[%add3A_29] : memref<320000xi32, #tpu.memory_space<hbm>> -> memref<80xi32, #tpu.memory_space<hbm>>
    %dma_start3A_33 = tpu.memref_slice %arg4[%add3A_29] : memref<320000xi32, #tpu.memory_space<hbm>> -> memref<80xi32, #tpu.memory_space<hbm>>
    tpu.enqueue_dma source(%dma_start3A_33 : memref<80xi32, #tpu.memory_space<hbm>>) target(%arg19 : memref<80xi32, #tpu.memory_space<vmem>>) target_semaphore(%arg32 : memref<!tpu.dma_semaphore, #tpu.memory_space<semaphore_mem>>)
    "tpu.region"() ({
      %run_scoped3A = tpu.sem_alloc : memref<!tpu.dma_semaphore, #tpu.memory_space<semaphore_mem>>
      %dma_start3A_66 = arith.constant 0 : i32
      %dma_start3A_67 = tpu.memref_slice %arg27[%mul3A_4, %dma_start3A_66] : memref<10112x128xf32, #tpu.memory_space<vmem_shared>> -> memref<632x128xf32, #tpu.memory_space<vmem_shared>>
      %dma_start3A_68 = arith.constant 0 : i32
      %dma_start3A_69 = tpu.memref_slice %arg5[%mul3A_4, %dma_start3A_68] : memref<10112x128xf32, #tpu.memory_space<hbm>> -> memref<632x128xf32, #tpu.memory_space<hbm>>
      tpu.enqueue_dma source(%dma_start3A_69 : memref<632x128xf32, #tpu.memory_space<hbm>>) target(%dma_start3A_67 : memref<632x128xf32, #tpu.memory_space<vmem_shared>>) target_semaphore(%run_scoped3A : memref<!tpu.dma_semaphore, #tpu.memory_space<semaphore_mem>>)
      %dma_wait3A_70 = arith.constant 0 : i32
      %dma_wait3A_71 = tpu.memref_slice %arg27[%mul3A_4, %dma_wait3A_70] : memref<10112x128xf32, #tpu.memory_space<vmem_shared>> -> memref<632x128xf32, #tpu.memory_space<vmem_shared>>
      %dma_wait3A_72 = arith.constant 0 : i32
      %dma_wait3A_73 = tpu.memref_slice %arg5[%mul3A_4, %dma_wait3A_72] : memref<10112x128xf32, #tpu.memory_space<hbm>> -> memref<632x128xf32, #tpu.memory_space<hbm>>
      tpu.wait_dma2 semaphore(%run_scoped3A : memref<!tpu.dma_semaphore, #tpu.memory_space<semaphore_mem>>) src(%dma_wait3A_73 : memref<632x128xf32, #tpu.memory_space<hbm>>) dst(%dma_wait3A_71 : memref<632x128xf32, #tpu.memory_space<vmem_shared>>)
      tpu.yield
    }) : () -> ()
    %barrier3A = arith.constant 0 : index
    tpu.barrier barrier_id(%barrier3A)
    %dma_wait3A = tpu.memref_slice %arg3[%mul3A_2] : memref<320000xi32, #tpu.memory_space<hbm>> -> memref<80xi32, #tpu.memory_space<hbm>>
    %dma_wait3A_34 = tpu.memref_slice %arg3[%mul3A_2] : memref<320000xi32, #tpu.memory_space<hbm>> -> memref<80xi32, #tpu.memory_space<hbm>>
    tpu.wait_dma2 semaphore(%arg28 : memref<!tpu.dma_semaphore, #tpu.memory_space<semaphore_mem>>) src(%dma_wait3A_34 : memref<80xi32, #tpu.memory_space<hbm>>) dst(%arg7 : memref<80xi32, #tpu.memory_space<vmem>>)
    %dma_wait3A_35 = tpu.memref_slice %arg4[%mul3A_2] : memref<320000xi32, #tpu.memory_space<hbm>> -> memref<80xi32, #tpu.memory_space<hbm>>
    %dma_wait3A_36 = tpu.memref_slice %arg4[%mul3A_2] : memref<320000xi32, #tpu.memory_space<hbm>> -> memref<80xi32, #tpu.memory_space<hbm>>
    tpu.wait_dma2 semaphore(%arg28 : memref<!tpu.dma_semaphore, #tpu.memory_space<semaphore_mem>>) src(%dma_wait3A_36 : memref<80xi32, #tpu.memory_space<hbm>>) dst(%arg15 : memref<80xi32, #tpu.memory_space<vmem>>)
    %dma_start3A_37 = arith.constant 0 : i32
    %dma_start3A_38 = arith.constant 0 : i32
    %dma_start3A_39 = tpu.memref_slice %arg2[%dma_start3A_37, %dma_start3A_38] : memref<10000x128xf32, #tpu.memory_space<hbm>> -> memref<10000x128xf32, #tpu.memory_space<hbm>>
    tpu.enqueue_indirect_dma source(%dma_start3A_39 : memref<10000x128xf32, #tpu.memory_space<hbm>>) target(%arg23 : memref<80x128xf32, #tpu.memory_space<vmem>>) offsets(%arg7 : memref<80xi32, #tpu.memory_space<vmem>>) semaphore(%arg36 : memref<!tpu.dma_semaphore, #tpu.memory_space<semaphore_mem>>)
    %dma_wait3A_40 = tpu.memref_slice %arg3[%mul3A_2] : memref<320000xi32, #tpu.memory_space<hbm>> -> memref<80xi32, #tpu.memory_space<hbm>>
    %dma_wait3A_41 = tpu.memref_slice %arg3[%mul3A_2] : memref<320000xi32, #tpu.memory_space<hbm>> -> memref<80xi32, #tpu.memory_space<hbm>>
    tpu.wait_dma2 semaphore(%arg29 : memref<!tpu.dma_semaphore, #tpu.memory_space<semaphore_mem>>) src(%dma_wait3A_41 : memref<80xi32, #tpu.memory_space<hbm>>) dst(%arg8 : memref<80xi32, #tpu.memory_space<vmem>>)
    %dma_wait3A_42 = tpu.memref_slice %arg4[%mul3A_2] : memref<320000xi32, #tpu.memory_space<hbm>> -> memref<80xi32, #tpu.memory_space<hbm>>
    %dma_wait3A_43 = tpu.memref_slice %arg4[%mul3A_2] : memref<320000xi32, #tpu.memory_space<hbm>> -> memref<80xi32, #tpu.memory_space<hbm>>
    tpu.wait_dma2 semaphore(%arg29 : memref<!tpu.dma_semaphore, #tpu.memory_space<semaphore_mem>>) src(%dma_wait3A_43 : memref<80xi32, #tpu.memory_space<hbm>>) dst(%arg16 : memref<80xi32, #tpu.memory_space<vmem>>)
    %dma_start3A_44 = arith.constant 0 : i32
    %dma_start3A_45 = arith.constant 0 : i32
    %dma_start3A_46 = tpu.memref_slice %arg2[%dma_start3A_44, %dma_start3A_45] : memref<10000x128xf32, #tpu.memory_space<hbm>> -> memref<10000x128xf32, #tpu.memory_space<hbm>>
    tpu.enqueue_indirect_dma source(%dma_start3A_46 : memref<10000x128xf32, #tpu.memory_space<hbm>>) target(%arg24 : memref<80x128xf32, #tpu.memory_space<vmem>>) offsets(%arg8 : memref<80xi32, #tpu.memory_space<vmem>>) semaphore(%arg37 : memref<!tpu.dma_semaphore, #tpu.memory_space<semaphore_mem>>)
    %dma_wait3A_47 = tpu.memref_slice %arg3[%mul3A_2] : memref<320000xi32, #tpu.memory_space<hbm>> -> memref<80xi32, #tpu.memory_space<hbm>>
    %dma_wait3A_48 = tpu.memref_slice %arg3[%mul3A_2] : memref<320000xi32, #tpu.memory_space<hbm>> -> memref<80xi32, #tpu.memory_space<hbm>>
    tpu.wait_dma2 semaphore(%arg30 : memref<!tpu.dma_semaphore, #tpu.memory_space<semaphore_mem>>) src(%dma_wait3A_48 : memref<80xi32, #tpu.memory_space<hbm>>) dst(%arg9 : memref<80xi32, #tpu.memory_space<vmem>>)
    %dma_wait3A_49 = tpu.memref_slice %arg4[%mul3A_2] : memref<320000xi32, #tpu.memory_space<hbm>> -> memref<80xi32, #tpu.memory_space<hbm>>
    %dma_wait3A_50 = tpu.memref_slice %arg4[%mul3A_2] : memref<320000xi32, #tpu.memory_space<hbm>> -> memref<80xi32, #tpu.memory_space<hbm>>
    tpu.wait_dma2 semaphore(%arg30 : memref<!tpu.dma_semaphore, #tpu.memory_space<semaphore_mem>>) src(%dma_wait3A_50 : memref<80xi32, #tpu.memory_space<hbm>>) dst(%arg17 : memref<80xi32, #tpu.memory_space<vmem>>)
    %dma_start3A_51 = arith.constant 0 : i32
    %dma_start3A_52 = arith.constant 0 : i32
    %dma_start3A_53 = tpu.memref_slice %arg2[%dma_start3A_51, %dma_start3A_52] : memref<10000x128xf32, #tpu.memory_space<hbm>> -> memref<10000x128xf32, #tpu.memory_space<hbm>>
    tpu.enqueue_indirect_dma source(%dma_start3A_53 : memref<10000x128xf32, #tpu.memory_space<hbm>>) target(%arg25 : memref<80x128xf32, #tpu.memory_space<vmem>>) offsets(%arg9 : memref<80xi32, #tpu.memory_space<vmem>>) semaphore(%arg38 : memref<!tpu.dma_semaphore, #tpu.memory_space<semaphore_mem>>)
    %scan3A = arith.constant 0 : i32
    %scan3A_54 = arith.constant 0 : i32
    %scan3A_55 = arith.constant 16 : i32
    %scan3A_56 = arith.addi %scan3A_54, %scan3A_55 : i32
    %scan3A_57 = arith.constant 1 : i32
    scf.for %scan3A_66 = %scan3A_54 to %scan3A_56 step %scan3A_57  : i32 {
      %mul3A_67 = arith.constant 8 : i32
      %mul3A_68 = arith.muli %mul3A_67, %scan3A_66 : i32
      %add3A_69 = arith.constant 0 : i32
      %add3A_70 = arith.addi %mul3A_68, %add3A_69 : i32
      %lt3A = arith.constant 125 : i32
      %lt3A_71 = arith.cmpi slt, %add3A_70, %lt3A : i32
      %convert_element_type3A = arith.extui %lt3A_71 : i1 to i32
      %cond3A = arith.constant 0 : i32
      %cond3A_72 = arith.cmpi ne, %convert_element_type3A, %cond3A : i32
      scf.if %cond3A_72 {
        %ge3A = arith.constant 1 : i32
        %ge3A_136 = arith.cmpi sge, %add3A_70, %ge3A : i32
        %convert_element_type3A_137 = arith.extui %ge3A_136 : i1 to i32
        %cond3A_138 = arith.constant 0 : i32
        %cond3A_139 = arith.cmpi ne, %convert_element_type3A_137, %cond3A_138 : i32
        scf.if %cond3A_139 {
          %dma_wait3A_160 = arith.constant 0 : i32
          %dma_wait3A_161 = arith.constant 0 : i32
          %dma_wait3A_162 = tpu.memref_slice %arg27[%dma_wait3A_160, %dma_wait3A_161] : memref<10112x128xf32, #tpu.memory_space<vmem_shared>> -> memref<10112x128xf32, #tpu.memory_space<vmem_shared>>
          tpu.wait_indirect_dma semaphore(%arg43 : memref<!tpu.dma_semaphore, #tpu.memory_space<semaphore_mem>>) src(%arg26 : memref<80x128xf32, #tpu.memory_space<vmem>>) dst(%dma_wait3A_162 : memref<10112x128xf32, #tpu.memory_space<vmem_shared>>)
        } else {
        }
        %add3A_140 = arith.constant 3 : i32
        %add3A_141 = arith.addi %add3A_70, %add3A_140 : i32
        %lt3A_142 = arith.constant 125 : i32
        %lt3A_143 = arith.cmpi slt, %add3A_141, %lt3A_142 : i32
        %convert_element_type3A_144 = arith.extui %lt3A_143 : i1 to i32
        %cond3A_145 = arith.constant 0 : i32
        %cond3A_146 = arith.cmpi ne, %convert_element_type3A_144, %cond3A_145 : i32
        scf.if %cond3A_146 {
          %dma_wait3A_160 = tpu.memref_slice %arg3[%mul3A_2] : memref<320000xi32, #tpu.memory_space<hbm>> -> memref<80xi32, #tpu.memory_space<hbm>>
          %dma_wait3A_161 = tpu.memref_slice %arg3[%mul3A_2] : memref<320000xi32, #tpu.memory_space<hbm>> -> memref<80xi32, #tpu.memory_space<hbm>>
          tpu.wait_dma2 semaphore(%arg31 : memref<!tpu.dma_semaphore, #tpu.memory_space<semaphore_mem>>) src(%dma_wait3A_161 : memref<80xi32, #tpu.memory_space<hbm>>) dst(%arg10 : memref<80xi32, #tpu.memory_space<vmem>>)
          %dma_wait3A_162 = tpu.memref_slice %arg4[%mul3A_2] : memref<320000xi32, #tpu.memory_space<hbm>> -> memref<80xi32, #tpu.memory_space<hbm>>
          %dma_wait3A_163 = tpu.memref_slice %arg4[%mul3A_2] : memref<320000xi32, #tpu.memory_space<hbm>> -> memref<80xi32, #tpu.memory_space<hbm>>
          tpu.wait_dma2 semaphore(%arg31 : memref<!tpu.dma_semaphore, #tpu.memory_space<semaphore_mem>>) src(%dma_wait3A_163 : memref<80xi32, #tpu.memory_space<hbm>>) dst(%arg18 : memref<80xi32, #tpu.memory_space<vmem>>)
          %dma_start3A_164 = arith.constant 0 : i32
          %dma_start3A_165 = arith.constant 0 : i32
          %dma_start3A_166 = tpu.memref_slice %arg2[%dma_start3A_164, %dma_start3A_165] : memref<10000x128xf32, #tpu.memory_space<hbm>> -> memref<10000x128xf32, #tpu.memory_space<hbm>>
          tpu.enqueue_indirect_dma source(%dma_start3A_166 : memref<10000x128xf32, #tpu.memory_space<hbm>>) target(%arg26 : memref<80x128xf32, #tpu.memory_space<vmem>>) offsets(%arg10 : memref<80xi32, #tpu.memory_space<vmem>>) semaphore(%arg39 : memref<!tpu.dma_semaphore, #tpu.memory_space<semaphore_mem>>)
        } else {
        }
        %dma_wait3A_147 = arith.constant 0 : i32
        %dma_wait3A_148 = arith.constant 0 : i32
        %dma_wait3A_149 = tpu.memref_slice %arg2[%dma_wait3A_147, %dma_wait3A_148] : memref<10000x128xf32, #tpu.memory_space<hbm>> -> memref<10000x128xf32, #tpu.memory_space<hbm>>
        tpu.wait_indirect_dma semaphore(%arg36 : memref<!tpu.dma_semaphore, #tpu.memory_space<semaphore_mem>>) src(%dma_wait3A_149 : memref<10000x128xf32, #tpu.memory_space<hbm>>) dst(%arg23 : memref<80x128xf32, #tpu.memory_space<vmem>>)
        %dma_start3A_150 = arith.constant 0 : i32
        %dma_start3A_151 = arith.constant 0 : i32
        %dma_start3A_152 = tpu.memref_slice %arg27[%dma_start3A_150, %dma_start3A_151] : memref<10112x128xf32, #tpu.memory_space<vmem_shared>> -> memref<10112x128xf32, #tpu.memory_space<vmem_shared>>
        tpu.enqueue_indirect_dma source(%arg23 : memref<80x128xf32, #tpu.memory_space<vmem>>) target(%dma_start3A_152 : memref<10112x128xf32, #tpu.memory_space<vmem_shared>>) offsets(%arg15 : memref<80xi32, #tpu.memory_space<vmem>>) semaphore(%arg40 : memref<!tpu.dma_semaphore, #tpu.memory_space<semaphore_mem>>) {add = true}
        %add3A_153 = arith.constant 5 : i32
        %add3A_154 = arith.addi %add3A_70, %add3A_153 : i32
        %lt3A_155 = arith.constant 125 : i32
        %lt3A_156 = arith.cmpi slt, %add3A_154, %lt3A_155 : i32
        %convert_element_type3A_157 = arith.extui %lt3A_156 : i1 to i32
        %cond3A_158 = arith.constant 0 : i32
        %cond3A_159 = arith.cmpi ne, %convert_element_type3A_157, %cond3A_158 : i32
        scf.if %cond3A_159 {
          %add3A_160 = arith.constant 5 : i32
          %add3A_161 = arith.addi %add3A_70, %add3A_160 : i32
          %mul3A_162 = arith.constant 80 : i32
          %mul3A_163 = arith.muli %add3A_161, %mul3A_162 : i32
          %add3A_164 = arith.addi %mul3A_2, %mul3A_163 : i32
          %dma_start3A_165 = tpu.memref_slice %arg3[%add3A_164] : memref<320000xi32, #tpu.memory_space<hbm>> -> memref<80xi32, #tpu.memory_space<hbm>>
          %dma_start3A_166 = tpu.memref_slice %arg3[%add3A_164] : memref<320000xi32, #tpu.memory_space<hbm>> -> memref<80xi32, #tpu.memory_space<hbm>>
          tpu.enqueue_dma source(%dma_start3A_166 : memref<80xi32, #tpu.memory_space<hbm>>) target(%arg12 : memref<80xi32, #tpu.memory_space<vmem>>) target_semaphore(%arg33 : memref<!tpu.dma_semaphore, #tpu.memory_space<semaphore_mem>>)
          %dma_start3A_167 = tpu.memref_slice %arg4[%add3A_164] : memref<320000xi32, #tpu.memory_space<hbm>> -> memref<80xi32, #tpu.memory_space<hbm>>
          %dma_start3A_168 = tpu.memref_slice %arg4[%add3A_164] : memref<320000xi32, #tpu.memory_space<hbm>> -> memref<80xi32, #tpu.memory_space<hbm>>
          tpu.enqueue_dma source(%dma_start3A_168 : memref<80xi32, #tpu.memory_space<hbm>>) target(%arg20 : memref<80xi32, #tpu.memory_space<vmem>>) target_semaphore(%arg33 : memref<!tpu.dma_semaphore, #tpu.memory_space<semaphore_mem>>)
        } else {
        }
      } else {
      }
      %mul3A_73 = arith.constant 8 : i32
      %mul3A_74 = arith.muli %mul3A_73, %scan3A_66 : i32
      %add3A_75 = arith.constant 1 : i32
      %add3A_76 = arith.addi %mul3A_74, %add3A_75 : i32
      %lt3A_77 = arith.constant 125 : i32
      %lt3A_78 = arith.cmpi slt, %add3A_76, %lt3A_77 : i32
      %convert_element_type3A_79 = arith.extui %lt3A_78 : i1 to i32
      %cond3A_80 = arith.constant 0 : i32
      %cond3A_81 = arith.cmpi ne, %convert_element_type3A_79, %cond3A_80 : i32
      scf.if %cond3A_81 {
        %ge3A = arith.constant 1 : i32
        %ge3A_136 = arith.cmpi sge, %add3A_76, %ge3A : i32
        %convert_element_type3A_137 = arith.extui %ge3A_136 : i1 to i32
        %cond3A_138 = arith.constant 0 : i32
        %cond3A_139 = arith.cmpi ne, %convert_element_type3A_137, %cond3A_138 : i32
        scf.if %cond3A_139 {
          %dma_wait3A_160 = arith.constant 0 : i32
          %dma_wait3A_161 = arith.constant 0 : i32
          %dma_wait3A_162 = tpu.memref_slice %arg27[%dma_wait3A_160, %dma_wait3A_161] : memref<10112x128xf32, #tpu.memory_space<vmem_shared>> -> memref<10112x128xf32, #tpu.memory_space<vmem_shared>>
          tpu.wait_indirect_dma semaphore(%arg40 : memref<!tpu.dma_semaphore, #tpu.memory_space<semaphore_mem>>) src(%arg23 : memref<80x128xf32, #tpu.memory_space<vmem>>) dst(%dma_wait3A_162 : memref<10112x128xf32, #tpu.memory_space<vmem_shared>>)
        } else {
        }
        %add3A_140 = arith.constant 3 : i32
        %add3A_141 = arith.addi %add3A_76, %add3A_140 : i32
        %lt3A_142 = arith.constant 125 : i32
        %lt3A_143 = arith.cmpi slt, %add3A_141, %lt3A_142 : i32
        %convert_element_type3A_144 = arith.extui %lt3A_143 : i1 to i32
        %cond3A_145 = arith.constant 0 : i32
        %cond3A_146 = arith.cmpi ne, %convert_element_type3A_144, %cond3A_145 : i32
        scf.if %cond3A_146 {
          %dma_wait3A_160 = tpu.memref_slice %arg3[%mul3A_2] : memref<320000xi32, #tpu.memory_space<hbm>> -> memref<80xi32, #tpu.memory_space<hbm>>
          %dma_wait3A_161 = tpu.memref_slice %arg3[%mul3A_2] : memref<320000xi32, #tpu.memory_space<hbm>> -> memref<80xi32, #tpu.memory_space<hbm>>
          tpu.wait_dma2 semaphore(%arg32 : memref<!tpu.dma_semaphore, #tpu.memory_space<semaphore_mem>>) src(%dma_wait3A_161 : memref<80xi32, #tpu.memory_space<hbm>>) dst(%arg11 : memref<80xi32, #tpu.memory_space<vmem>>)
          %dma_wait3A_162 = tpu.memref_slice %arg4[%mul3A_2] : memref<320000xi32, #tpu.memory_space<hbm>> -> memref<80xi32, #tpu.memory_space<hbm>>
          %dma_wait3A_163 = tpu.memref_slice %arg4[%mul3A_2] : memref<320000xi32, #tpu.memory_space<hbm>> -> memref<80xi32, #tpu.memory_space<hbm>>
          tpu.wait_dma2 semaphore(%arg32 : memref<!tpu.dma_semaphore, #tpu.memory_space<semaphore_mem>>) src(%dma_wait3A_163 : memref<80xi32, #tpu.memory_space<hbm>>) dst(%arg19 : memref<80xi32, #tpu.memory_space<vmem>>)
          %dma_start3A_164 = arith.constant 0 : i32
          %dma_start3A_165 = arith.constant 0 : i32
          %dma_start3A_166 = tpu.memref_slice %arg2[%dma_start3A_164, %dma_start3A_165] : memref<10000x128xf32, #tpu.memory_space<hbm>> -> memref<10000x128xf32, #tpu.memory_space<hbm>>
          tpu.enqueue_indirect_dma source(%dma_start3A_166 : memref<10000x128xf32, #tpu.memory_space<hbm>>) target(%arg23 : memref<80x128xf32, #tpu.memory_space<vmem>>) offsets(%arg11 : memref<80xi32, #tpu.memory_space<vmem>>) semaphore(%arg36 : memref<!tpu.dma_semaphore, #tpu.memory_space<semaphore_mem>>)
        } else {
        }
        %dma_wait3A_147 = arith.constant 0 : i32
        %dma_wait3A_148 = arith.constant 0 : i32
        %dma_wait3A_149 = tpu.memref_slice %arg2[%dma_wait3A_147, %dma_wait3A_148] : memref<10000x128xf32, #tpu.memory_space<hbm>> -> memref<10000x128xf32, #tpu.memory_space<hbm>>
        tpu.wait_indirect_dma semaphore(%arg37 : memref<!tpu.dma_semaphore, #tpu.memory_space<semaphore_mem>>) src(%dma_wait3A_149 : memref<10000x128xf32, #tpu.memory_space<hbm>>) dst(%arg24 : memref<80x128xf32, #tpu.memory_space<vmem>>)
        %dma_start3A_150 = arith.constant 0 : i32
        %dma_start3A_151 = arith.constant 0 : i32
        %dma_start3A_152 = tpu.memref_slice %arg27[%dma_start3A_150, %dma_start3A_151] : memref<10112x128xf32, #tpu.memory_space<vmem_shared>> -> memref<10112x128xf32, #tpu.memory_space<vmem_shared>>
        tpu.enqueue_indirect_dma source(%arg24 : memref<80x128xf32, #tpu.memory_space<vmem>>) target(%dma_start3A_152 : memref<10112x128xf32, #tpu.memory_space<vmem_shared>>) offsets(%arg16 : memref<80xi32, #tpu.memory_space<vmem>>) semaphore(%arg41 : memref<!tpu.dma_semaphore, #tpu.memory_space<semaphore_mem>>) {add = true}
        %add3A_153 = arith.constant 5 : i32
        %add3A_154 = arith.addi %add3A_76, %add3A_153 : i32
        %lt3A_155 = arith.constant 125 : i32
        %lt3A_156 = arith.cmpi slt, %add3A_154, %lt3A_155 : i32
        %convert_element_type3A_157 = arith.extui %lt3A_156 : i1 to i32
        %cond3A_158 = arith.constant 0 : i32
        %cond3A_159 = arith.cmpi ne, %convert_element_type3A_157, %cond3A_158 : i32
        scf.if %cond3A_159 {
          %add3A_160 = arith.constant 5 : i32
          %add3A_161 = arith.addi %add3A_76, %add3A_160 : i32
          %mul3A_162 = arith.constant 80 : i32
          %mul3A_163 = arith.muli %add3A_161, %mul3A_162 : i32
          %add3A_164 = arith.addi %mul3A_2, %mul3A_163 : i32
          %dma_start3A_165 = tpu.memref_slice %arg3[%add3A_164] : memref<320000xi32, #tpu.memory_space<hbm>> -> memref<80xi32, #tpu.memory_space<hbm>>
          %dma_start3A_166 = tpu.memref_slice %arg3[%add3A_164] : memref<320000xi32, #tpu.memory_space<hbm>> -> memref<80xi32, #tpu.memory_space<hbm>>
          tpu.enqueue_dma source(%dma_start3A_166 : memref<80xi32, #tpu.memory_space<hbm>>) target(%arg13 : memref<80xi32, #tpu.memory_space<vmem>>) target_semaphore(%arg34 : memref<!tpu.dma_semaphore, #tpu.memory_space<semaphore_mem>>)
          %dma_start3A_167 = tpu.memref_slice %arg4[%add3A_164] : memref<320000xi32, #tpu.memory_space<hbm>> -> memref<80xi32, #tpu.memory_space<hbm>>
          %dma_start3A_168 = tpu.memref_slice %arg4[%add3A_164] : memref<320000xi32, #tpu.memory_space<hbm>> -> memref<80xi32, #tpu.memory_space<hbm>>
          tpu.enqueue_dma source(%dma_start3A_168 : memref<80xi32, #tpu.memory_space<hbm>>) target(%arg21 : memref<80xi32, #tpu.memory_space<vmem>>) target_semaphore(%arg34 : memref<!tpu.dma_semaphore, #tpu.memory_space<semaphore_mem>>)
        } else {
        }
      } else {
      }
      %mul3A_82 = arith.constant 8 : i32
      %mul3A_83 = arith.muli %mul3A_82, %scan3A_66 : i32
      %add3A_84 = arith.constant 2 : i32
      %add3A_85 = arith.addi %mul3A_83, %add3A_84 : i32
      %lt3A_86 = arith.constant 125 : i32
      %lt3A_87 = arith.cmpi slt, %add3A_85, %lt3A_86 : i32
      %convert_element_type3A_88 = arith.extui %lt3A_87 : i1 to i32
      %cond3A_89 = arith.constant 0 : i32
      %cond3A_90 = arith.cmpi ne, %convert_element_type3A_88, %cond3A_89 : i32
      scf.if %cond3A_90 {
        %ge3A = arith.constant 1 : i32
        %ge3A_136 = arith.cmpi sge, %add3A_85, %ge3A : i32
        %convert_element_type3A_137 = arith.extui %ge3A_136 : i1 to i32
        %cond3A_138 = arith.constant 0 : i32
        %cond3A_139 = arith.cmpi ne, %convert_element_type3A_137, %cond3A_138 : i32
        scf.if %cond3A_139 {
          %dma_wait3A_160 = arith.constant 0 : i32
          %dma_wait3A_161 = arith.constant 0 : i32
          %dma_wait3A_162 = tpu.memref_slice %arg27[%dma_wait3A_160, %dma_wait3A_161] : memref<10112x128xf32, #tpu.memory_space<vmem_shared>> -> memref<10112x128xf32, #tpu.memory_space<vmem_shared>>
          tpu.wait_indirect_dma semaphore(%arg41 : memref<!tpu.dma_semaphore, #tpu.memory_space<semaphore_mem>>) src(%arg24 : memref<80x128xf32, #tpu.memory_space<vmem>>) dst(%dma_wait3A_162 : memref<10112x128xf32, #tpu.memory_space<vmem_shared>>)
        } else {
        }
        %add3A_140 = arith.constant 3 : i32
        %add3A_141 = arith.addi %add3A_85, %add3A_140 : i32
        %lt3A_142 = arith.constant 125 : i32
        %lt3A_143 = arith.cmpi slt, %add3A_141, %lt3A_142 : i32
        %convert_element_type3A_144 = arith.extui %lt3A_143 : i1 to i32
        %cond3A_145 = arith.constant 0 : i32
        %cond3A_146 = arith.cmpi ne, %convert_element_type3A_144, %cond3A_145 : i32
        scf.if %cond3A_146 {
          %dma_wait3A_160 = tpu.memref_slice %arg3[%mul3A_2] : memref<320000xi32, #tpu.memory_space<hbm>> -> memref<80xi32, #tpu.memory_space<hbm>>
          %dma_wait3A_161 = tpu.memref_slice %arg3[%mul3A_2] : memref<320000xi32, #tpu.memory_space<hbm>> -> memref<80xi32, #tpu.memory_space<hbm>>
          tpu.wait_dma2 semaphore(%arg33 : memref<!tpu.dma_semaphore, #tpu.memory_space<semaphore_mem>>) src(%dma_wait3A_161 : memref<80xi32, #tpu.memory_space<hbm>>) dst(%arg12 : memref<80xi32, #tpu.memory_space<vmem>>)
          %dma_wait3A_162 = tpu.memref_slice %arg4[%mul3A_2] : memref<320000xi32, #tpu.memory_space<hbm>> -> memref<80xi32, #tpu.memory_space<hbm>>
          %dma_wait3A_163 = tpu.memref_slice %arg4[%mul3A_2] : memref<320000xi32, #tpu.memory_space<hbm>> -> memref<80xi32, #tpu.memory_space<hbm>>
          tpu.wait_dma2 semaphore(%arg33 : memref<!tpu.dma_semaphore, #tpu.memory_space<semaphore_mem>>) src(%dma_wait3A_163 : memref<80xi32, #tpu.memory_space<hbm>>) dst(%arg20 : memref<80xi32, #tpu.memory_space<vmem>>)
          %dma_start3A_164 = arith.constant 0 : i32
          %dma_start3A_165 = arith.constant 0 : i32
          %dma_start3A_166 = tpu.memref_slice %arg2[%dma_start3A_164, %dma_start3A_165] : memref<10000x128xf32, #tpu.memory_space<hbm>> -> memref<10000x128xf32, #tpu.memory_space<hbm>>
          tpu.enqueue_indirect_dma source(%dma_start3A_166 : memref<10000x128xf32, #tpu.memory_space<hbm>>) target(%arg24 : memref<80x128xf32, #tpu.memory_space<vmem>>) offsets(%arg12 : memref<80xi32, #tpu.memory_space<vmem>>) semaphore(%arg37 : memref<!tpu.dma_semaphore, #tpu.memory_space<semaphore_mem>>)
        } else {
        }
        %dma_wait3A_147 = arith.constant 0 : i32
        %dma_wait3A_148 = arith.constant 0 : i32
        %dma_wait3A_149 = tpu.memref_slice %arg2[%dma_wait3A_147, %dma_wait3A_148] : memref<10000x128xf32, #tpu.memory_space<hbm>> -> memref<10000x128xf32, #tpu.memory_space<hbm>>
        tpu.wait_indirect_dma semaphore(%arg38 : memref<!tpu.dma_semaphore, #tpu.memory_space<semaphore_mem>>) src(%dma_wait3A_149 : memref<10000x128xf32, #tpu.memory_space<hbm>>) dst(%arg25 : memref<80x128xf32, #tpu.memory_space<vmem>>)
        %dma_start3A_150 = arith.constant 0 : i32
        %dma_start3A_151 = arith.constant 0 : i32
        %dma_start3A_152 = tpu.memref_slice %arg27[%dma_start3A_150, %dma_start3A_151] : memref<10112x128xf32, #tpu.memory_space<vmem_shared>> -> memref<10112x128xf32, #tpu.memory_space<vmem_shared>>
        tpu.enqueue_indirect_dma source(%arg25 : memref<80x128xf32, #tpu.memory_space<vmem>>) target(%dma_start3A_152 : memref<10112x128xf32, #tpu.memory_space<vmem_shared>>) offsets(%arg17 : memref<80xi32, #tpu.memory_space<vmem>>) semaphore(%arg42 : memref<!tpu.dma_semaphore, #tpu.memory_space<semaphore_mem>>) {add = true}
        %add3A_153 = arith.constant 5 : i32
        %add3A_154 = arith.addi %add3A_85, %add3A_153 : i32
        %lt3A_155 = arith.constant 125 : i32
        %lt3A_156 = arith.cmpi slt, %add3A_154, %lt3A_155 : i32
        %convert_element_type3A_157 = arith.extui %lt3A_156 : i1 to i32
        %cond3A_158 = arith.constant 0 : i32
        %cond3A_159 = arith.cmpi ne, %convert_element_type3A_157, %cond3A_158 : i32
        scf.if %cond3A_159 {
          %add3A_160 = arith.constant 5 : i32
          %add3A_161 = arith.addi %add3A_85, %add3A_160 : i32
          %mul3A_162 = arith.constant 80 : i32
          %mul3A_163 = arith.muli %add3A_161, %mul3A_162 : i32
          %add3A_164 = arith.addi %mul3A_2, %mul3A_163 : i32
          %dma_start3A_165 = tpu.memref_slice %arg3[%add3A_164] : memref<320000xi32, #tpu.memory_space<hbm>> -> memref<80xi32, #tpu.memory_space<hbm>>
          %dma_start3A_166 = tpu.memref_slice %arg3[%add3A_164] : memref<320000xi32, #tpu.memory_space<hbm>> -> memref<80xi32, #tpu.memory_space<hbm>>
          tpu.enqueue_dma source(%dma_start3A_166 : memref<80xi32, #tpu.memory_space<hbm>>) target(%arg14 : memref<80xi32, #tpu.memory_space<vmem>>) target_semaphore(%arg35 : memref<!tpu.dma_semaphore, #tpu.memory_space<semaphore_mem>>)
          %dma_start3A_167 = tpu.memref_slice %arg4[%add3A_164] : memref<320000xi32, #tpu.memory_space<hbm>> -> memref<80xi32, #tpu.memory_space<hbm>>
          %dma_start3A_168 = tpu.memref_slice %arg4[%add3A_164] : memref<320000xi32, #tpu.memory_space<hbm>> -> memref<80xi32, #tpu.memory_space<hbm>>
          tpu.enqueue_dma source(%dma_start3A_168 : memref<80xi32, #tpu.memory_space<hbm>>) target(%arg22 : memref<80xi32, #tpu.memory_space<vmem>>) target_semaphore(%arg35 : memref<!tpu.dma_semaphore, #tpu.memory_space<semaphore_mem>>)
        } else {
        }
      } else {
      }
      %mul3A_91 = arith.constant 8 : i32
      %mul3A_92 = arith.muli %mul3A_91, %scan3A_66 : i32
      %add3A_93 = arith.constant 3 : i32
      %add3A_94 = arith.addi %mul3A_92, %add3A_93 : i32
      %lt3A_95 = arith.constant 125 : i32
      %lt3A_96 = arith.cmpi slt, %add3A_94, %lt3A_95 : i32
      %convert_element_type3A_97 = arith.extui %lt3A_96 : i1 to i32
      %cond3A_98 = arith.constant 0 : i32
      %cond3A_99 = arith.cmpi ne, %convert_element_type3A_97, %cond3A_98 : i32
      scf.if %cond3A_99 {
        %ge3A = arith.constant 1 : i32
        %ge3A_136 = arith.cmpi sge, %add3A_94, %ge3A : i32
        %convert_element_type3A_137 = arith.extui %ge3A_136 : i1 to i32
        %cond3A_138 = arith.constant 0 : i32
        %cond3A_139 = arith.cmpi ne, %convert_element_type3A_137, %cond3A_138 : i32
        scf.if %cond3A_139 {
          %dma_wait3A_160 = arith.constant 0 : i32
          %dma_wait3A_161 = arith.constant 0 : i32
          %dma_wait3A_162 = tpu.memref_slice %arg27[%dma_wait3A_160, %dma_wait3A_161] : memref<10112x128xf32, #tpu.memory_space<vmem_shared>> -> memref<10112x128xf32, #tpu.memory_space<vmem_shared>>
          tpu.wait_indirect_dma semaphore(%arg42 : memref<!tpu.dma_semaphore, #tpu.memory_space<semaphore_mem>>) src(%arg25 : memref<80x128xf32, #tpu.memory_space<vmem>>) dst(%dma_wait3A_162 : memref<10112x128xf32, #tpu.memory_space<vmem_shared>>)
        } else {
        }
        %add3A_140 = arith.constant 3 : i32
        %add3A_141 = arith.addi %add3A_94, %add3A_140 : i32
        %lt3A_142 = arith.constant 125 : i32
        %lt3A_143 = arith.cmpi slt, %add3A_141, %lt3A_142 : i32
        %convert_element_type3A_144 = arith.extui %lt3A_143 : i1 to i32
        %cond3A_145 = arith.constant 0 : i32
        %cond3A_146 = arith.cmpi ne, %convert_element_type3A_144, %cond3A_145 : i32
        scf.if %cond3A_146 {
          %dma_wait3A_160 = tpu.memref_slice %arg3[%mul3A_2] : memref<320000xi32, #tpu.memory_space<hbm>> -> memref<80xi32, #tpu.memory_space<hbm>>
          %dma_wait3A_161 = tpu.memref_slice %arg3[%mul3A_2] : memref<320000xi32, #tpu.memory_space<hbm>> -> memref<80xi32, #tpu.memory_space<hbm>>
          tpu.wait_dma2 semaphore(%arg34 : memref<!tpu.dma_semaphore, #tpu.memory_space<semaphore_mem>>) src(%dma_wait3A_161 : memref<80xi32, #tpu.memory_space<hbm>>) dst(%arg13 : memref<80xi32, #tpu.memory_space<vmem>>)
          %dma_wait3A_162 = tpu.memref_slice %arg4[%mul3A_2] : memref<320000xi32, #tpu.memory_space<hbm>> -> memref<80xi32, #tpu.memory_space<hbm>>
          %dma_wait3A_163 = tpu.memref_slice %arg4[%mul3A_2] : memref<320000xi32, #tpu.memory_space<hbm>> -> memref<80xi32, #tpu.memory_space<hbm>>
          tpu.wait_dma2 semaphore(%arg34 : memref<!tpu.dma_semaphore, #tpu.memory_space<semaphore_mem>>) src(%dma_wait3A_163 : memref<80xi32, #tpu.memory_space<hbm>>) dst(%arg21 : memref<80xi32, #tpu.memory_space<vmem>>)
          %dma_start3A_164 = arith.constant 0 : i32
          %dma_start3A_165 = arith.constant 0 : i32
          %dma_start3A_166 = tpu.memref_slice %arg2[%dma_start3A_164, %dma_start3A_165] : memref<10000x128xf32, #tpu.memory_space<hbm>> -> memref<10000x128xf32, #tpu.memory_space<hbm>>
          tpu.enqueue_indirect_dma source(%dma_start3A_166 : memref<10000x128xf32, #tpu.memory_space<hbm>>) target(%arg25 : memref<80x128xf32, #tpu.memory_space<vmem>>) offsets(%arg13 : memref<80xi32, #tpu.memory_space<vmem>>) semaphore(%arg38 : memref<!tpu.dma_semaphore, #tpu.memory_space<semaphore_mem>>)
        } else {
        }
        %dma_wait3A_147 = arith.constant 0 : i32
        %dma_wait3A_148 = arith.constant 0 : i32
        %dma_wait3A_149 = tpu.memref_slice %arg2[%dma_wait3A_147, %dma_wait3A_148] : memref<10000x128xf32, #tpu.memory_space<hbm>> -> memref<10000x128xf32, #tpu.memory_space<hbm>>
        tpu.wait_indirect_dma semaphore(%arg39 : memref<!tpu.dma_semaphore, #tpu.memory_space<semaphore_mem>>) src(%dma_wait3A_149 : memref<10000x128xf32, #tpu.memory_space<hbm>>) dst(%arg26 : memref<80x128xf32, #tpu.memory_space<vmem>>)
        %dma_start3A_150 = arith.constant 0 : i32
        %dma_start3A_151 = arith.constant 0 : i32
        %dma_start3A_152 = tpu.memref_slice %arg27[%dma_start3A_150, %dma_start3A_151] : memref<10112x128xf32, #tpu.memory_space<vmem_shared>> -> memref<10112x128xf32, #tpu.memory_space<vmem_shared>>
        tpu.enqueue_indirect_dma source(%arg26 : memref<80x128xf32, #tpu.memory_space<vmem>>) target(%dma_start3A_152 : memref<10112x128xf32, #tpu.memory_space<vmem_shared>>) offsets(%arg18 : memref<80xi32, #tpu.memory_space<vmem>>) semaphore(%arg43 : memref<!tpu.dma_semaphore, #tpu.memory_space<semaphore_mem>>) {add = true}
        %add3A_153 = arith.constant 5 : i32
        %add3A_154 = arith.addi %add3A_94, %add3A_153 : i32
        %lt3A_155 = arith.constant 125 : i32
        %lt3A_156 = arith.cmpi slt, %add3A_154, %lt3A_155 : i32
        %convert_element_type3A_157 = arith.extui %lt3A_156 : i1 to i32
        %cond3A_158 = arith.constant 0 : i32
        %cond3A_159 = arith.cmpi ne, %convert_element_type3A_157, %cond3A_158 : i32
        scf.if %cond3A_159 {
          %add3A_160 = arith.constant 5 : i32
          %add3A_161 = arith.addi %add3A_94, %add3A_160 : i32
          %mul3A_162 = arith.constant 80 : i32
          %mul3A_163 = arith.muli %add3A_161, %mul3A_162 : i32
          %add3A_164 = arith.addi %mul3A_2, %mul3A_163 : i32
          %dma_start3A_165 = tpu.memref_slice %arg3[%add3A_164] : memref<320000xi32, #tpu.memory_space<hbm>> -> memref<80xi32, #tpu.memory_space<hbm>>
          %dma_start3A_166 = tpu.memref_slice %arg3[%add3A_164] : memref<320000xi32, #tpu.memory_space<hbm>> -> memref<80xi32, #tpu.memory_space<hbm>>
          tpu.enqueue_dma source(%dma_start3A_166 : memref<80xi32, #tpu.memory_space<hbm>>) target(%arg7 : memref<80xi32, #tpu.memory_space<vmem>>) target_semaphore(%arg28 : memref<!tpu.dma_semaphore, #tpu.memory_space<semaphore_mem>>)
          %dma_start3A_167 = tpu.memref_slice %arg4[%add3A_164] : memref<320000xi32, #tpu.memory_space<hbm>> -> memref<80xi32, #tpu.memory_space<hbm>>
          %dma_start3A_168 = tpu.memref_slice %arg4[%add3A_164] : memref<320000xi32, #tpu.memory_space<hbm>> -> memref<80xi32, #tpu.memory_space<hbm>>
          tpu.enqueue_dma source(%dma_start3A_168 : memref<80xi32, #tpu.memory_space<hbm>>) target(%arg15 : memref<80xi32, #tpu.memory_space<vmem>>) target_semaphore(%arg28 : memref<!tpu.dma_semaphore, #tpu.memory_space<semaphore_mem>>)
        } else {
        }
      } else {
      }
      %mul3A_100 = arith.constant 8 : i32
      %mul3A_101 = arith.muli %mul3A_100, %scan3A_66 : i32
      %add3A_102 = arith.constant 4 : i32
      %add3A_103 = arith.addi %mul3A_101, %add3A_102 : i32
      %lt3A_104 = arith.constant 125 : i32
      %lt3A_105 = arith.cmpi slt, %add3A_103, %lt3A_104 : i32
      %convert_element_type3A_106 = arith.extui %lt3A_105 : i1 to i32
      %cond3A_107 = arith.constant 0 : i32
      %cond3A_108 = arith.cmpi ne, %convert_element_type3A_106, %cond3A_107 : i32
      scf.if %cond3A_108 {
        %ge3A = arith.constant 1 : i32
        %ge3A_136 = arith.cmpi sge, %add3A_103, %ge3A : i32
        %convert_element_type3A_137 = arith.extui %ge3A_136 : i1 to i32
        %cond3A_138 = arith.constant 0 : i32
        %cond3A_139 = arith.cmpi ne, %convert_element_type3A_137, %cond3A_138 : i32
        scf.if %cond3A_139 {
          %dma_wait3A_160 = arith.constant 0 : i32
          %dma_wait3A_161 = arith.constant 0 : i32
          %dma_wait3A_162 = tpu.memref_slice %arg27[%dma_wait3A_160, %dma_wait3A_161] : memref<10112x128xf32, #tpu.memory_space<vmem_shared>> -> memref<10112x128xf32, #tpu.memory_space<vmem_shared>>
          tpu.wait_indirect_dma semaphore(%arg43 : memref<!tpu.dma_semaphore, #tpu.memory_space<semaphore_mem>>) src(%arg26 : memref<80x128xf32, #tpu.memory_space<vmem>>) dst(%dma_wait3A_162 : memref<10112x128xf32, #tpu.memory_space<vmem_shared>>)
        } else {
        }
        %add3A_140 = arith.constant 3 : i32
        %add3A_141 = arith.addi %add3A_103, %add3A_140 : i32
        %lt3A_142 = arith.constant 125 : i32
        %lt3A_143 = arith.cmpi slt, %add3A_141, %lt3A_142 : i32
        %convert_element_type3A_144 = arith.extui %lt3A_143 : i1 to i32
        %cond3A_145 = arith.constant 0 : i32
        %cond3A_146 = arith.cmpi ne, %convert_element_type3A_144, %cond3A_145 : i32
        scf.if %cond3A_146 {
          %dma_wait3A_160 = tpu.memref_slice %arg3[%mul3A_2] : memref<320000xi32, #tpu.memory_space<hbm>> -> memref<80xi32, #tpu.memory_space<hbm>>
          %dma_wait3A_161 = tpu.memref_slice %arg3[%mul3A_2] : memref<320000xi32, #tpu.memory_space<hbm>> -> memref<80xi32, #tpu.memory_space<hbm>>
          tpu.wait_dma2 semaphore(%arg35 : memref<!tpu.dma_semaphore, #tpu.memory_space<semaphore_mem>>) src(%dma_wait3A_161 : memref<80xi32, #tpu.memory_space<hbm>>) dst(%arg14 : memref<80xi32, #tpu.memory_space<vmem>>)
          %dma_wait3A_162 = tpu.memref_slice %arg4[%mul3A_2] : memref<320000xi32, #tpu.memory_space<hbm>> -> memref<80xi32, #tpu.memory_space<hbm>>
          %dma_wait3A_163 = tpu.memref_slice %arg4[%mul3A_2] : memref<320000xi32, #tpu.memory_space<hbm>> -> memref<80xi32, #tpu.memory_space<hbm>>
          tpu.wait_dma2 semaphore(%arg35 : memref<!tpu.dma_semaphore, #tpu.memory_space<semaphore_mem>>) src(%dma_wait3A_163 : memref<80xi32, #tpu.memory_space<hbm>>) dst(%arg22 : memref<80xi32, #tpu.memory_space<vmem>>)
          %dma_start3A_164 = arith.constant 0 : i32
          %dma_start3A_165 = arith.constant 0 : i32
          %dma_start3A_166 = tpu.memref_slice %arg2[%dma_start3A_164, %dma_start3A_165] : memref<10000x128xf32, #tpu.memory_space<hbm>> -> memref<10000x128xf32, #tpu.memory_space<hbm>>
          tpu.enqueue_indirect_dma source(%dma_start3A_166 : memref<10000x128xf32, #tpu.memory_space<hbm>>) target(%arg26 : memref<80x128xf32, #tpu.memory_space<vmem>>) offsets(%arg14 : memref<80xi32, #tpu.memory_space<vmem>>) semaphore(%arg39 : memref<!tpu.dma_semaphore, #tpu.memory_space<semaphore_mem>>)
        } else {
        }
        %dma_wait3A_147 = arith.constant 0 : i32
        %dma_wait3A_148 = arith.constant 0 : i32
        %dma_wait3A_149 = tpu.memref_slice %arg2[%dma_wait3A_147, %dma_wait3A_148] : memref<10000x128xf32, #tpu.memory_space<hbm>> -> memref<10000x128xf32, #tpu.memory_space<hbm>>
        tpu.wait_indirect_dma semaphore(%arg36 : memref<!tpu.dma_semaphore, #tpu.memory_space<semaphore_mem>>) src(%dma_wait3A_149 : memref<10000x128xf32, #tpu.memory_space<hbm>>) dst(%arg23 : memref<80x128xf32, #tpu.memory_space<vmem>>)
        %dma_start3A_150 = arith.constant 0 : i32
        %dma_start3A_151 = arith.constant 0 : i32
        %dma_start3A_152 = tpu.memref_slice %arg27[%dma_start3A_150, %dma_start3A_151] : memref<10112x128xf32, #tpu.memory_space<vmem_shared>> -> memref<10112x128xf32, #tpu.memory_space<vmem_shared>>
        tpu.enqueue_indirect_dma source(%arg23 : memref<80x128xf32, #tpu.memory_space<vmem>>) target(%dma_start3A_152 : memref<10112x128xf32, #tpu.memory_space<vmem_shared>>) offsets(%arg19 : memref<80xi32, #tpu.memory_space<vmem>>) semaphore(%arg40 : memref<!tpu.dma_semaphore, #tpu.memory_space<semaphore_mem>>) {add = true}
        %add3A_153 = arith.constant 5 : i32
        %add3A_154 = arith.addi %add3A_103, %add3A_153 : i32
        %lt3A_155 = arith.constant 125 : i32
        %lt3A_156 = arith.cmpi slt, %add3A_154, %lt3A_155 : i32
        %convert_element_type3A_157 = arith.extui %lt3A_156 : i1 to i32
        %cond3A_158 = arith.constant 0 : i32
        %cond3A_159 = arith.cmpi ne, %convert_element_type3A_157, %cond3A_158 : i32
        scf.if %cond3A_159 {
          %add3A_160 = arith.constant 5 : i32
          %add3A_161 = arith.addi %add3A_103, %add3A_160 : i32
          %mul3A_162 = arith.constant 80 : i32
          %mul3A_163 = arith.muli %add3A_161, %mul3A_162 : i32
          %add3A_164 = arith.addi %mul3A_2, %mul3A_163 : i32
          %dma_start3A_165 = tpu.memref_slice %arg3[%add3A_164] : memref<320000xi32, #tpu.memory_space<hbm>> -> memref<80xi32, #tpu.memory_space<hbm>>
          %dma_start3A_166 = tpu.memref_slice %arg3[%add3A_164] : memref<320000xi32, #tpu.memory_space<hbm>> -> memref<80xi32, #tpu.memory_space<hbm>>
          tpu.enqueue_dma source(%dma_start3A_166 : memref<80xi32, #tpu.memory_space<hbm>>) target(%arg8 : memref<80xi32, #tpu.memory_space<vmem>>) target_semaphore(%arg29 : memref<!tpu.dma_semaphore, #tpu.memory_space<semaphore_mem>>)
          %dma_start3A_167 = tpu.memref_slice %arg4[%add3A_164] : memref<320000xi32, #tpu.memory_space<hbm>> -> memref<80xi32, #tpu.memory_space<hbm>>
          %dma_start3A_168 = tpu.memref_slice %arg4[%add3A_164] : memref<320000xi32, #tpu.memory_space<hbm>> -> memref<80xi32, #tpu.memory_space<hbm>>
          tpu.enqueue_dma source(%dma_start3A_168 : memref<80xi32, #tpu.memory_space<hbm>>) target(%arg16 : memref<80xi32, #tpu.memory_space<vmem>>) target_semaphore(%arg29 : memref<!tpu.dma_semaphore, #tpu.memory_space<semaphore_mem>>)
        } else {
        }
      } else {
      }
      %mul3A_109 = arith.constant 8 : i32
      %mul3A_110 = arith.muli %mul3A_109, %scan3A_66 : i32
      %add3A_111 = arith.constant 5 : i32
      %add3A_112 = arith.addi %mul3A_110, %add3A_111 : i32
      %lt3A_113 = arith.constant 125 : i32
      %lt3A_114 = arith.cmpi slt, %add3A_112, %lt3A_113 : i32
      %convert_element_type3A_115 = arith.extui %lt3A_114 : i1 to i32
      %cond3A_116 = arith.constant 0 : i32
      %cond3A_117 = arith.cmpi ne, %convert_element_type3A_115, %cond3A_116 : i32
      scf.if %cond3A_117 {
        %ge3A = arith.constant 1 : i32
        %ge3A_136 = arith.cmpi sge, %add3A_112, %ge3A : i32
        %convert_element_type3A_137 = arith.extui %ge3A_136 : i1 to i32
        %cond3A_138 = arith.constant 0 : i32
        %cond3A_139 = arith.cmpi ne, %convert_element_type3A_137, %cond3A_138 : i32
        scf.if %cond3A_139 {
          %dma_wait3A_160 = arith.constant 0 : i32
          %dma_wait3A_161 = arith.constant 0 : i32
          %dma_wait3A_162 = tpu.memref_slice %arg27[%dma_wait3A_160, %dma_wait3A_161] : memref<10112x128xf32, #tpu.memory_space<vmem_shared>> -> memref<10112x128xf32, #tpu.memory_space<vmem_shared>>
          tpu.wait_indirect_dma semaphore(%arg40 : memref<!tpu.dma_semaphore, #tpu.memory_space<semaphore_mem>>) src(%arg23 : memref<80x128xf32, #tpu.memory_space<vmem>>) dst(%dma_wait3A_162 : memref<10112x128xf32, #tpu.memory_space<vmem_shared>>)
        } else {
        }
        %add3A_140 = arith.constant 3 : i32
        %add3A_141 = arith.addi %add3A_112, %add3A_140 : i32
        %lt3A_142 = arith.constant 125 : i32
        %lt3A_143 = arith.cmpi slt, %add3A_141, %lt3A_142 : i32
        %convert_element_type3A_144 = arith.extui %lt3A_143 : i1 to i32
        %cond3A_145 = arith.constant 0 : i32
        %cond3A_146 = arith.cmpi ne, %convert_element_type3A_144, %cond3A_145 : i32
        scf.if %cond3A_146 {
          %dma_wait3A_160 = tpu.memref_slice %arg3[%mul3A_2] : memref<320000xi32, #tpu.memory_space<hbm>> -> memref<80xi32, #tpu.memory_space<hbm>>
          %dma_wait3A_161 = tpu.memref_slice %arg3[%mul3A_2] : memref<320000xi32, #tpu.memory_space<hbm>> -> memref<80xi32, #tpu.memory_space<hbm>>
          tpu.wait_dma2 semaphore(%arg28 : memref<!tpu.dma_semaphore, #tpu.memory_space<semaphore_mem>>) src(%dma_wait3A_161 : memref<80xi32, #tpu.memory_space<hbm>>) dst(%arg7 : memref<80xi32, #tpu.memory_space<vmem>>)
          %dma_wait3A_162 = tpu.memref_slice %arg4[%mul3A_2] : memref<320000xi32, #tpu.memory_space<hbm>> -> memref<80xi32, #tpu.memory_space<hbm>>
          %dma_wait3A_163 = tpu.memref_slice %arg4[%mul3A_2] : memref<320000xi32, #tpu.memory_space<hbm>> -> memref<80xi32, #tpu.memory_space<hbm>>
          tpu.wait_dma2 semaphore(%arg28 : memref<!tpu.dma_semaphore, #tpu.memory_space<semaphore_mem>>) src(%dma_wait3A_163 : memref<80xi32, #tpu.memory_space<hbm>>) dst(%arg15 : memref<80xi32, #tpu.memory_space<vmem>>)
          %dma_start3A_164 = arith.constant 0 : i32
          %dma_start3A_165 = arith.constant 0 : i32
          %dma_start3A_166 = tpu.memref_slice %arg2[%dma_start3A_164, %dma_start3A_165] : memref<10000x128xf32, #tpu.memory_space<hbm>> -> memref<10000x128xf32, #tpu.memory_space<hbm>>
          tpu.enqueue_indirect_dma source(%dma_start3A_166 : memref<10000x128xf32, #tpu.memory_space<hbm>>) target(%arg23 : memref<80x128xf32, #tpu.memory_space<vmem>>) offsets(%arg7 : memref<80xi32, #tpu.memory_space<vmem>>) semaphore(%arg36 : memref<!tpu.dma_semaphore, #tpu.memory_space<semaphore_mem>>)
        } else {
        }
        %dma_wait3A_147 = arith.constant 0 : i32
        %dma_wait3A_148 = arith.constant 0 : i32
        %dma_wait3A_149 = tpu.memref_slice %arg2[%dma_wait3A_147, %dma_wait3A_148] : memref<10000x128xf32, #tpu.memory_space<hbm>> -> memref<10000x128xf32, #tpu.memory_space<hbm>>
        tpu.wait_indirect_dma semaphore(%arg37 : memref<!tpu.dma_semaphore, #tpu.memory_space<semaphore_mem>>) src(%dma_wait3A_149 : memref<10000x128xf32, #tpu.memory_space<hbm>>) dst(%arg24 : memref<80x128xf32, #tpu.memory_space<vmem>>)
        %dma_start3A_150 = arith.constant 0 : i32
        %dma_start3A_151 = arith.constant 0 : i32
        %dma_start3A_152 = tpu.memref_slice %arg27[%dma_start3A_150, %dma_start3A_151] : memref<10112x128xf32, #tpu.memory_space<vmem_shared>> -> memref<10112x128xf32, #tpu.memory_space<vmem_shared>>
        tpu.enqueue_indirect_dma source(%arg24 : memref<80x128xf32, #tpu.memory_space<vmem>>) target(%dma_start3A_152 : memref<10112x128xf32, #tpu.memory_space<vmem_shared>>) offsets(%arg20 : memref<80xi32, #tpu.memory_space<vmem>>) semaphore(%arg41 : memref<!tpu.dma_semaphore, #tpu.memory_space<semaphore_mem>>) {add = true}
        %add3A_153 = arith.constant 5 : i32
        %add3A_154 = arith.addi %add3A_112, %add3A_153 : i32
        %lt3A_155 = arith.constant 125 : i32
        %lt3A_156 = arith.cmpi slt, %add3A_154, %lt3A_155 : i32
        %convert_element_type3A_157 = arith.extui %lt3A_156 : i1 to i32
        %cond3A_158 = arith.constant 0 : i32
        %cond3A_159 = arith.cmpi ne, %convert_element_type3A_157, %cond3A_158 : i32
        scf.if %cond3A_159 {
          %add3A_160 = arith.constant 5 : i32
          %add3A_161 = arith.addi %add3A_112, %add3A_160 : i32
          %mul3A_162 = arith.constant 80 : i32
          %mul3A_163 = arith.muli %add3A_161, %mul3A_162 : i32
          %add3A_164 = arith.addi %mul3A_2, %mul3A_163 : i32
          %dma_start3A_165 = tpu.memref_slice %arg3[%add3A_164] : memref<320000xi32, #tpu.memory_space<hbm>> -> memref<80xi32, #tpu.memory_space<hbm>>
          %dma_start3A_166 = tpu.memref_slice %arg3[%add3A_164] : memref<320000xi32, #tpu.memory_space<hbm>> -> memref<80xi32, #tpu.memory_space<hbm>>
          tpu.enqueue_dma source(%dma_start3A_166 : memref<80xi32, #tpu.memory_space<hbm>>) target(%arg9 : memref<80xi32, #tpu.memory_space<vmem>>) target_semaphore(%arg30 : memref<!tpu.dma_semaphore, #tpu.memory_space<semaphore_mem>>)
          %dma_start3A_167 = tpu.memref_slice %arg4[%add3A_164] : memref<320000xi32, #tpu.memory_space<hbm>> -> memref<80xi32, #tpu.memory_space<hbm>>
          %dma_start3A_168 = tpu.memref_slice %arg4[%add3A_164] : memref<320000xi32, #tpu.memory_space<hbm>> -> memref<80xi32, #tpu.memory_space<hbm>>
          tpu.enqueue_dma source(%dma_start3A_168 : memref<80xi32, #tpu.memory_space<hbm>>) target(%arg17 : memref<80xi32, #tpu.memory_space<vmem>>) target_semaphore(%arg30 : memref<!tpu.dma_semaphore, #tpu.memory_space<semaphore_mem>>)
        } else {
        }
      } else {
      }
      %mul3A_118 = arith.constant 8 : i32
      %mul3A_119 = arith.muli %mul3A_118, %scan3A_66 : i32
      %add3A_120 = arith.constant 6 : i32
      %add3A_121 = arith.addi %mul3A_119, %add3A_120 : i32
      %lt3A_122 = arith.constant 125 : i32
      %lt3A_123 = arith.cmpi slt, %add3A_121, %lt3A_122 : i32
      %convert_element_type3A_124 = arith.extui %lt3A_123 : i1 to i32
      %cond3A_125 = arith.constant 0 : i32
      %cond3A_126 = arith.cmpi ne, %convert_element_type3A_124, %cond3A_125 : i32
      scf.if %cond3A_126 {
        %ge3A = arith.constant 1 : i32
        %ge3A_136 = arith.cmpi sge, %add3A_121, %ge3A : i32
        %convert_element_type3A_137 = arith.extui %ge3A_136 : i1 to i32
        %cond3A_138 = arith.constant 0 : i32
        %cond3A_139 = arith.cmpi ne, %convert_element_type3A_137, %cond3A_138 : i32
        scf.if %cond3A_139 {
          %dma_wait3A_160 = arith.constant 0 : i32
          %dma_wait3A_161 = arith.constant 0 : i32
          %dma_wait3A_162 = tpu.memref_slice %arg27[%dma_wait3A_160, %dma_wait3A_161] : memref<10112x128xf32, #tpu.memory_space<vmem_shared>> -> memref<10112x128xf32, #tpu.memory_space<vmem_shared>>
          tpu.wait_indirect_dma semaphore(%arg41 : memref<!tpu.dma_semaphore, #tpu.memory_space<semaphore_mem>>) src(%arg24 : memref<80x128xf32, #tpu.memory_space<vmem>>) dst(%dma_wait3A_162 : memref<10112x128xf32, #tpu.memory_space<vmem_shared>>)
        } else {
        }
        %add3A_140 = arith.constant 3 : i32
        %add3A_141 = arith.addi %add3A_121, %add3A_140 : i32
        %lt3A_142 = arith.constant 125 : i32
        %lt3A_143 = arith.cmpi slt, %add3A_141, %lt3A_142 : i32
        %convert_element_type3A_144 = arith.extui %lt3A_143 : i1 to i32
        %cond3A_145 = arith.constant 0 : i32
        %cond3A_146 = arith.cmpi ne, %convert_element_type3A_144, %cond3A_145 : i32
        scf.if %cond3A_146 {
          %dma_wait3A_160 = tpu.memref_slice %arg3[%mul3A_2] : memref<320000xi32, #tpu.memory_space<hbm>> -> memref<80xi32, #tpu.memory_space<hbm>>
          %dma_wait3A_161 = tpu.memref_slice %arg3[%mul3A_2] : memref<320000xi32, #tpu.memory_space<hbm>> -> memref<80xi32, #tpu.memory_space<hbm>>
          tpu.wait_dma2 semaphore(%arg29 : memref<!tpu.dma_semaphore, #tpu.memory_space<semaphore_mem>>) src(%dma_wait3A_161 : memref<80xi32, #tpu.memory_space<hbm>>) dst(%arg8 : memref<80xi32, #tpu.memory_space<vmem>>)
          %dma_wait3A_162 = tpu.memref_slice %arg4[%mul3A_2] : memref<320000xi32, #tpu.memory_space<hbm>> -> memref<80xi32, #tpu.memory_space<hbm>>
          %dma_wait3A_163 = tpu.memref_slice %arg4[%mul3A_2] : memref<320000xi32, #tpu.memory_space<hbm>> -> memref<80xi32, #tpu.memory_space<hbm>>
          tpu.wait_dma2 semaphore(%arg29 : memref<!tpu.dma_semaphore, #tpu.memory_space<semaphore_mem>>) src(%dma_wait3A_163 : memref<80xi32, #tpu.memory_space<hbm>>) dst(%arg16 : memref<80xi32, #tpu.memory_space<vmem>>)
          %dma_start3A_164 = arith.constant 0 : i32
          %dma_start3A_165 = arith.constant 0 : i32
          %dma_start3A_166 = tpu.memref_slice %arg2[%dma_start3A_164, %dma_start3A_165] : memref<10000x128xf32, #tpu.memory_space<hbm>> -> memref<10000x128xf32, #tpu.memory_space<hbm>>
          tpu.enqueue_indirect_dma source(%dma_start3A_166 : memref<10000x128xf32, #tpu.memory_space<hbm>>) target(%arg24 : memref<80x128xf32, #tpu.memory_space<vmem>>) offsets(%arg8 : memref<80xi32, #tpu.memory_space<vmem>>) semaphore(%arg37 : memref<!tpu.dma_semaphore, #tpu.memory_space<semaphore_mem>>)
        } else {
        }
        %dma_wait3A_147 = arith.constant 0 : i32
        %dma_wait3A_148 = arith.constant 0 : i32
        %dma_wait3A_149 = tpu.memref_slice %arg2[%dma_wait3A_147, %dma_wait3A_148] : memref<10000x128xf32, #tpu.memory_space<hbm>> -> memref<10000x128xf32, #tpu.memory_space<hbm>>
        tpu.wait_indirect_dma semaphore(%arg38 : memref<!tpu.dma_semaphore, #tpu.memory_space<semaphore_mem>>) src(%dma_wait3A_149 : memref<10000x128xf32, #tpu.memory_space<hbm>>) dst(%arg25 : memref<80x128xf32, #tpu.memory_space<vmem>>)
        %dma_start3A_150 = arith.constant 0 : i32
        %dma_start3A_151 = arith.constant 0 : i32
        %dma_start3A_152 = tpu.memref_slice %arg27[%dma_start3A_150, %dma_start3A_151] : memref<10112x128xf32, #tpu.memory_space<vmem_shared>> -> memref<10112x128xf32, #tpu.memory_space<vmem_shared>>
        tpu.enqueue_indirect_dma source(%arg25 : memref<80x128xf32, #tpu.memory_space<vmem>>) target(%dma_start3A_152 : memref<10112x128xf32, #tpu.memory_space<vmem_shared>>) offsets(%arg21 : memref<80xi32, #tpu.memory_space<vmem>>) semaphore(%arg42 : memref<!tpu.dma_semaphore, #tpu.memory_space<semaphore_mem>>) {add = true}
        %add3A_153 = arith.constant 5 : i32
        %add3A_154 = arith.addi %add3A_121, %add3A_153 : i32
        %lt3A_155 = arith.constant 125 : i32
        %lt3A_156 = arith.cmpi slt, %add3A_154, %lt3A_155 : i32
        %convert_element_type3A_157 = arith.extui %lt3A_156 : i1 to i32
        %cond3A_158 = arith.constant 0 : i32
        %cond3A_159 = arith.cmpi ne, %convert_element_type3A_157, %cond3A_158 : i32
        scf.if %cond3A_159 {
          %add3A_160 = arith.constant 5 : i32
          %add3A_161 = arith.addi %add3A_121, %add3A_160 : i32
          %mul3A_162 = arith.constant 80 : i32
          %mul3A_163 = arith.muli %add3A_161, %mul3A_162 : i32
          %add3A_164 = arith.addi %mul3A_2, %mul3A_163 : i32
          %dma_start3A_165 = tpu.memref_slice %arg3[%add3A_164] : memref<320000xi32, #tpu.memory_space<hbm>> -> memref<80xi32, #tpu.memory_space<hbm>>
          %dma_start3A_166 = tpu.memref_slice %arg3[%add3A_164] : memref<320000xi32, #tpu.memory_space<hbm>> -> memref<80xi32, #tpu.memory_space<hbm>>
          tpu.enqueue_dma source(%dma_start3A_166 : memref<80xi32, #tpu.memory_space<hbm>>) target(%arg10 : memref<80xi32, #tpu.memory_space<vmem>>) target_semaphore(%arg31 : memref<!tpu.dma_semaphore, #tpu.memory_space<semaphore_mem>>)
          %dma_start3A_167 = tpu.memref_slice %arg4[%add3A_164] : memref<320000xi32, #tpu.memory_space<hbm>> -> memref<80xi32, #tpu.memory_space<hbm>>
          %dma_start3A_168 = tpu.memref_slice %arg4[%add3A_164] : memref<320000xi32, #tpu.memory_space<hbm>> -> memref<80xi32, #tpu.memory_space<hbm>>
          tpu.enqueue_dma source(%dma_start3A_168 : memref<80xi32, #tpu.memory_space<hbm>>) target(%arg18 : memref<80xi32, #tpu.memory_space<vmem>>) target_semaphore(%arg31 : memref<!tpu.dma_semaphore, #tpu.memory_space<semaphore_mem>>)
        } else {
        }
      } else {
      }
      %mul3A_127 = arith.constant 8 : i32
      %mul3A_128 = arith.muli %mul3A_127, %scan3A_66 : i32
      %add3A_129 = arith.constant 7 : i32
      %add3A_130 = arith.addi %mul3A_128, %add3A_129 : i32
      %lt3A_131 = arith.constant 125 : i32
      %lt3A_132 = arith.cmpi slt, %add3A_130, %lt3A_131 : i32
      %convert_element_type3A_133 = arith.extui %lt3A_132 : i1 to i32
      %cond3A_134 = arith.constant 0 : i32
      %cond3A_135 = arith.cmpi ne, %convert_element_type3A_133, %cond3A_134 : i32
      scf.if %cond3A_135 {
        %ge3A = arith.constant 1 : i32
        %ge3A_136 = arith.cmpi sge, %add3A_130, %ge3A : i32
        %convert_element_type3A_137 = arith.extui %ge3A_136 : i1 to i32
        %cond3A_138 = arith.constant 0 : i32
        %cond3A_139 = arith.cmpi ne, %convert_element_type3A_137, %cond3A_138 : i32
        scf.if %cond3A_139 {
          %dma_wait3A_160 = arith.constant 0 : i32
          %dma_wait3A_161 = arith.constant 0 : i32
          %dma_wait3A_162 = tpu.memref_slice %arg27[%dma_wait3A_160, %dma_wait3A_161] : memref<10112x128xf32, #tpu.memory_space<vmem_shared>> -> memref<10112x128xf32, #tpu.memory_space<vmem_shared>>
          tpu.wait_indirect_dma semaphore(%arg42 : memref<!tpu.dma_semaphore, #tpu.memory_space<semaphore_mem>>) src(%arg25 : memref<80x128xf32, #tpu.memory_space<vmem>>) dst(%dma_wait3A_162 : memref<10112x128xf32, #tpu.memory_space<vmem_shared>>)
        } else {
        }
        %add3A_140 = arith.constant 3 : i32
        %add3A_141 = arith.addi %add3A_130, %add3A_140 : i32
        %lt3A_142 = arith.constant 125 : i32
        %lt3A_143 = arith.cmpi slt, %add3A_141, %lt3A_142 : i32
        %convert_element_type3A_144 = arith.extui %lt3A_143 : i1 to i32
        %cond3A_145 = arith.constant 0 : i32
        %cond3A_146 = arith.cmpi ne, %convert_element_type3A_144, %cond3A_145 : i32
        scf.if %cond3A_146 {
          %dma_wait3A_160 = tpu.memref_slice %arg3[%mul3A_2] : memref<320000xi32, #tpu.memory_space<hbm>> -> memref<80xi32, #tpu.memory_space<hbm>>
          %dma_wait3A_161 = tpu.memref_slice %arg3[%mul3A_2] : memref<320000xi32, #tpu.memory_space<hbm>> -> memref<80xi32, #tpu.memory_space<hbm>>
          tpu.wait_dma2 semaphore(%arg30 : memref<!tpu.dma_semaphore, #tpu.memory_space<semaphore_mem>>) src(%dma_wait3A_161 : memref<80xi32, #tpu.memory_space<hbm>>) dst(%arg9 : memref<80xi32, #tpu.memory_space<vmem>>)
          %dma_wait3A_162 = tpu.memref_slice %arg4[%mul3A_2] : memref<320000xi32, #tpu.memory_space<hbm>> -> memref<80xi32, #tpu.memory_space<hbm>>
          %dma_wait3A_163 = tpu.memref_slice %arg4[%mul3A_2] : memref<320000xi32, #tpu.memory_space<hbm>> -> memref<80xi32, #tpu.memory_space<hbm>>
          tpu.wait_dma2 semaphore(%arg30 : memref<!tpu.dma_semaphore, #tpu.memory_space<semaphore_mem>>) src(%dma_wait3A_163 : memref<80xi32, #tpu.memory_space<hbm>>) dst(%arg17 : memref<80xi32, #tpu.memory_space<vmem>>)
          %dma_start3A_164 = arith.constant 0 : i32
          %dma_start3A_165 = arith.constant 0 : i32
          %dma_start3A_166 = tpu.memref_slice %arg2[%dma_start3A_164, %dma_start3A_165] : memref<10000x128xf32, #tpu.memory_space<hbm>> -> memref<10000x128xf32, #tpu.memory_space<hbm>>
          tpu.enqueue_indirect_dma source(%dma_start3A_166 : memref<10000x128xf32, #tpu.memory_space<hbm>>) target(%arg25 : memref<80x128xf32, #tpu.memory_space<vmem>>) offsets(%arg9 : memref<80xi32, #tpu.memory_space<vmem>>) semaphore(%arg38 : memref<!tpu.dma_semaphore, #tpu.memory_space<semaphore_mem>>)
        } else {
        }
        %dma_wait3A_147 = arith.constant 0 : i32
        %dma_wait3A_148 = arith.constant 0 : i32
        %dma_wait3A_149 = tpu.memref_slice %arg2[%dma_wait3A_147, %dma_wait3A_148] : memref<10000x128xf32, #tpu.memory_space<hbm>> -> memref<10000x128xf32, #tpu.memory_space<hbm>>
        tpu.wait_indirect_dma semaphore(%arg39 : memref<!tpu.dma_semaphore, #tpu.memory_space<semaphore_mem>>) src(%dma_wait3A_149 : memref<10000x128xf32, #tpu.memory_space<hbm>>) dst(%arg26 : memref<80x128xf32, #tpu.memory_space<vmem>>)
        %dma_start3A_150 = arith.constant 0 : i32
        %dma_start3A_151 = arith.constant 0 : i32
        %dma_start3A_152 = tpu.memref_slice %arg27[%dma_start3A_150, %dma_start3A_151] : memref<10112x128xf32, #tpu.memory_space<vmem_shared>> -> memref<10112x128xf32, #tpu.memory_space<vmem_shared>>
        tpu.enqueue_indirect_dma source(%arg26 : memref<80x128xf32, #tpu.memory_space<vmem>>) target(%dma_start3A_152 : memref<10112x128xf32, #tpu.memory_space<vmem_shared>>) offsets(%arg22 : memref<80xi32, #tpu.memory_space<vmem>>) semaphore(%arg43 : memref<!tpu.dma_semaphore, #tpu.memory_space<semaphore_mem>>) {add = true}
        %add3A_153 = arith.constant 5 : i32
        %add3A_154 = arith.addi %add3A_130, %add3A_153 : i32
        %lt3A_155 = arith.constant 125 : i32
        %lt3A_156 = arith.cmpi slt, %add3A_154, %lt3A_155 : i32
        %convert_element_type3A_157 = arith.extui %lt3A_156 : i1 to i32
        %cond3A_158 = arith.constant 0 : i32
        %cond3A_159 = arith.cmpi ne, %convert_element_type3A_157, %cond3A_158 : i32
        scf.if %cond3A_159 {
          %add3A_160 = arith.constant 5 : i32
          %add3A_161 = arith.addi %add3A_130, %add3A_160 : i32
          %mul3A_162 = arith.constant 80 : i32
          %mul3A_163 = arith.muli %add3A_161, %mul3A_162 : i32
          %add3A_164 = arith.addi %mul3A_2, %mul3A_163 : i32
          %dma_start3A_165 = tpu.memref_slice %arg3[%add3A_164] : memref<320000xi32, #tpu.memory_space<hbm>> -> memref<80xi32, #tpu.memory_space<hbm>>
          %dma_start3A_166 = tpu.memref_slice %arg3[%add3A_164] : memref<320000xi32, #tpu.memory_space<hbm>> -> memref<80xi32, #tpu.memory_space<hbm>>
          tpu.enqueue_dma source(%dma_start3A_166 : memref<80xi32, #tpu.memory_space<hbm>>) target(%arg11 : memref<80xi32, #tpu.memory_space<vmem>>) target_semaphore(%arg32 : memref<!tpu.dma_semaphore, #tpu.memory_space<semaphore_mem>>)
          %dma_start3A_167 = tpu.memref_slice %arg4[%add3A_164] : memref<320000xi32, #tpu.memory_space<hbm>> -> memref<80xi32, #tpu.memory_space<hbm>>
          %dma_start3A_168 = tpu.memref_slice %arg4[%add3A_164] : memref<320000xi32, #tpu.memory_space<hbm>> -> memref<80xi32, #tpu.memory_space<hbm>>
          tpu.enqueue_dma source(%dma_start3A_168 : memref<80xi32, #tpu.memory_space<hbm>>) target(%arg19 : memref<80xi32, #tpu.memory_space<vmem>>) target_semaphore(%arg32 : memref<!tpu.dma_semaphore, #tpu.memory_space<semaphore_mem>>)
        } else {
        }
      } else {
      }
    }
    %scan3A_58 = arith.constant 16 : i32
    %dma_wait3A_59 = arith.constant 0 : i32
    %dma_wait3A_60 = arith.constant 0 : i32
    %dma_wait3A_61 = tpu.memref_slice %arg27[%dma_wait3A_59, %dma_wait3A_60] : memref<10112x128xf32, #tpu.memory_space<vmem_shared>> -> memref<10112x128xf32, #tpu.memory_space<vmem_shared>>
    tpu.wait_indirect_dma semaphore(%arg40 : memref<!tpu.dma_semaphore, #tpu.memory_space<semaphore_mem>>) src(%arg23 : memref<80x128xf32, #tpu.memory_space<vmem>>) dst(%dma_wait3A_61 : memref<10112x128xf32, #tpu.memory_space<vmem_shared>>)
    %barrier3A_62 = arith.constant 0 : index
    tpu.barrier barrier_id(%barrier3A_62)
    %mul3A_63 = arith.constant 10112 : i32
    %mul3A_64 = arith.muli %arg0, %mul3A_63 : i32
    %add3A_65 = arith.addi %mul3A_64, %mul3A_4 : i32
    "tpu.region"() ({
      %run_scoped3A = tpu.sem_alloc : memref<!tpu.dma_semaphore, #tpu.memory_space<semaphore_mem>>
      %dma_start3A_66 = arith.constant 0 : i32
      %dma_start3A_67 = tpu.memref_slice %arg6[%add3A_65, %dma_start3A_66] : memref<20224x128xf32, #tpu.memory_space<hbm>> -> memref<632x128xf32, #tpu.memory_space<hbm>>
      %dma_start3A_68 = arith.constant 0 : i32
      %dma_start3A_69 = tpu.memref_slice %arg27[%mul3A_4, %dma_start3A_68] : memref<10112x128xf32, #tpu.memory_space<vmem_shared>> -> memref<632x128xf32, #tpu.memory_space<vmem_shared>>
      tpu.enqueue_dma source(%dma_start3A_69 : memref<632x128xf32, #tpu.memory_space<vmem_shared>>) target(%dma_start3A_67 : memref<632x128xf32, #tpu.memory_space<hbm>>) target_semaphore(%run_scoped3A : memref<!tpu.dma_semaphore, #tpu.memory_space<semaphore_mem>>)
      %dma_wait3A_70 = arith.constant 0 : i32
      %dma_wait3A_71 = tpu.memref_slice %arg6[%add3A_65, %dma_wait3A_70] : memref<20224x128xf32, #tpu.memory_space<hbm>> -> memref<632x128xf32, #tpu.memory_space<hbm>>
      %dma_wait3A_72 = arith.constant 0 : i32
      %dma_wait3A_73 = tpu.memref_slice %arg27[%mul3A_4, %dma_wait3A_72] : memref<10112x128xf32, #tpu.memory_space<vmem_shared>> -> memref<632x128xf32, #tpu.memory_space<vmem_shared>>
      tpu.wait_dma2 semaphore(%run_scoped3A : memref<!tpu.dma_semaphore, #tpu.memory_space<semaphore_mem>>) src(%dma_wait3A_73 : memref<632x128xf32, #tpu.memory_space<vmem_shared>>) dst(%dma_wait3A_71 : memref<632x128xf32, #tpu.memory_space<hbm>>)
      tpu.yield
    }) : () -> ()
    return
  }
}

module attributes {stable_mosaic.version = 14 : i64} {
  func.func @body(%arg0: i32, %arg1: memref<2000x128xf32, #tpu.memory_space<vmem>>, %arg2: memref<128x128xf32, #tpu.memory_space<vmem>>, %arg3: memref<2000x128xf32, #tpu.memory_space<vmem>>) attributes {dimension_semantics = [#tpu.dimension_semantics<arbitrary>], iteration_bounds = array<i64: 5>, scalar_prefetch = 0 : i64, scratch_operands = 0 : i64, tpu.core_type = #tpu.core_type<tc>, window_params = [{transform_indices = @transform_0, window_bounds = array<i64: 2000, 128>}, {pipeline_mode = #tpu.pipeline_mode<synchronous>, transform_indices = @transform_1, window_bounds = array<i64: 128, 128>}, {transform_indices = @transform_2, window_bounds = array<i64: 2000, 128>}]} {
    %get3A = arith.constant 0 : index
    %get3A_0 = arith.constant 0 : index
    %get3A_1 = vector.load %arg1[%get3A, %get3A_0] : memref<2000x128xf32, #tpu.memory_space<vmem>>, vector<2000x128xf32>
    %get3A_2 = arith.constant 0 : index
    %get3A_3 = arith.constant 0 : index
    %get3A_4 = vector.load %arg2[%get3A_2, %get3A_3] : memref<128x128xf32, #tpu.memory_space<vmem>>, vector<128x128xf32>
    %dot_general3A = arith.constant dense<0.000000e+00> : vector<2000x128xf32>
    %dot_general3A_5 = tpu.matmul %get3A_1, %get3A_4, %dot_general3A {dimension_numbers = #tpu.dot_dimension_numbers<[1], [0], [0], [1], [0, 0, 1, 1], [], []>, transpose_lhs_hint = false} : vector<2000x128xf32>, vector<128x128xf32>, vector<2000x128xf32> -> vector<2000x128xf32>
    %swap3A = arith.constant 0 : index
    %swap3A_6 = arith.constant 0 : index
    %swap3A_7 = vector.load %arg3[%swap3A, %swap3A_6] : memref<2000x128xf32, #tpu.memory_space<vmem>>, vector<2000x128xf32>
    tpu.vector_store %arg3[%swap3A, %swap3A_6], %dot_general3A_5 {strides = array<i32>} : memref<2000x128xf32, #tpu.memory_space<vmem>>, vector<2000x128xf32>,
    return
  }
  func.func @transform_0(%arg0: i32) -> (i32, i32) {
    %c0_i32 = arith.constant 0 : i32
    %c0_i32_0 = arith.constant 0 : i32
    return %arg0, %c0_i32 : i32, i32
  }
  func.func @transform_1(%arg0: i32) -> (i32, i32) {
    %c0_i32 = arith.constant 0 : i32
    %c0_i32_0 = arith.constant 0 : i32
    %c0_i32_1 = arith.constant 0 : i32
    return %c0_i32, %c0_i32_0 : i32, i32
  }
  func.func @transform_2(%arg0: i32) -> (i32, i32) {
    %c0_i32 = arith.constant 0 : i32
    %c0_i32_0 = arith.constant 0 : i32
    return %arg0, %c0_i32 : i32, i32
  }
}

module attributes {stable_mosaic.version = 14 : i64} {
  func.func @body(%arg0: i32, %arg1: memref<2x2000x128xf32, #tpu.memory_space<vmem>>, %arg2: memref<1x128xf32, #tpu.memory_space<vmem>>, %arg3: memref<128x64xf32, #tpu.memory_space<vmem>>, %arg4: memref<2000x128xf32, #tpu.memory_space<vmem>>) attributes {dimension_semantics = [#tpu.dimension_semantics<arbitrary>], iteration_bounds = array<i64: 5>, scalar_prefetch = 0 : i64, scratch_operands = 0 : i64, tpu.core_type = #tpu.core_type<tc>, window_params = [{transform_indices = @transform_0, window_bounds = array<i64: 2, 2000, 128>}, {pipeline_mode = #tpu.pipeline_mode<synchronous>, transform_indices = @transform_1, window_bounds = array<i64: 1, 128>}, {pipeline_mode = #tpu.pipeline_mode<synchronous>, transform_indices = @transform_2, window_bounds = array<i64: 128, 64>}, {transform_indices = @transform_3, window_bounds = array<i64: 2000, 128>}]} {
    %get3A = arith.constant 0 : index
    %get3A_0 = arith.constant 0 : index
    %get3A_1 = arith.constant 0 : index
    %get3A_2 = vector.load %arg1[%get3A, %get3A_0, %get3A_1] : memref<2x2000x128xf32, #tpu.memory_space<vmem>>, vector<1x2000x128xf32>
    %get3A_3 = vector.shape_cast %get3A_2 : vector<1x2000x128xf32> to vector<2000x128xf32>
    %get3A_4 = arith.constant 1 : index
    %get3A_5 = arith.constant 0 : index
    %get3A_6 = arith.constant 0 : index
    %get3A_7 = vector.load %arg1[%get3A_4, %get3A_5, %get3A_6] : memref<2x2000x128xf32, #tpu.memory_space<vmem>>, vector<1x2000x128xf32>
    %get3A_8 = vector.shape_cast %get3A_7 : vector<1x2000x128xf32> to vector<2000x128xf32>
    %add3A = arith.addf %get3A_3, %get3A_8 : vector<2000x128xf32>
    %get3A_9 = arith.constant 0 : index
    %get3A_10 = arith.constant 0 : index
    %get3A_11 = vector.load %arg2[%get3A_9, %get3A_10] : memref<1x128xf32, #tpu.memory_space<vmem>>, vector<1x128xf32>
    %add3A_12 = vector.broadcast %get3A_11 : vector<1x128xf32> to vector<2000x128xf32>
    %add3A_13 = arith.addf %add3A, %add3A_12 : vector<2000x128xf32>
    %gt3A = arith.constant 0.000000e+00 : f32
    %gt3A_14 = vector.broadcast %gt3A : f32 to vector<2000x128xf32>
    %gt3A_15 = arith.cmpf ogt, %add3A_13, %gt3A_14 : vector<2000x128xf32>
    %min3A = arith.constant 0.000000e+00 : f32
    %min3A_16 = vector.broadcast %min3A : f32 to vector<2000x128xf32>
    %min3A_17 = arith.minimumf %add3A_13, %min3A_16 : vector<2000x128xf32>
    %exp3A = math.exp %min3A_17 : vector<2000x128xf32>
    %sub3A = arith.constant 1.000000e+00 : f32
    %sub3A_18 = vector.broadcast %sub3A : f32 to vector<2000x128xf32>
    %sub3A_19 = arith.subf %exp3A, %sub3A_18 : vector<2000x128xf32>
    %select_n3A = arith.select %gt3A_15, %add3A_13, %sub3A_19 : vector<2000x128xi1>, vector<2000x128xf32>
    %get3A_20 = arith.constant 0 : index
    %get3A_21 = arith.constant 0 : index
    %get3A_22 = vector.load %arg3[%get3A_20, %get3A_21] : memref<128x64xf32, #tpu.memory_space<vmem>>, vector<128x64xf32>
    %dot_general3A = arith.constant dense<0.000000e+00> : vector<2000x64xf32>
    %dot_general3A_23 = tpu.matmul %select_n3A, %get3A_22, %dot_general3A {dimension_numbers = #tpu.dot_dimension_numbers<[1], [0], [0], [1], [0, 0, 1, 1], [], []>, transpose_lhs_hint = false} : vector<2000x128xf32>, vector<128x64xf32>, vector<2000x64xf32> -> vector<2000x64xf32>
    %jit3A = arith.constant 0 : i32
    %convert_element_type3A = arith.sitofp %jit3A : i32 to f32
    %pad3A = vector.broadcast %convert_element_type3A : f32 to vector<2000x64xf32>
    %pad3A_24 = tpu.concatenate %dot_general3A_23, %pad3A in 1 : vector<2000x64xf32>, vector<2000x64xf32> -> vector<2000x128xf32>
    %swap3A = arith.constant 0 : index
    %swap3A_25 = arith.constant 0 : index
    %swap3A_26 = vector.load %arg4[%swap3A, %swap3A_25] : memref<2000x128xf32, #tpu.memory_space<vmem>>, vector<2000x128xf32>
    tpu.vector_store %arg4[%swap3A, %swap3A_25], %pad3A_24 {strides = array<i32>} : memref<2000x128xf32, #tpu.memory_space<vmem>>, vector<2000x128xf32>,
    return
  }
  func.func @transform_0(%arg0: i32) -> (i32, i32, i32) {
    %c0_i32 = arith.constant 0 : i32
    %c0_i32_0 = arith.constant 0 : i32
    %c0_i32_1 = arith.constant 0 : i32
    return %c0_i32, %arg0, %c0_i32_0 : i32, i32, i32
  }
  func.func @transform_1(%arg0: i32) -> (i32, i32) {
    %c0_i32 = arith.constant 0 : i32
    %c0_i32_0 = arith.constant 0 : i32
    %c0_i32_1 = arith.constant 0 : i32
    return %c0_i32, %c0_i32_0 : i32, i32
  }
  func.func @transform_2(%arg0: i32) -> (i32, i32) {
    %c0_i32 = arith.constant 0 : i32
    %c0_i32_0 = arith.constant 0 : i32
    %c0_i32_1 = arith.constant 0 : i32
    return %c0_i32, %c0_i32_0 : i32, i32
  }
  func.func @transform_3(%arg0: i32) -> (i32, i32) {
    %c0_i32 = arith.constant 0 : i32
    %c0_i32_0 = arith.constant 0 : i32
    return %arg0, %c0_i32 : i32, i32
  }
}

module attributes {stable_mosaic.version = 14 : i64} {
  func.func @body(%arg0: i32, %arg1: memref<2x2000x128xf32, #tpu.memory_space<vmem>>, %arg2: memref<1x64xf32, #tpu.memory_space<vmem>>, %arg3: memref<2000x64xf32, #tpu.memory_space<vmem>>) attributes {dimension_semantics = [#tpu.dimension_semantics<arbitrary>], iteration_bounds = array<i64: 5>, scalar_prefetch = 0 : i64, scratch_operands = 0 : i64, tpu.core_type = #tpu.core_type<tc>, window_params = [{transform_indices = @transform_0, window_bounds = array<i64: 2, 2000, 128>}, {pipeline_mode = #tpu.pipeline_mode<synchronous>, transform_indices = @transform_1, window_bounds = array<i64: 1, 64>}, {transform_indices = @transform_2, window_bounds = array<i64: 2000, 64>}]} {
    %get3A = arith.constant 0 : index
    %get3A_0 = arith.constant 0 : index
    %get3A_1 = arith.constant 0 : index
    %get3A_2 = vector.load %arg1[%get3A, %get3A_0, %get3A_1] : memref<2x2000x128xf32, #tpu.memory_space<vmem>>, vector<1x2000x64xf32>
    %get3A_3 = vector.shape_cast %get3A_2 : vector<1x2000x64xf32> to vector<2000x64xf32>
    %get3A_4 = arith.constant 1 : index
    %get3A_5 = arith.constant 0 : index
    %get3A_6 = arith.constant 0 : index
    %get3A_7 = vector.load %arg1[%get3A_4, %get3A_5, %get3A_6] : memref<2x2000x128xf32, #tpu.memory_space<vmem>>, vector<1x2000x64xf32>
    %get3A_8 = vector.shape_cast %get3A_7 : vector<1x2000x64xf32> to vector<2000x64xf32>
    %add3A = arith.addf %get3A_3, %get3A_8 : vector<2000x64xf32>
    %get3A_9 = arith.constant 0 : index
    %get3A_10 = arith.constant 0 : index
    %get3A_11 = vector.load %arg2[%get3A_9, %get3A_10] : memref<1x64xf32, #tpu.memory_space<vmem>>, vector<1x64xf32>
    %add3A_12 = vector.broadcast %get3A_11 : vector<1x64xf32> to vector<2000x64xf32>
    %add3A_13 = arith.addf %add3A, %add3A_12 : vector<2000x64xf32>
    %reduce_max3A = arith.constant dense<0xFF800000> : vector<2000xf32>
    %reduce_max3A_14 = vector.multi_reduction <maximumf>, %add3A_13, %reduce_max3A [1] : vector<2000x64xf32> to vector<2000xf32>
    %broadcast_in_dim3A = vector.shape_cast %reduce_max3A_14 : vector<2000xf32> to vector<2000x1xf32>
    %sub3A = vector.broadcast %broadcast_in_dim3A : vector<2000x1xf32> to vector<2000x64xf32>
    %sub3A_15 = arith.subf %add3A_13, %sub3A : vector<2000x64xf32>
    %exp3A = math.exp %sub3A_15 : vector<2000x64xf32>
    %reduce_sum3A = arith.constant dense<0.000000e+00> : vector<2000xf32>
    %reduce_sum3A_16 = vector.multi_reduction <add>, %exp3A, %reduce_sum3A [1] : vector<2000x64xf32> to vector<2000xf32>
    %broadcast_in_dim3A_17 = vector.shape_cast %reduce_sum3A_16 : vector<2000xf32> to vector<2000x1xf32>
    %div3A = vector.broadcast %broadcast_in_dim3A_17 : vector<2000x1xf32> to vector<2000x64xf32>
    %div3A_18 = arith.divf %exp3A, %div3A : vector<2000x64xf32>
    %swap3A = arith.constant 0 : index
    %swap3A_19 = arith.constant 0 : index
    %swap3A_20 = vector.load %arg3[%swap3A, %swap3A_19] : memref<2000x64xf32, #tpu.memory_space<vmem>>, vector<2000x64xf32>
    tpu.vector_store %arg3[%swap3A, %swap3A_19], %div3A_18 {strides = array<i32>} : memref<2000x64xf32, #tpu.memory_space<vmem>>, vector<2000x64xf32>,
    return
  }
  func.func @transform_0(%arg0: i32) -> (i32, i32, i32) {
    %c0_i32 = arith.constant 0 : i32
    %c0_i32_0 = arith.constant 0 : i32
    %c0_i32_1 = arith.constant 0 : i32
    return %c0_i32, %arg0, %c0_i32_0 : i32, i32, i32
  }
  func.func @transform_1(%arg0: i32) -> (i32, i32) {
    %c0_i32 = arith.constant 0 : i32
    %c0_i32_0 = arith.constant 0 : i32
    %c0_i32_1 = arith.constant 0 : i32
    return %c0_i32, %c0_i32_0 : i32, i32
  }
  func.func @transform_2(%arg0: i32) -> (i32, i32) {
    %c0_i32 = arith.constant 0 : i32
    %c0_i32_0 = arith.constant 0 : i32
    return %arg0, %c0_i32 : i32, i32
  }
}

</mosaic_0001>

<sc_bundles>
// kernel: kernel.10.cloned.1.call-start
scs
__scs_entry_jumppad:
0x0: {  	(pc) =	sbr.rel $0x88, $3  }
0x1: {  	(tag) =	ssettag $0x0;
	lr =	simm.s32 $0x1  }
0x2: {  	[smem:$0x3F9B] =	sst lr;
	_ =	strace $0xD0000000  }
0x3: {  	_ = 	snop  }
0x4: {  	_ = 	snop  }
0x5: {  	_ = 	snop  }
0x6: {  	_ = 	snop  }
0x7: {  	_ = 	snop  }
__scs_overlays_trampoline_lowered:
0x8: {  	[smem:$0x3FAA] =	sst s0  }
0x9: {  	[smem:$0x3FAB] =	sst s1  }
0xa: {  	[smem:$0x3FAC] =	sst s2  }
0xb: {  	[smem:$0x3FAD] =	sst s3  }
0xc: {  	[smem:$0x3FAE] =	sst s4  }
0xd: {  	[smem:$0x3FAF] =	sst s5  }
0xe: {  	[smem:$0x3FB0] =	sst s6  }
0xf: {  	[smem:$0x3FB1] =	sst s7  }
0x10: {  	[smem:$0x3FB2] =	sst s8  }
0x11: {  	[smem:$0x3FB3] =	sst s9;
	s0 =	simm.s32 @!p0 $0x0  }
0x12: {  	s1 =	sld [smem:$0x3F99];
	s0 =	simm.s32 @p0 $0x1  }
0x13: {  	[smem:$0x3FB4] =	sst s0;
	s0 =	simm.s32 @!p1 $0x0  }
0x14: {  	s2 =	sld [smem:$0x3F98];
	s0 =	simm.s32 @p1 $0x1  }
0x15: {  	[smem:$0x3FB5] =	sst s0;
	s0 =	simm.s32 @!p2 $0x0  }
0x16: {  	s3 =	sld [smem:$0x3FDB];
	s0 =	simm.s32 @p2 $0x1  }
0x17: {  	s4 =	simm.s32 $0x1BF5;
	[smem:$0x3FB7] =	sst s0  }
0x18: {  	s0 =	sld [smem:$0x3F9A];
	_ =	swait.ge [sflag:s4], $0x0  }
0x19: {  	s7 =	sld [smem:$0x3F9B]  }
0x1a: {  	s8 =	sadd.s32 $0xFFFFE003, lr  }
0x1b: {  	s9 =	sadd.s32 $0xFFFFFEF7, lr;
	s5 =	simm.s32 $0xFFFFFFFF;
	p2 =	slt.u32 s8, $0xFFFFF086  }
0x1c: {  	p1 =	slt.u32 s9, $0xF7A;
	s5 =	simm.s32 @!p2 $0x0  }
0x1d: {  	s5 =	simm.s32 @p1 $0x1;
	p0 =	seq.s32 s7, s2  }
0x1e: {  	s7 =	smul.u32 @!p0 $0xF7A, s2;
	p2 =	seq.s32 @!p0 s5, $0x0  }
0x1f: {  	s9 =	smul.u32 $0xF7A, s1;
	s8 =	simm.s32 @!p0 $0x1BF5;
	p2 =	por !p2, p0  }
0x20: {  	[sflag:s8] =	ssyncset.s32 @!p0 $0xFFFFF086;
	s6 =	sadd.s32 @!p0 s3, s7;
	s7 =	simm.s32 @!p0 $0x108  }
0x21: {  	s3 =	sadd.s32 s3, s9;
	s6 =	sadd.s32 @!p0 $0x88, s6;
	s7 =	simm.s32 @p2 $0x1082  }
0x22: {  	[simem:s7], [sflag:s8] =	dma.local @!p0 [hbm:s6], $0xF7A  }
0x23: {  	s9 =	sor.u32 $0xD0000000, s2;
	s6 =	simm.s32 $0x108;
	_ =	swait.ge @!p0 [sflag:s8], $0x0  }
0x24: {  	s3 =	sadd.s32 $0x88, s3;
	s6 =	simm.s32 @!p1 $0x1082;
	[sflag:s4] =	ssyncset.s32 $0xFFFFF086  }
0x25: {  	[simem:s6], [sflag:s4] =	dma.local [hbm:s3], $0xF7A  }
0x26: {  	[smem:$0x3F9B] =	sst s1;
	(tag) =	ssettag s2;
	_ =	strace s9  }
0x27: {  	s1 =	sld [smem:$0x3FAB]  }
0x28: {  	s2 =	sld [smem:$0x3FAC]  }
0x29: {  	s4 =	sld [smem:$0x3FAE]  }
0x2a: {  	p0 =	seq.s32 s5, $0x0;
	s5 =	sld [smem:$0x3FAF]  }
0x2b: {  	s6 =	sld [smem:$0x3FB0]  }
0x2c: {  	s7 =	sld [smem:$0x3FB1]  }
0x2d: {  	s3 =	simm.s32 $0x108;
	s8 =	sld [smem:$0x3FB2]  }
0x2e: {  	s3 =	simm.s32 @!p0 $0x1082;
	s9 =	sld [smem:$0x3FB3]  }
0x2f: {  	lr =	sadd.s32 s0, s3;
	s0 =	sld [smem:$0x3FAA]  }
0x30: {  	s3 =	sld [smem:$0x3FAD]  }
0x31: {  	[smem:$0x3FB6] =	sst s10  }
0x32: {  	s10 =	sld [smem:$0x3FB4];
	_ =	sdelay $0x3  }
0x33: {  	p0 =	seq.s32 s10, $0x1;
	s10 =	sld [smem:$0x3FB6];
	_ =	sdelay $0x3  }
0x34: {  	[smem:$0x3FB6] =	sst s10  }
0x35: {  	s10 =	sld [smem:$0x3FB5];
	_ =	sdelay $0x3  }
0x36: {  	p1 =	seq.s32 s10, $0x1;
	s10 =	sld [smem:$0x3FB6];
	_ =	sdelay $0x3  }
0x37: {  	[smem:$0x3FB6] =	sst s10  }
0x38: {  	s10 =	sld [smem:$0x3FB7]  }
0x39: {  	_ = 	snop;
	(pc) =	sbr.ind lr, $3  }
0x3a: {  	_ = 	snop  }
0x3b: {  	_ = 	snop  }
0x3c: {  	p2 =	seq.s32 s10, $0x1;
	s10 =	sld [smem:$0x3FB6]  }
0x3d: {  	_ =	shalt  }
0x3e: {  	_ =	shalt  }
0x3f: {  	_ =	shalt  }
0x40: {  	_ =	shalt  }
0x41: {  	_ =	shalt  }
0x42: {  	_ =	shalt  }
0x43: {  	_ =	shalt  }
0x44: {  	_ =	shalt  }
0x45: {  	_ =	shalt  }
0x46: {  	_ =	shalt  }
0x47: {  	_ =	shalt  }
0x48: {  	_ =	shalt  }
0x49: {  	_ =	shalt  }
0x4a: {  	_ =	shalt  }
0x4b: {  	_ =	shalt  }
0x4c: {  	_ =	shalt  }
0x4d: {  	_ =	shalt  }
0x4e: {  	_ =	shalt  }
0x4f: {  	_ =	shalt  }
0x50: {  	_ =	shalt  }
0x51: {  	_ =	shalt  }
0x52: {  	_ =	shalt  }
0x53: {  	_ =	shalt  }
0x54: {  	_ =	shalt  }
0x55: {  	_ =	shalt  }
0x56: {  	_ =	shalt  }
0x57: {  	_ =	shalt  }
0x58: {  	_ =	shalt  }
0x59: {  	_ =	shalt  }
0x5a: {  	_ =	shalt  }
0x5b: {  	_ =	shalt  }
0x5c: {  	_ =	shalt  }
0x5d: {  	_ =	shalt  }
0x5e: {  	_ =	shalt  }
0x5f: {  	_ =	shalt  }
0x60: {  	_ =	shalt  }
0x61: {  	_ =	shalt  }
0x62: {  	_ =	shalt  }
0x63: {  	_ =	shalt  }
0x64: {  	_ =	shalt  }
0x65: {  	_ =	shalt  }
0x66: {  	_ =	shalt  }
0x67: {  	_ =	shalt  }
0x68: {  	_ =	shalt  }
0x69: {  	_ =	shalt  }
0x6a: {  	_ =	shalt  }
0x6b: {  	_ =	shalt  }
0x6c: {  	_ =	shalt  }
0x6d: {  	_ =	shalt  }
0x6e: {  	_ =	shalt  }
0x6f: {  	_ =	shalt  }
0x70: {  	_ =	shalt  }
0x71: {  	_ =	shalt  }
0x72: {  	_ =	shalt  }
0x73: {  	_ =	shalt  }
0x74: {  	_ =	shalt  }
0x75: {  	_ =	shalt  }
0x76: {  	_ =	shalt  }
0x77: {  	_ =	shalt  }
0x78: {  	_ =	shalt  }
0x79: {  	_ =	shalt  }
0x7a: {  	_ =	shalt  }
0x7b: {  	_ =	shalt  }
0x7c: {  	_ =	shalt  }
0x7d: {  	_ =	shalt  }
0x7e: {  	_ =	shalt  }
0x7f: {  	_ =	shalt  }
0x80: {  	_ =	shalt  }
0x81: {  	_ =	shalt  }
0x82: {  	_ =	shalt  }
0x83: {  	_ =	shalt  }
0x84: {  	_ =	shalt  }
0x85: {  	_ =	shalt  }
0x86: {  	_ =	shalt  }
0x87: {  	_ =	shalt  }
.Lfunc_end0:
.L_simem_size_0:
called_computation.1_lowered:
.L_overlay_start_0:
0x88: {  	s2 =	sld [smem:$0x3FD9]  }
0x89: {  	s3 =	sld [smem:$0x3FFE];
	_ =	sdelay $0x1  }
0x8a: {  	s1 =	srdreg.scid  }
0x8b: {  	s0 =	sand.u32 $0x1, s1  }
0x8c: {  	s17 =	sshll.u32 s0, $0xA;
	s2 =	sadd.s32 s3, s2  }
0x8d: {  	s2 =	sadd.s32 s2, s17  }
0x8e: {  	[smem:$0x3FC2] =	sst s2  }
0x8f: {  	_ = 	snop  }
0x90: {  	s2 =	sld [smem:$0x3FD0];
	(tm) =	ssettm $0x1  }
0x91: {  	s18 =	sld [smem:$0x3FFB];
	_ =	sdelay $0x3  }
0x92: {  	_ =	strace s18  }
0x93: {  	s3 =	sld [smem:$0x3FFC];
	_ =	sdelay $0x3  }
0x94: {  	_ =	strace s3  }
0x95: {  	s3 =	sld [smem:$0x3FFD];
	_ =	sdelay $0x3  }
0x96: {  	_ =	strace s3  }
0x97: {  	_ =	strace $0x8FFFFFFF  }
0x98: {  	s19 =	sld [smem:$0x3FDB];
	_ =	sdelay $0x1  }
0x99: {  	s4 =	simm.s32 $_scs_section_size  }
0x9a: {  	s5 =	simm.s32 $_size__tile_overlayer_lowered;
	s6 =	simm.s32 $_tile_overlayer_lowered  }
0x9b: {  	s22 =	simm.s32 $0x1BFF;
	s21 =	sshll.u32 s6, $0x1;
	s3 =	sadd.s32 s4, s19  }
0x9c: {  	s7 =	simm.s32 $0x0;
	s20 =	sshll.u32 s5, $0x1;
	s5 =	sadd.s32 s21, s3  }
0x9d: {  	[timem:s7], [sflag:s22] =	dma.local [hbm:s5], s20  }
0x9e: {  	_ =	swait.ge [sflag:s22], s20  }
0x9f: {  	s4 =	ssub.s32 $0x0, s20;
	[sflag:s22] =	ssyncset.done $0x0  }
0xa0: {  	[sflag:s22] =	ssyncadd.s32 s4;
	_ =	sdelay $0x1  }
0xa1: {  	s23 =	simm.s32 $0x1B8B  }
0xa2: {  	_ =	swait.ge [sflag:s23], $0x1  }
0xa3: {  	[sflag:s23] =	ssyncset.done $0x0  }
0xa4: {  	s25 =	simm.s32 $0x1B8E;
	s24 =	sld [smem:$0x3FFE];
	[sflag:s23] =	ssyncadd.s32 $0xFFFFFFFF  }
0xa5: {  	s26 =	simm.s32 $execute0_lowered;
	[smem:$0x3FD2] =	sst s25  }
0xa6: {  	s5 =	sshll.u32 s26, $0x1;
	_ =	strace $0x80000049;
	[dreg:$0x1] =	wrdreg $0xFFFFFFFF  }
0xa7: {  	s28 =	simm.s32 $_size_execute0_lowered;
	s3 =	sadd.s32 s3, s5;
	[dreg:$0x0] =	wrdreg $0x0  }
0xa8: {  	s5 =	sshll.u32 s28, $0x1;
	[dreg:$0x2] =	wrdreg s3  }
0xa9: {  	[dreg:$0x3] =	wrdreg s5  }
0xaa: {  	[dreg:$0x4] =	wrdreg $0xC0  }
0xab: {  	_ =	task [dreg:s7], $0x5FFFF  }
0xac: {  	[dreg:$0x1] =	wrdreg $0xFFFFFFFF  }
0xad: {  	[dreg:$0x0] =	wrdreg $0x60  }
0xae: {  	[dreg:$0x2] =	wrdreg s24  }
0xaf: {  	[dreg:$0x3] =	wrdreg s2  }
0xb0: {  	[dreg:$0x4] =	wrdreg $0xA8000  }
0xb1: {  	[dreg:$0x5] =	wrdreg $0x9  }
0xb2: {  	_ =	task.clear_ibuf [dreg:s7], $0x6FFFF;
	_ =	strace $0x90000049  }
0xb3: {  	s29 =	simm.s32 $0x9;
	_ =	strace $0x8000004B  }
0xb4: {  	_ =	swait.ge [sflag:s29], $0x1  }
0xb5: {  	[sflag:s29] =	ssyncadd.s32 $0xFFFFFFFF  }
0xb6: {  	_ =	strace $0x9000004B  }
0xb7: {  	_ =	sfence  }
0xb8: {  	s30 =	sld [smem:$0x0];
	_ =	sdelay $0x2  }
0xb9: {  	s31 =	sshll.u32 s1, $0xD;
	s1 =	sshrl.u32 s1, $0x2  }
0xba: {  	s3 =	sand.u32 $0x4000, s31;
	s1 =	sadd.s32 s1, s30  }
0xbb: {  	s0 =	sor.u32 s3, s0;
	s1 =	sshll.u32 s1, $0x11  }
0xbc: {  	s0 =	sor.u32 s1, s0  }
0xbd: {  	s0 =	sadd.s32 $0x8F2B, s0  }
0xbe: {  	[sflag:s0] =	ssyncadd.remote.s32 $0x1  }
0xbf: {  	_ =	sfence.sel $0xFFFF  }
0xc0: {  	[dreg:$0x0] =	wrdreg $0xFFFFFFFF;
	(pc) =	sbr.abs _section_cstart, $3  }
0xc1: {  	[dreg:$0x1] =	wrdreg $0xFFFFFFFF  }
0xc2: {  	_ =	task.clear_ibuf [dreg:s7], $0x2FFFF;
	_ =	strace $0x9FFFFFFF  }
0xc3: {  	(tm) =	ssettm $0x7FFFFFFF  }
tec
execute0_lowered:
.L_overlay_start_1:
0x0: {  	(tag) =	ssettag $0x1  }
0x1: {  	s0 =	rddreg [dreg:$0x0]  }
0x2: {  	s6 =	rddreg [dreg:$0x1]  }
0x3: {  	s3 =	rddreg [dreg:$0x2];
	s11 =	stileid.u32  }
0x4: {  	s1 =	simm.s32 $0x0;
	s12 =	srdreg.scid;
	s2 =	smul.u32 $0x2780, s11  }
0x5: {  	s31 =	simm.s32 $0x1;
	[smem:$0x7FF] =	sst s1;
	s20 =	smul.u32 $0x4F000, s11  }
0x6: {  	s1 =	sand.u32 $0x1, s12;
	s4 =	sshll.u32 s11, $0x1;
	s10 =	smul.u32 $0x4E20, s11  }
0x7: {  	s5 =	sadd.s32 $0xB000, s0;
	s12 =	sadd.s32 $0x1200, s0;
	s7 =	smul.u32 $0x27800, s1  }
0x8: {  	s4 =	sor.u32 s1, s4;
	s13 =	ssub.s32 $0x2, s1;
	s1 =	smul.u32 $0x2710, s1  }
0x9: {  	s25 =	sshll.u32 s11, $0x6;
	_ =	strace $0x8000004A;
	s4 =	smul.u32 $0x2710, s4  }
0xa: {  	s8 =	sadd.s32 s2, s0;
	s14 =	sshrl.u32 s13, $0x1;
	s2 =	sadd.s32 s2, s7  }
0xb: {  	s1 =	sadd.s32 s1, s10;
	s24 =	sadd.s32 $0x32200, s8;
	s0 =	sadd.s32 s2, s0  }
0xc: {  	s4 =	sshrl.u32 s4, $0x3;
	s2 =	ssub.s32 s13, s14;
	[dreg:$0xf] =	wrdreg s24  }
0xd: {  	s26 =	sadd.s32 $0x2D0, s1;
	s14 =	sor.u32 $0x1C11, s25;
	s8 =	sadd.s32 $0x190, s1  }
0xe: {  	s10 =	sadd.s32 $0x230, s1;
	s15 =	sadd.s32 s12, s4;
	[dreg:$0x10] =	wrdreg s14  }
0xf: {  	s11 =	sadd.s32 $0x1E0, s1;
	s9 =	sadd.s32 s6, s4;
	[dreg:$0x4] =	wrdreg s15  }
0x10: {  	s16 =	sadd.s32 $0xA, s4;
	s0 =	sadd.s32 $0x59A00, s0;
	[dreg:$0x5] =	wrdreg s9  }
0x11: {  	s18 =	sadd.s32 $0x14, s4;
	s2 =	smax.u32 s2, $0x1;
	[dreg:$0x11] =	wrdreg s0  }
0x12: {  	s21 =	sadd.s32 $0x1E, s4;
	s17 =	sadd.s32 s12, s16;
	[dreg:$0x12] =	wrdreg s2  }
0x13: {  	s4 =	sadd.s32 $0x28, s4;
	s7 =	sadd.s32 s6, s16;
	[dreg:$0x6] =	wrdreg s17  }
0x14: {  	s19 =	sadd.s32 s12, s18;
	s9 =	sadd.s32 s6, s18;
	[dreg:$0x7] =	wrdreg s7  }
0x15: {  	s13 =	sadd.s32 s12, s21;
	s22 =	sadd.s32 s12, s4;
	[dreg:$0x8] =	wrdreg s19  }
0x16: {  	s4 =	sadd.s32 s6, s4;
	s2 =	sshrl.u32 s10, $0x3;
	[dreg:$0x9] =	wrdreg s9  }
0x17: {  	s15 =	sadd.s32 $0x3C0, s1;
	s18 =	sadd.s32 $0x370, s1;
	[dreg:$0xa] =	wrdreg s13  }
0x18: {  	s10 =	simm.s32 $0xE;
	s9 =	sadd.s32 s6, s21;
	[dreg:$0xc] =	wrdreg s22  }
0x19: {  	s7 =	sshrl.u32 s20, $0x2;
	[dreg:$0xd] =	wrdreg s4;
	s4 =	sshrl.u32 s26, $0x3  }
0x1a: {  	s13 =	sshrl.u32 s11, $0x3;
	s26 =	sadd.s32 s2, s6;
	s28 =	sadd.s32 s2, s12  }
0x1b: {  	s16 =	sshrl.u32 s15, $0x3;
	s17 =	sadd.s32 $0x280, s1;
	s1 =	sadd.s32 $0x320, s1  }
0x1c: {  	s20 =	sshrl.u32 s18, $0x3;
	s11 =	simm.s32 $0xB;
	[dreg:$0xb] =	wrdreg s9  }
0x1d: {  	s23 =	sadd.s32 s7, s3;
	s7 =	sadd.s32 s4, s6;
	s0 =	sadd.s32 s4, s12  }
0x1e: {  	s9 =	sshrl.u32 s8, $0x3;
	s29 =	sadd.s32 s13, s6;
	[dreg:$0x15] =	wrdreg s17  }
0x1f: {  	s30 =	sadd.s32 s13, s12;
	s19 =	sadd.s32 s16, s6;
	[dreg:$0xe] =	wrdreg s23  }
0x20: {  	s1 =	sshrl.u32 s1, $0x3;
	s2 =	sadd.s32 s20, s6;
	[dreg:$0x13] =	wrdreg s7  }
0x21: {  	s8 =	simm.s32 $0x5;
	s13 =	simm.s32 $0xF;
	[dreg:$0x14] =	wrdreg s0  }
0x22: {  	s24 =	sadd.s32 s9, s6;
	s25 =	sadd.s32 s9, s12;
	[dreg:$0x16] =	wrdreg s19  }
0x23: {  	s0 =	sadd.s32 s16, s12;
	[dreg:$0x18] =	wrdreg s2;
	s21 =	sadd.s32 s1, s6  }
0x24: {  	s23 =	smov.u32 s12;
	s22 =	sadd.s32 s1, s12;
	s19 =	simm.s32 $0x800  }
.Ltmp0:
0x25: {  	s1 =	simm.s32 $0x4;
	s2 =	simm.s32 $0x9;
	(pc) =	sbr.rel .LBB2_1-.Ltmp0, $4  }
0x26: {  	s7 =	simm.s32 $0xD;
	s9 =	simm.s32 $0xA;
	[dreg:$0x17] =	wrdreg s0  }
0x27: {  	s16 =	simm.s32 $0xC;
	s6 =	simm.s32 $0x0;
	[dreg:$0x1a] =	wrdreg s21  }
0x28: {  	s0 =	sadd.s32 s20, s12;
	[dreg:$0x1b] =	wrdreg s22;
	s20 =	simm.s32 $0x11  }
0x29: {  	s12 =	simm.s32 $0x50;
	[dreg:$0x19] =	wrdreg s0;
	s0 =	simm.s32 $0x8000  }
.LBB2_5:
0x2a: {  	_ =	swait.ge [sflag:s7], $0x2800  }
0x2b: {  	[sflag:s7] =	ssyncset.done $0x0  }
0x2c: {  	[sflag:s7] =	ssyncadd.s32 $0xFFFFD800  }
0x2d: {  	[bflag:$0x0] =	sbarrier.arrive $0xFFFF  }
0x2e: {  	s14 =	rddreg [dreg:$0x10]  }
0x2f: {  	s4 =	rddreg [dreg:$0x11]  }
0x30: {  	s20 =	simm.s32 $0x11;
	s6 =	rddreg [dreg:$0x1d]  }
0x31: {  	[hbm:s4], [sflag:s14] =	dma.local [spmem:s6], $0x2780  }
0x32: {  	_ =	swait.ge [sflag:s20], $0x2780  }
0x33: {  	s21 =	rddreg [dreg:$0x1c]  }
0x34: {  	s22 =	rddreg [dreg:$0x12];
	s6 =	sadd.s32 $0x1, s21  }
0x35: {  	p0 =	sne.s32 s6, s22  }
.Ltmp1:
0x36: {  	_ = 	snop;
	(pc) =	sbr.rel @!p0 .LBB2_6-.Ltmp1, $3  }
0x37: {  	_ =	sdelay $0x1  }
0x38: {  	[sflag:s20] =	ssyncset.done $0x0  }
0x39: {  	[sflag:s20] =	ssyncadd.s32 $0xFFFFD880  }
.LBB2_1:
0x3a: {  	[dreg:$0x1c] =	wrdreg s6  }
0x3b: {  	s21 =	rddreg [dreg:$0x4]  }
0x3c: {  	s4 =	simm.s32 $0x0;
	s22 =	rddreg [dreg:$0x5]  }
0x3d: {  	[tilespmem:s4], [sflag:$0x1] =	stream.linear.gather [hbm4b:s21+s4], $0x50, $0x38;
	[tilespmem:$0x1E400] =	vst v63  }
0x3e: {  	s15 =	simm.s32 $0x400;
	s17 =	rddreg [dreg:$0x6]  }
0x3f: {  	[tilespmem:s15], [sflag:$0x1] =	stream.linear.gather [hbm4b:s22+s4], $0x50, $0x38;
	[tilespmem:$0x1E400] =	vst v63  }
0x40: {  	s18 =	rddreg [dreg:$0x7];
	s15 =	simm.s32 $0x80  }
0x41: {  	[tilespmem:s15], [sflag:$0x2] =	stream.linear.gather [hbm4b:s17+s4], $0x50, $0x38;
	[tilespmem:$0x1E400] =	vst v63  }
0x42: {  	s21 =	rddreg [dreg:$0x8];
	s17 =	simm.s32 $0x480  }
0x43: {  	[tilespmem:s17], [sflag:$0x2] =	stream.linear.gather [hbm4b:s18+s4], $0x50, $0x38;
	[tilespmem:$0x1E400] =	vst v63  }
0x44: {  	s22 =	rddreg [dreg:$0x9];
	s17 =	simm.s32 $0x100  }
0x45: {  	[tilespmem:s17], [sflag:$0x3] =	stream.linear.gather [hbm4b:s21+s4], $0x50, $0x38;
	[tilespmem:$0x1E400] =	vst v63  }
0x46: {  	s18 =	simm.s32 $0x500;
	s21 =	rddreg [dreg:$0xa]  }
0x47: {  	[tilespmem:s18], [sflag:$0x3] =	stream.linear.gather [hbm4b:s22+s4], $0x50, $0x38;
	[tilespmem:$0x1E400] =	vst v63  }
0x48: {  	s22 =	simm.s32 $0x180;
	s18 =	rddreg [dreg:$0xe]  }
0x49: {  	[tilespmem:s22], [sflag:$0x4] =	stream.linear.gather [hbm4b:s21+s4], $0x50, $0x38;
	[tilespmem:$0x1E400] =	vst v63  }
0x4a: {  	s21 =	rddreg [dreg:$0xb];
	s22 =	simm.s32 $0x580  }
0x4b: {  	[tilespmem:s22], [sflag:$0x4] =	stream.linear.gather [hbm4b:s21+s4], $0x50, $0x38;
	[tilespmem:$0x1E400] =	vst v63  }
0x4c: {  	s21 =	rddreg [dreg:$0xc];
	s22 =	simm.s32 $0x200  }
0x4d: {  	[tilespmem:s22], [sflag:$0x5] =	stream.linear.gather [hbm4b:s21+s4], $0x50, $0x38;
	[tilespmem:$0x1E400] =	vst v63  }
0x4e: {  	s21 =	rddreg [dreg:$0xd];
	s22 =	simm.s32 $0x600  }
0x4f: {  	[tilespmem:s22], [sflag:$0x5] =	stream.linear.gather [hbm4b:s21+s4], $0x50, $0x38;
	[tilespmem:$0x1E400] =	vst v63  }
0x50: {  	s21 =	sshrl.u32 s18, $0x3;
	s22 =	rddreg [dreg:$0xf]  }
0x51: {  	[dreg:$0x1d] =	wrdreg s21  }
0x52: {  	[spmem:s21], [sflag:s14] =	dma.local [hbm:s22], $0x2780  }
0x53: {  	_ =	swait.ge [sflag:s20], $0x2780  }
0x54: {  	[sflag:s20] =	ssyncset.done $0x0  }
0x55: {  	[sflag:s20] =	ssyncadd.s32 $0xFFFFD880  }
0x56: {  	[bflag:$0x0] =	sbarrier.arrive $0xFFFF  }
0x57: {  	_ =	swait.ge [sflag:s31], $0x50  }
0x58: {  	[sflag:s31] =	ssyncset.done $0x0  }
0x59: {  	[sflag:s31] =	ssyncadd.s32 $0xFFFFFFB0  }
0x5a: {  	_ =	swait.ge [sflag:s31], $0x50  }
0x5b: {  	[sflag:s31] =	ssyncset.done $0x0  }
0x5c: {  	s18 =	simm.s32 $0x2;
	[sflag:s31] =	ssyncadd.s32 $0xFFFFFFB0  }
0x5d: {  	[tilespmem:s19], [sflag:$0x9] =	stream.indirect.gather [hbm4b:s5+s12], $0x80, s4, s12, $0xb8;
	[tilespmem:$0x1E400] =	vst v63  }
0x5e: {  	_ =	swait.ge [sflag:s18], $0x50  }
0x5f: {  	[sflag:s18] =	ssyncset.done $0x0  }
0x60: {  	[sflag:s18] =	ssyncadd.s32 $0xFFFFFFB0  }
0x61: {  	_ =	swait.ge [sflag:s18], $0x50  }
0x62: {  	[sflag:s18] =	ssyncset.done $0x0  }
0x63: {  	s21 =	simm.s32 $0x3;
	s20 =	simm.s32 $0x3000;
	[sflag:s18] =	ssyncadd.s32 $0xFFFFFFB0  }
0x64: {  	[tilespmem:s20], [sflag:$0xA] =	stream.indirect.gather [hbm4b:s5+s12], $0x80, s15, s12, $0xb8;
	[tilespmem:$0x1E400] =	vst v63  }
0x65: {  	_ =	swait.ge [sflag:s21], $0x50  }
0x66: {  	[sflag:s21] =	ssyncset.done $0x0  }
0x67: {  	[sflag:s21] =	ssyncadd.s32 $0xFFFFFFB0  }
.Ltmp2:
0x68: {  	_ =	swait.ge [sflag:s21], $0x50;
	(pc) =	sbr.rel .LBB2_2-.Ltmp2, $4  }
0x69: {  	[sflag:s21] =	ssyncset.done $0x0  }
0x6a: {  	s22 =	simm.s32 $0x5800;
	s14 =	simm.s32 $0x0;
	[sflag:s21] =	ssyncadd.s32 $0xFFFFFFB0  }
0x6b: {  	[tilespmem:s22], [sflag:$0xB] =	stream.indirect.gather [hbm4b:s5+s12], $0x80, s17, s12, $0xb8;
	[tilespmem:$0x1E400] =	vst v63  }
0x6c: {  	s20 =	simm.s32 $0x0;
	s18 =	rddreg [dreg:$0x15];
	s17 =	simm.s32 $0x7  }
.LBB2_4:
0x6d: {  	s20 =	sadd.s32 $0x50, s20  }
0x6e: {  	p0 =	sne.s32 s20, $0x500  }
.Ltmp3:
0x6f: {  	_ = 	snop;
	(pc) =	sbr.rel @!p0 .LBB2_5-.Ltmp3, $2  }
0x70: {  	_ =	sdelay $0x2  }
0x71: {  	s14 =	sadd.s32 $0x1, s14;
	s18 =	sadd.s32 $0x280, s18;
	s17 =	sadd.s32 $0x8, s17  }
.LBB2_2:
0x72: {  	p0 =	seq.s32 s20, $0x0  }
0x73: {  	s4 =	simm.s32 @!p0 $0x10  }
0x74: {  	_ =	swait.ge @!p0 [sflag:s4], $0x2800  }
0x75: {  	[sflag:s4] =	ssyncset.done @!p0 $0x0  }
0x76: {  	[sflag:s4] =	ssyncadd.s32 @!p0 $0xFFFFD800  }
0x77: {  	_ =	swait.ge [sflag:s1], $0x50  }
0x78: {  	[sflag:s1] =	ssyncset.done $0x0  }
0x79: {  	[sflag:s1] =	ssyncadd.s32 $0xFFFFFFB0  }
0x7a: {  	_ =	swait.ge [sflag:s1], $0x50  }
0x7b: {  	[sflag:s1] =	ssyncset.done $0x0  }
0x7c: {  	s6 =	simm.s32 $0x180;
	[sflag:s1] =	ssyncadd.s32 $0xFFFFFFB0  }
0x7d: {  	[tilespmem:s0], [sflag:$0xC] =	stream.indirect.gather [hbm4b:s5+s12], $0x80, s6, s12, $0xb8;
	[tilespmem:$0x1E400] =	vst v63  }
0x7e: {  	_ =	swait.ge [sflag:s2], $0x2800  }
0x7f: {  	s21 =	sadd.s32 $0xFFFFFFFE, s17;
	[sflag:s2] =	ssyncset.done $0x0  }
0x80: {  	s15 =	simm.s32 $0x400;
	p1 =	sgt.u32 s21, $0x7C;
	[sflag:s2] =	ssyncadd.s32 $0xFFFFD800  }
0x81: {  	[spmem:s3] =	stream.indirect.scatter.add.f32 [tilespmem:s19], [sflag:$0xD], $0x80, s15, s12, $0xb8;
	[tilespmem:$0x1E400] =	vst v63  }
0x82: {  	s21 =	simm.s32 @!p1 $0x280;
	s4 =	sadd.s32 @!p1 s20, s25;
	s15 =	simm.s32 @!p1 $0x0  }
0x83: {  	[tilespmem:s21], [sflag:$0x6] =	stream.linear.gather @!p1 [hbm4b:s4+s15], $0x50, $0x38;
	[tilespmem:$0x1E400] =	vst v63  }
0x84: {  	s6 =	simm.s32 @!p1 $0x680;
	s4 =	sadd.s32 @!p1 s20, s24  }
0x85: {  	[tilespmem:s6], [sflag:$0x6] =	stream.linear.gather @!p1 [hbm4b:s4+s15], $0x50, $0x38;
	[tilespmem:$0x1E400] =	vst v63  }
0x86: {  	_ =	swait.ge [sflag:s7], $0x2800  }
0x87: {  	[sflag:s7] =	ssyncset.done $0x0  }
0x88: {  	[sflag:s7] =	ssyncadd.s32 $0xFFFFD800  }
0x89: {  	_ =	swait.ge [sflag:s8], $0x50  }
0x8a: {  	[sflag:s8] =	ssyncset.done $0x0  }
0x8b: {  	[sflag:s8] =	ssyncadd.s32 $0xFFFFFFB0  }
0x8c: {  	_ =	swait.ge [sflag:s8], $0x50  }
0x8d: {  	[sflag:s8] =	ssyncset.done $0x0  }
0x8e: {  	s22 =	simm.s32 $0x200;
	[sflag:s8] =	ssyncadd.s32 $0xFFFFFFB0  }
0x8f: {  	[tilespmem:s19], [sflag:$0x9] =	stream.indirect.gather [hbm4b:s5+s12], $0x80, s22, s12, $0xb8;
	[tilespmem:$0x1E400] =	vst v63  }
0x90: {  	_ =	swait.ge [sflag:s9], $0x2800  }
0x91: {  	s6 =	simm.s32 $0x480;
	s22 =	sadd.s32 $0xFFFFFFFF, s17;
	[sflag:s9] =	ssyncset.done $0x0  }
0x92: {  	s15 =	simm.s32 $0x3000;
	p0 =	sgt.u32 s22, $0x7C;
	[sflag:s9] =	ssyncadd.s32 $0xFFFFD800  }
0x93: {  	[spmem:s3] =	stream.indirect.scatter.add.f32 [tilespmem:s15], [sflag:$0xE], $0x80, s6, s12, $0xb8;
	[tilespmem:$0x1E400] =	vst v63  }
0x94: {  	s4 =	sadd.s32 @!p0 s20, s30;
	s6 =	simm.s32 @!p0 $0x0;
	s15 =	simm.s32 @!p0 $0x300  }
0x95: {  	[tilespmem:s15], [sflag:$0x7] =	stream.linear.gather @!p0 [hbm4b:s4+s6], $0x50, $0x38;
	[tilespmem:$0x1E400] =	vst v63  }
0x96: {  	s4 =	sadd.s32 @!p0 s20, s29;
	s15 =	simm.s32 @!p0 $0x700  }
0x97: {  	[tilespmem:s15], [sflag:$0x7] =	stream.linear.gather @!p0 [hbm4b:s4+s6], $0x50, $0x38;
	[tilespmem:$0x1E400] =	vst v63  }
0x98: {  	_ =	swait.ge [sflag:s10], $0x2800  }
0x99: {  	[sflag:s10] =	ssyncset.done $0x0  }
0x9a: {  	s4 =	simm.s32 @!p1 $0x6;
	[sflag:s10] =	ssyncadd.s32 $0xFFFFD800  }
0x9b: {  	_ =	swait.ge @!p1 [sflag:s4], $0x50  }
0x9c: {  	[sflag:s4] =	ssyncset.done @!p1 $0x0  }
0x9d: {  	[sflag:s4] =	ssyncadd.s32 @!p1 $0xFFFFFFB0  }
0x9e: {  	_ =	swait.ge @!p1 [sflag:s4], $0x50  }
0x9f: {  	[sflag:s4] =	ssyncset.done @!p1 $0x0  }
0xa0: {  	s6 =	simm.s32 @!p1 $0x3000;
	[sflag:s4] =	ssyncadd.s32 @!p1 $0xFFFFFFB0;
	s4 =	simm.s32 @!p1 $0x50  }
0xa1: {  	[tilespmem:s6], [sflag:$0xA] =	stream.indirect.gather @!p1 [hbm4b:s5+s4], $0x80, s21, s4, $0xb8;
	[tilespmem:$0x1E400] =	vst v63  }
0xa2: {  	_ =	swait.ge [sflag:s11], $0x2800  }
0xa3: {  	s15 =	simm.s32 $0x5800;
	[sflag:s11] =	ssyncset.done $0x0  }
0xa4: {  	p0 =	sgt.u32 s17, $0x7C;
	s6 =	simm.s32 $0x500;
	[sflag:s11] =	ssyncadd.s32 $0xFFFFD800  }
0xa5: {  	[spmem:s3] =	stream.indirect.scatter.add.f32 [tilespmem:s15], [sflag:$0xF], $0x80, s6, s12, $0xb8;
	[tilespmem:$0x1E400] =	vst v63  }
0xa6: {  	s4 =	sadd.s32 @!p0 s20, s28;
	s6 =	simm.s32 @!p0 $0x0;
	s15 =	simm.s32 @!p0 $0x380  }
0xa7: {  	[tilespmem:s15], [sflag:$0x8] =	stream.linear.gather @!p0 [hbm4b:s4+s6], $0x50, $0x38;
	[tilespmem:$0x1E400] =	vst v63  }
0xa8: {  	s4 =	sadd.s32 @!p0 s20, s26;
	s15 =	simm.s32 @!p0 $0x780  }
0xa9: {  	[tilespmem:s15], [sflag:$0x8] =	stream.linear.gather @!p0 [hbm4b:s4+s6], $0x50, $0x38;
	[tilespmem:$0x1E400] =	vst v63  }
0xaa: {  	_ =	swait.ge [sflag:s13], $0x2800  }
0xab: {  	p0 =	sgt.u32 s14, $0xE;
	[sflag:s13] =	ssyncset.done $0x0  }
0xac: {  	s4 =	simm.s32 @!p0 $0x7;
	[sflag:s13] =	ssyncadd.s32 $0xFFFFD800  }
0xad: {  	_ =	swait.ge @!p0 [sflag:s4], $0x50  }
0xae: {  	[sflag:s4] =	ssyncset.done @!p0 $0x0  }
0xaf: {  	[sflag:s4] =	ssyncadd.s32 @!p0 $0xFFFFFFB0  }
0xb0: {  	_ =	swait.ge @!p0 [sflag:s4], $0x50  }
0xb1: {  	s6 =	simm.s32 @!p0 $0x300;
	[sflag:s4] =	ssyncset.done @!p0 $0x0  }
0xb2: {  	s15 =	simm.s32 @!p0 $0x5800;
	[sflag:s4] =	ssyncadd.s32 @!p0 $0xFFFFFFB0;
	s4 =	simm.s32 @!p0 $0x50  }
0xb3: {  	[tilespmem:s15], [sflag:$0xB] =	stream.indirect.gather @!p0 [hbm4b:s5+s4], $0x80, s6, s4, $0xb8;
	[tilespmem:$0x1E400] =	vst v63  }
0xb4: {  	_ =	swait.ge [sflag:s16], $0x2800  }
0xb5: {  	p2 =	sne.s32 s20, $0x4B0;
	[sflag:s16] =	ssyncset.done $0x0  }
0xb6: {  	s21 =	simm.s32 $0x580;
	s6 =	sshrl.u32 @p2 s18, $0x3;
	[sflag:s16] =	ssyncadd.s32 $0xFFFFD800  }
0xb7: {  	[spmem:s3] =	stream.indirect.scatter.add.f32 [tilespmem:s0], [sflag:$0x10], $0x80, s21, s12, $0xb8;
	[tilespmem:$0x1E400] =	vst v63  }
0xb8: {  	s22 =	simm.s32 @p2 $0x0;
	s21 =	sadd.s32 @p2 s23, s6  }
0xb9: {  	[tilespmem:s22], [sflag:$0x1] =	stream.linear.gather @p2 [hbm4b:s21+s22], $0x50, $0x38;
	[tilespmem:$0x1E400] =	vst v63  }
0xba: {  	s21 =	rddreg [dreg:$0x1]  }
0xbb: {  	s6 =	sadd.s32 @p2 s21, s6;
	s21 =	simm.s32 @p2 $0x400  }
0xbc: {  	[tilespmem:s21], [sflag:$0x1] =	stream.linear.gather @p2 [hbm4b:s6+s22], $0x50, $0x38;
	[tilespmem:$0x1E400] =	vst v63  }
0xbd: {  	s6 =	simm.s32 @p2 $0x10  }
0xbe: {  	p3 =	sgt.u32 @p2 s14, $0xE;
	_ =	swait.ge @p2 [sflag:s6], $0x2800  }
0xbf: {  	p3 =	por p3, !p2;
	[sflag:s6] =	ssyncset.done @p2 $0x0  }
0xc0: {  	[sflag:s6] =	ssyncadd.s32 @p2 $0xFFFFD800;
	s6 =	simm.s32 @!p3 $0x8  }
0xc1: {  	_ =	swait.ge @!p3 [sflag:s6], $0x50  }
0xc2: {  	[sflag:s6] =	ssyncset.done @!p3 $0x0  }
0xc3: {  	[sflag:s6] =	ssyncadd.s32 @!p3 $0xFFFFFFB0  }
0xc4: {  	_ =	swait.ge @!p3 [sflag:s6], $0x50  }
0xc5: {  	s21 =	simm.s32 @!p3 $0x380;
	[sflag:s6] =	ssyncset.done @!p3 $0x0  }
0xc6: {  	s22 =	simm.s32 @!p3 $0x8000;
	[sflag:s6] =	ssyncadd.s32 @!p3 $0xFFFFFFB0;
	s6 =	simm.s32 @!p3 $0x50  }
0xc7: {  	[tilespmem:s22], [sflag:$0xC] =	stream.indirect.gather @!p3 [hbm4b:s5+s6], $0x80, s21, s6, $0xb8;
	[tilespmem:$0x1E400] =	vst v63  }
0xc8: {  	s6 =	simm.s32 @!p2 $0x10  }
0xc9: {  	_ =	swait.ge @!p2 [sflag:s6], $0x2800  }
0xca: {  	[sflag:s6] =	ssyncset.done @!p2 $0x0  }
0xcb: {  	[sflag:s6] =	ssyncadd.s32 @!p2 $0xFFFFD800  }
0xcc: {  	_ =	swait.ge [sflag:s2], $0x2800  }
0xcd: {  	s22 =	simm.s32 $0x600;
	p2 =	seq.s32 s20, $0x4B0;
	[sflag:s2] =	ssyncset.done $0x0  }
0xce: {  	s21 =	simm.s32 @!p2 $0x0;
	s6 =	rddreg [dreg:$0x14];
	[sflag:s2] =	ssyncadd.s32 $0xFFFFD800  }
0xcf: {  	[spmem:s3] =	stream.indirect.scatter.add.f32 [tilespmem:s19], [sflag:$0xD], $0x80, s22, s12, $0xb8;
	[tilespmem:$0x1E400] =	vst v63  }
.Ltmp4:
0xd0: {  	s6 =	sadd.s32 @!p2 s20, s6;
	s22 =	simm.s32 @!p2 $0x80;
	(pc) =	sbr.rel @p1 .LBB2_4-.Ltmp4, $4  }
0xd1: {  	[tilespmem:s22], [sflag:$0x2] =	stream.linear.gather @!p2 [hbm4b:s6+s21], $0x50, $0x38;
	[tilespmem:$0x1E400] =	vst v63  }
0xd2: {  	s6 =	rddreg [dreg:$0x13]  }
0xd3: {  	s22 =	simm.s32 @!p2 $0x480;
	s6 =	sadd.s32 @!p2 s20, s6  }
0xd4: {  	[tilespmem:s22], [sflag:$0x2] =	stream.linear.gather @!p2 [hbm4b:s6+s21], $0x50, $0x38;
	[tilespmem:$0x1E400] =	vst v63  }
0xd5: {  	_ =	swait.ge [sflag:s7], $0x2800  }
0xd6: {  	[sflag:s7] =	ssyncset.done $0x0  }
0xd7: {  	[sflag:s7] =	ssyncadd.s32 $0xFFFFD800  }
0xd8: {  	_ =	swait.ge [sflag:s31], $0x50  }
0xd9: {  	[sflag:s31] =	ssyncset.done $0x0  }
0xda: {  	[sflag:s31] =	ssyncadd.s32 $0xFFFFFFB0  }
0xdb: {  	_ =	swait.ge [sflag:s31], $0x50  }
0xdc: {  	[sflag:s31] =	ssyncset.done $0x0  }
0xdd: {  	s21 =	simm.s32 $0x0;
	[sflag:s31] =	ssyncadd.s32 $0xFFFFFFB0  }
0xde: {  	[tilespmem:s19], [sflag:$0x9] =	stream.indirect.gather [hbm4b:s5+s12], $0x80, s21, s12, $0xb8;
	[tilespmem:$0x1E400] =	vst v63  }
0xdf: {  	_ =	swait.ge [sflag:s9], $0x2800  }
0xe0: {  	[sflag:s9] =	ssyncset.done $0x0  }
0xe1: {  	s6 =	simm.s32 $0x3000;
	s22 =	simm.s32 $0x680;
	[sflag:s9] =	ssyncadd.s32 $0xFFFFD800  }
0xe2: {  	[spmem:s3] =	stream.indirect.scatter.add.f32 [tilespmem:s6], [sflag:$0xE], $0x80, s22, s12, $0xb8;
	[tilespmem:$0x1E400] =	vst v63  }
0xe3: {  	s22 =	rddreg [dreg:$0x1b]  }
0xe4: {  	s6 =	sadd.s32 s20, s22;
	s22 =	simm.s32 $0x100  }
0xe5: {  	[tilespmem:s22], [sflag:$0x3] =	stream.linear.gather [hbm4b:s6+s21], $0x50, $0x38;
	[tilespmem:$0x1E400] =	vst v63  }
0xe6: {  	s22 =	rddreg [dreg:$0x1a]  }
0xe7: {  	s6 =	sadd.s32 s20, s22;
	s22 =	simm.s32 $0x500  }
0xe8: {  	[tilespmem:s22], [sflag:$0x3] =	stream.linear.gather [hbm4b:s6+s21], $0x50, $0x38;
	[tilespmem:$0x1E400] =	vst v63  }
0xe9: {  	s6 =	simm.s32 @!p0 $0xE  }
0xea: {  	_ =	swait.ge @!p0 [sflag:s6], $0x2800  }
0xeb: {  	[sflag:s6] =	ssyncset.done @!p0 $0x0  }
0xec: {  	[sflag:s6] =	ssyncadd.s32 @!p0 $0xFFFFD800;
	s6 =	simm.s32 @!p0 $0x2  }
0xed: {  	_ =	swait.ge @!p0 [sflag:s6], $0x50  }
0xee: {  	[sflag:s6] =	ssyncset.done @!p0 $0x0  }
0xef: {  	[sflag:s6] =	ssyncadd.s32 @!p0 $0xFFFFFFB0  }
0xf0: {  	_ =	swait.ge @!p0 [sflag:s6], $0x50  }
0xf1: {  	[sflag:s6] =	ssyncset.done @!p0 $0x0  }
0xf2: {  	s21 =	simm.s32 @!p0 $0x3000;
	[sflag:s6] =	ssyncadd.s32 @!p0 $0xFFFFFFB0;
	s6 =	simm.s32 @!p0 $0x80  }
0xf3: {  	[tilespmem:s21], [sflag:$0xA] =	stream.indirect.gather @!p0 [hbm4b:s5+s4], $0x80, s6, s4, $0xb8;
	[tilespmem:$0x1E400] =	vst v63  }
0xf4: {  	s6 =	simm.s32 @!p0 $0xB  }
0xf5: {  	_ =	swait.ge @!p0 [sflag:s6], $0x2800  }
0xf6: {  	[sflag:s6] =	ssyncset.done @!p0 $0x0  }
0xf7: {  	[sflag:s6] =	ssyncadd.s32 @!p0 $0xFFFFD800;
	s6 =	simm.s32 @!p0 $0x700  }
0xf8: {  	[spmem:s3] =	stream.indirect.scatter.add.f32 @!p0 [tilespmem:s15], [sflag:$0xF], $0x80, s6, s4, $0xb8;
	[tilespmem:$0x1E400] =	vst v63  }
0xf9: {  	s6 =	rddreg [dreg:$0x19]  }
0xfa: {  	s22 =	simm.s32 @!p0 $0x180;
	s21 =	simm.s32 @!p0 $0x0;
	s6 =	sadd.s32 @!p0 s20, s6  }
0xfb: {  	[tilespmem:s22], [sflag:$0x4] =	stream.linear.gather @!p0 [hbm4b:s6+s21], $0x50, $0x38;
	[tilespmem:$0x1E400] =	vst v63  }
0xfc: {  	s6 =	rddreg [dreg:$0x18]  }
0xfd: {  	s22 =	simm.s32 @!p0 $0x580;
	s6 =	sadd.s32 @!p0 s20, s6  }
0xfe: {  	[tilespmem:s22], [sflag:$0x4] =	stream.linear.gather @!p0 [hbm4b:s6+s21], $0x50, $0x38;
	[tilespmem:$0x1E400] =	vst v63  }
0xff: {  	s6 =	simm.s32 @!p0 $0xF  }
0x100: {  	_ =	swait.ge @!p0 [sflag:s6], $0x2800  }
0x101: {  	[sflag:s6] =	ssyncset.done @!p0 $0x0  }
0x102: {  	[sflag:s6] =	ssyncadd.s32 @!p0 $0xFFFFD800;
	s6 =	simm.s32 @!p0 $0x3  }
0x103: {  	_ =	swait.ge @!p0 [sflag:s6], $0x50  }
0x104: {  	[sflag:s6] =	ssyncset.done @!p0 $0x0  }
0x105: {  	[sflag:s6] =	ssyncadd.s32 @!p0 $0xFFFFFFB0  }
0x106: {  	_ =	swait.ge @!p0 [sflag:s6], $0x50  }
0x107: {  	[sflag:s6] =	ssyncset.done @!p0 $0x0  }
0x108: {  	[sflag:s6] =	ssyncadd.s32 @!p0 $0xFFFFFFB0;
	s6 =	simm.s32 @!p0 $0x100  }
0x109: {  	[tilespmem:s15], [sflag:$0xB] =	stream.indirect.gather @!p0 [hbm4b:s5+s4], $0x80, s6, s4, $0xb8;
	[tilespmem:$0x1E400] =	vst v63  }
0x10a: {  	s6 =	simm.s32 @!p0 $0xC  }
0x10b: {  	_ =	swait.ge @!p0 [sflag:s6], $0x2800  }
0x10c: {  	[sflag:s6] =	ssyncset.done @!p0 $0x0  }
0x10d: {  	s15 =	simm.s32 @!p0 $0x8000;
	[sflag:s6] =	ssyncadd.s32 @!p0 $0xFFFFD800;
	s6 =	simm.s32 @!p0 $0x780  }
0x10e: {  	[spmem:s3] =	stream.indirect.scatter.add.f32 @!p0 [tilespmem:s15], [sflag:$0x10], $0x80, s6, s4, $0xb8;
	[tilespmem:$0x1E400] =	vst v63  }
0x10f: {  	s4 =	rddreg [dreg:$0x17]  }
.Ltmp5:
0x110: {  	s6 =	simm.s32 @!p0 $0x200;
	s4 =	sadd.s32 @!p0 s20, s4;
	(pc) =	sbr.rel .LBB2_4-.Ltmp5, $4  }
0x111: {  	[tilespmem:s6], [sflag:$0x5] =	stream.linear.gather @!p0 [hbm4b:s4+s21], $0x50, $0x38;
	[tilespmem:$0x1E400] =	vst v63  }
0x112: {  	s4 =	rddreg [dreg:$0x16]  }
0x113: {  	s6 =	simm.s32 @!p0 $0x600;
	s4 =	sadd.s32 @!p0 s20, s4  }
0x114: {  	[tilespmem:s6], [sflag:$0x5] =	stream.linear.gather @!p0 [hbm4b:s4+s21], $0x50, $0x38;
	[tilespmem:$0x1E400] =	vst v63  }
.LBB2_6:
0x115: {  	_ =	sfence.sel $0x180000  }
0x116: {  	[bflag:$0x0] =	sbarrier.arrive $0xFFFF  }
0x117: {  	_ =	strace $0x9000004A  }
0x118: {  	s0 =	stileid.u32;
	[bflag:$0x2] =	sbarrier.arrive $0xFFFF  }
0x119: {  	p0 =	sne.s32 s0, $0x0;
	s0 =	rddreg [dreg:$0x3]  }
0x11a: {  	s0 =	sadd.s32 @!p0 $0x100000, s0  }
0x11b: {  	[sflag:s0] =	ssyncadd.tile.s32 @!p0 $0x1;
	_ =	shalt  }
.Lfunc_end2:
_tile_overlayer_lowered:
.L_overlay_start_2:
0x11c: {  	(tag) =	ssettag $0x2  }
0x11d: {  	s0 =	rddreg [dreg:$0x0];
	s2 =	stileid.u32  }
0x11e: {  	s1 =	rddreg [dreg:$0x1];
	p0 =	sne.s32 s2, $0x0  }
0x11f: {  	s3 =	rddreg [dreg:$0x2];
	[bflag:$0x3] =	sbarrier.arrive $0xFFFF;
	s2 =	simm.s32 @!p0 $0x1C11  }
0x120: {  	[timem:s3], [sflag:s2] =	dma.local @!p0 [hbm:s0], s1  }
0x121: {  	s0 =	simm.s32 @!p0 $0x11  }
0x122: {  	_ =	swait.ge @!p0 [sflag:s0], s1  }
0x123: {  	s1 =	ssub.s32 @!p0 $0x0, s1;
	[sflag:s0] =	ssyncset.done @!p0 $0x0  }
0x124: {  	[sflag:s0] =	ssyncadd.s32 @!p0 s1  }
0x125: {  	[bflag:$0x3] =	sbarrier.arrive $0xFFFF  }
0x126: {  	_ =	shalt  }

// kernel: kernel.7.cloned.1.call-start
scs
__scs_entry_jumppad:
0x0: {  	(pc) =	sbr.rel $0x88, $3  }
0x1: {  	(tag) =	ssettag $0x0;
	lr =	simm.s32 $0x1  }
0x2: {  	[smem:$0x3F9B] =	sst lr;
	_ =	strace $0xD0000000  }
0x3: {  	_ = 	snop  }
0x4: {  	_ = 	snop  }
0x5: {  	_ = 	snop  }
0x6: {  	_ = 	snop  }
0x7: {  	_ = 	snop  }
__scs_overlays_trampoline_lowered:
0x8: {  	[smem:$0x3FAA] =	sst s0  }
0x9: {  	[smem:$0x3FAB] =	sst s1  }
0xa: {  	[smem:$0x3FAC] =	sst s2  }
0xb: {  	[smem:$0x3FAD] =	sst s3  }
0xc: {  	[smem:$0x3FAE] =	sst s4  }
0xd: {  	[smem:$0x3FAF] =	sst s5  }
0xe: {  	[smem:$0x3FB0] =	sst s6  }
0xf: {  	[smem:$0x3FB1] =	sst s7  }
0x10: {  	[smem:$0x3FB2] =	sst s8  }
0x11: {  	[smem:$0x3FB3] =	sst s9;
	s0 =	simm.s32 @!p0 $0x0  }
0x12: {  	s1 =	sld [smem:$0x3F99];
	s0 =	simm.s32 @p0 $0x1  }
0x13: {  	[smem:$0x3FB4] =	sst s0;
	s0 =	simm.s32 @!p1 $0x0  }
0x14: {  	s2 =	sld [smem:$0x3F98];
	s0 =	simm.s32 @p1 $0x1  }
0x15: {  	[smem:$0x3FB5] =	sst s0;
	s0 =	simm.s32 @!p2 $0x0  }
0x16: {  	s3 =	sld [smem:$0x3FDB];
	s0 =	simm.s32 @p2 $0x1  }
0x17: {  	s4 =	simm.s32 $0x1BF5;
	[smem:$0x3FB7] =	sst s0  }
0x18: {  	s0 =	sld [smem:$0x3F9A];
	_ =	swait.ge [sflag:s4], $0x0  }
0x19: {  	s7 =	sld [smem:$0x3F9B]  }
0x1a: {  	s8 =	sadd.s32 $0xFFFFE003, lr  }
0x1b: {  	s9 =	sadd.s32 $0xFFFFFEF7, lr;
	s5 =	simm.s32 $0xFFFFFFFF;
	p2 =	slt.u32 s8, $0xFFFFF086  }
0x1c: {  	p1 =	slt.u32 s9, $0xF7A;
	s5 =	simm.s32 @!p2 $0x0  }
0x1d: {  	s5 =	simm.s32 @p1 $0x1;
	p0 =	seq.s32 s7, s2  }
0x1e: {  	s7 =	smul.u32 @!p0 $0xF7A, s2;
	p2 =	seq.s32 @!p0 s5, $0x0  }
0x1f: {  	s9 =	smul.u32 $0xF7A, s1;
	s8 =	simm.s32 @!p0 $0x1BF5;
	p2 =	por !p2, p0  }
0x20: {  	[sflag:s8] =	ssyncset.s32 @!p0 $0xFFFFF086;
	s6 =	sadd.s32 @!p0 s3, s7;
	s7 =	simm.s32 @!p0 $0x108  }
0x21: {  	s3 =	sadd.s32 s3, s9;
	s6 =	sadd.s32 @!p0 $0x88, s6;
	s7 =	simm.s32 @p2 $0x1082  }
0x22: {  	[simem:s7], [sflag:s8] =	dma.local @!p0 [hbm:s6], $0xF7A  }
0x23: {  	s9 =	sor.u32 $0xD0000000, s2;
	s6 =	simm.s32 $0x108;
	_ =	swait.ge @!p0 [sflag:s8], $0x0  }
0x24: {  	s3 =	sadd.s32 $0x88, s3;
	s6 =	simm.s32 @!p1 $0x1082;
	[sflag:s4] =	ssyncset.s32 $0xFFFFF086  }
0x25: {  	[simem:s6], [sflag:s4] =	dma.local [hbm:s3], $0xF7A  }
0x26: {  	[smem:$0x3F9B] =	sst s1;
	(tag) =	ssettag s2;
	_ =	strace s9  }
0x27: {  	s1 =	sld [smem:$0x3FAB]  }
0x28: {  	s2 =	sld [smem:$0x3FAC]  }
0x29: {  	s4 =	sld [smem:$0x3FAE]  }
0x2a: {  	p0 =	seq.s32 s5, $0x0;
	s5 =	sld [smem:$0x3FAF]  }
0x2b: {  	s6 =	sld [smem:$0x3FB0]  }
0x2c: {  	s7 =	sld [smem:$0x3FB1]  }
0x2d: {  	s3 =	simm.s32 $0x108;
	s8 =	sld [smem:$0x3FB2]  }
0x2e: {  	s3 =	simm.s32 @!p0 $0x1082;
	s9 =	sld [smem:$0x3FB3]  }
0x2f: {  	lr =	sadd.s32 s0, s3;
	s0 =	sld [smem:$0x3FAA]  }
0x30: {  	s3 =	sld [smem:$0x3FAD]  }
0x31: {  	[smem:$0x3FB6] =	sst s10  }
0x32: {  	s10 =	sld [smem:$0x3FB4];
	_ =	sdelay $0x3  }
0x33: {  	p0 =	seq.s32 s10, $0x1;
	s10 =	sld [smem:$0x3FB6];
	_ =	sdelay $0x3  }
0x34: {  	[smem:$0x3FB6] =	sst s10  }
0x35: {  	s10 =	sld [smem:$0x3FB5];
	_ =	sdelay $0x3  }
0x36: {  	p1 =	seq.s32 s10, $0x1;
	s10 =	sld [smem:$0x3FB6];
	_ =	sdelay $0x3  }
0x37: {  	[smem:$0x3FB6] =	sst s10  }
0x38: {  	s10 =	sld [smem:$0x3FB7]  }
0x39: {  	_ = 	snop;
	(pc) =	sbr.ind lr, $3  }
0x3a: {  	_ = 	snop  }
0x3b: {  	_ = 	snop  }
0x3c: {  	p2 =	seq.s32 s10, $0x1;
	s10 =	sld [smem:$0x3FB6]  }
0x3d: {  	_ =	shalt  }
0x3e: {  	_ =	shalt  }
0x3f: {  	_ =	shalt  }
0x40: {  	_ =	shalt  }
0x41: {  	_ =	shalt  }
0x42: {  	_ =	shalt  }
0x43: {  	_ =	shalt  }
0x44: {  	_ =	shalt  }
0x45: {  	_ =	shalt  }
0x46: {  	_ =	shalt  }
0x47: {  	_ =	shalt  }
0x48: {  	_ =	shalt  }
0x49: {  	_ =	shalt  }
0x4a: {  	_ =	shalt  }
0x4b: {  	_ =	shalt  }
0x4c: {  	_ =	shalt  }
0x4d: {  	_ =	shalt  }
0x4e: {  	_ =	shalt  }
0x4f: {  	_ =	shalt  }
0x50: {  	_ =	shalt  }
0x51: {  	_ =	shalt  }
0x52: {  	_ =	shalt  }
0x53: {  	_ =	shalt  }
0x54: {  	_ =	shalt  }
0x55: {  	_ =	shalt  }
0x56: {  	_ =	shalt  }
0x57: {  	_ =	shalt  }
0x58: {  	_ =	shalt  }
0x59: {  	_ =	shalt  }
0x5a: {  	_ =	shalt  }
0x5b: {  	_ =	shalt  }
0x5c: {  	_ =	shalt  }
0x5d: {  	_ =	shalt  }
0x5e: {  	_ =	shalt  }
0x5f: {  	_ =	shalt  }
0x60: {  	_ =	shalt  }
0x61: {  	_ =	shalt  }
0x62: {  	_ =	shalt  }
0x63: {  	_ =	shalt  }
0x64: {  	_ =	shalt  }
0x65: {  	_ =	shalt  }
0x66: {  	_ =	shalt  }
0x67: {  	_ =	shalt  }
0x68: {  	_ =	shalt  }
0x69: {  	_ =	shalt  }
0x6a: {  	_ =	shalt  }
0x6b: {  	_ =	shalt  }
0x6c: {  	_ =	shalt  }
0x6d: {  	_ =	shalt  }
0x6e: {  	_ =	shalt  }
0x6f: {  	_ =	shalt  }
0x70: {  	_ =	shalt  }
0x71: {  	_ =	shalt  }
0x72: {  	_ =	shalt  }
0x73: {  	_ =	shalt  }
0x74: {  	_ =	shalt  }
0x75: {  	_ =	shalt  }
0x76: {  	_ =	shalt  }
0x77: {  	_ =	shalt  }
0x78: {  	_ =	shalt  }
0x79: {  	_ =	shalt  }
0x7a: {  	_ =	shalt  }
0x7b: {  	_ =	shalt  }
0x7c: {  	_ =	shalt  }
0x7d: {  	_ =	shalt  }
0x7e: {  	_ =	shalt  }
0x7f: {  	_ =	shalt  }
0x80: {  	_ =	shalt  }
0x81: {  	_ =	shalt  }
0x82: {  	_ =	shalt  }
0x83: {  	_ =	shalt  }
0x84: {  	_ =	shalt  }
0x85: {  	_ =	shalt  }
0x86: {  	_ =	shalt  }
0x87: {  	_ =	shalt  }
.Lfunc_end0:
.L_simem_size_0:
called_computation_lowered:
.L_overlay_start_0:
0x88: {  	s2 =	sld [smem:$0x3FD9]  }
0x89: {  	s3 =	sld [smem:$0x3FFE];
	_ =	sdelay $0x1  }
0x8a: {  	s1 =	srdreg.scid  }
0x8b: {  	s0 =	sand.u32 $0x1, s1  }
0x8c: {  	s17 =	sshll.u32 s0, $0xA;
	s2 =	sadd.s32 s3, s2  }
0x8d: {  	s2 =	sadd.s32 s2, s17  }
0x8e: {  	[smem:$0x3FC2] =	sst s2  }
0x8f: {  	_ = 	snop  }
0x90: {  	s2 =	sld [smem:$0x3FD0];
	(tm) =	ssettm $0x1  }
0x91: {  	s18 =	sld [smem:$0x3FFB];
	_ =	sdelay $0x3  }
0x92: {  	_ =	strace s18  }
0x93: {  	s3 =	sld [smem:$0x3FFC];
	_ =	sdelay $0x3  }
0x94: {  	_ =	strace s3  }
0x95: {  	s3 =	sld [smem:$0x3FFD];
	_ =	sdelay $0x3  }
0x96: {  	_ =	strace s3  }
0x97: {  	_ =	strace $0x8FFFFFFF  }
0x98: {  	s19 =	sld [smem:$0x3FDB];
	_ =	sdelay $0x1  }
0x99: {  	s4 =	simm.s32 $_scs_section_size  }
0x9a: {  	s5 =	simm.s32 $_size__tile_overlayer_lowered;
	s6 =	simm.s32 $_tile_overlayer_lowered  }
0x9b: {  	s22 =	simm.s32 $0x1BFF;
	s21 =	sshll.u32 s6, $0x1;
	s3 =	sadd.s32 s4, s19  }
0x9c: {  	s7 =	simm.s32 $0x0;
	s20 =	sshll.u32 s5, $0x1;
	s5 =	sadd.s32 s21, s3  }
0x9d: {  	[timem:s7], [sflag:s22] =	dma.local [hbm:s5], s20  }
0x9e: {  	_ =	swait.ge [sflag:s22], s20  }
0x9f: {  	s4 =	ssub.s32 $0x0, s20;
	[sflag:s22] =	ssyncset.done $0x0  }
0xa0: {  	[sflag:s22] =	ssyncadd.s32 s4;
	_ =	sdelay $0x1  }
0xa1: {  	s23 =	simm.s32 $0x1B8B  }
0xa2: {  	_ =	swait.ge [sflag:s23], $0x1  }
0xa3: {  	[sflag:s23] =	ssyncset.done $0x0  }
0xa4: {  	s25 =	simm.s32 $0x1B8E;
	s24 =	sld [smem:$0x3FFE];
	[sflag:s23] =	ssyncadd.s32 $0xFFFFFFFF  }
0xa5: {  	s26 =	simm.s32 $execute0_lowered;
	[smem:$0x3FD2] =	sst s25  }
0xa6: {  	s5 =	sshll.u32 s26, $0x1;
	_ =	strace $0x80000046;
	[dreg:$0x1] =	wrdreg $0xFFFFFFFF  }
0xa7: {  	s28 =	simm.s32 $_size_execute0_lowered;
	s3 =	sadd.s32 s3, s5;
	[dreg:$0x0] =	wrdreg $0x0  }
0xa8: {  	s5 =	sshll.u32 s28, $0x1;
	[dreg:$0x2] =	wrdreg s3  }
0xa9: {  	[dreg:$0x3] =	wrdreg s5  }
0xaa: {  	[dreg:$0x4] =	wrdreg $0xC0  }
0xab: {  	_ =	task [dreg:s7], $0x5FFFF  }
0xac: {  	[dreg:$0x1] =	wrdreg $0xFFFFFFFF  }
0xad: {  	[dreg:$0x0] =	wrdreg $0x60  }
0xae: {  	[dreg:$0x2] =	wrdreg s24  }
0xaf: {  	[dreg:$0x3] =	wrdreg s2  }
0xb0: {  	[dreg:$0x4] =	wrdreg $0xA8000  }
0xb1: {  	[dreg:$0x5] =	wrdreg $0x9  }
0xb2: {  	_ =	task.clear_ibuf [dreg:s7], $0x6FFFF;
	_ =	strace $0x90000046  }
0xb3: {  	s29 =	simm.s32 $0x9;
	_ =	strace $0x80000048  }
0xb4: {  	_ =	swait.ge [sflag:s29], $0x1  }
0xb5: {  	[sflag:s29] =	ssyncadd.s32 $0xFFFFFFFF  }
0xb6: {  	_ =	strace $0x90000048  }
0xb7: {  	_ =	sfence  }
0xb8: {  	s30 =	sld [smem:$0x0];
	_ =	sdelay $0x2  }
0xb9: {  	s31 =	sshll.u32 s1, $0xD;
	s1 =	sshrl.u32 s1, $0x2  }
0xba: {  	s3 =	sand.u32 $0x4000, s31;
	s1 =	sadd.s32 s1, s30  }
0xbb: {  	s0 =	sor.u32 s3, s0;
	s1 =	sshll.u32 s1, $0x11  }
0xbc: {  	s0 =	sor.u32 s1, s0  }
0xbd: {  	s0 =	sadd.s32 $0x8F2B, s0  }
0xbe: {  	[sflag:s0] =	ssyncadd.remote.s32 $0x1  }
0xbf: {  	_ =	sfence.sel $0xFFFF  }
0xc0: {  	[dreg:$0x0] =	wrdreg $0xFFFFFFFF;
	(pc) =	sbr.abs _section_cstart, $3  }
0xc1: {  	[dreg:$0x1] =	wrdreg $0xFFFFFFFF  }
0xc2: {  	_ =	task.clear_ibuf [dreg:s7], $0x2FFFF;
	_ =	strace $0x9FFFFFFF  }
0xc3: {  	(tm) =	ssettm $0x7FFFFFFF  }
tec
execute0_lowered:
.L_overlay_start_1:
0x0: {  	(tag) =	ssettag $0x1  }
0x1: {  	s0 =	rddreg [dreg:$0x0]  }
0x2: {  	s6 =	rddreg [dreg:$0x1]  }
0x3: {  	s3 =	rddreg [dreg:$0x2];
	s11 =	stileid.u32  }
0x4: {  	s1 =	simm.s32 $0x0;
	s12 =	srdreg.scid;
	s2 =	smul.u32 $0x2780, s11  }
0x5: {  	s31 =	simm.s32 $0x1;
	[smem:$0x7FF] =	sst s1;
	s20 =	smul.u32 $0x4F000, s11  }
0x6: {  	s1 =	sand.u32 $0x1, s12;
	s4 =	sshll.u32 s11, $0x1;
	s10 =	smul.u32 $0x4E20, s11  }
0x7: {  	s5 =	sadd.s32 $0xB000, s0;
	s12 =	sadd.s32 $0x1200, s0;
	s7 =	smul.u32 $0x27800, s1  }
0x8: {  	s4 =	sor.u32 s1, s4;
	s13 =	ssub.s32 $0x2, s1;
	s1 =	smul.u32 $0x2710, s1  }
0x9: {  	s25 =	sshll.u32 s11, $0x6;
	_ =	strace $0x80000047;
	s4 =	smul.u32 $0x2710, s4  }
0xa: {  	s8 =	sadd.s32 s2, s0;
	s14 =	sshrl.u32 s13, $0x1;
	s2 =	sadd.s32 s2, s7  }
0xb: {  	s1 =	sadd.s32 s1, s10;
	s24 =	sadd.s32 $0x32200, s8;
	s0 =	sadd.s32 s2, s0  }
0xc: {  	s4 =	sshrl.u32 s4, $0x3;
	s2 =	ssub.s32 s13, s14;
	[dreg:$0xf] =	wrdreg s24  }
0xd: {  	s26 =	sadd.s32 $0x2D0, s1;
	s14 =	sor.u32 $0x1C11, s25;
	s8 =	sadd.s32 $0x190, s1  }
0xe: {  	s10 =	sadd.s32 $0x230, s1;
	s15 =	sadd.s32 s12, s4;
	[dreg:$0x10] =	wrdreg s14  }
0xf: {  	s11 =	sadd.s32 $0x1E0, s1;
	s9 =	sadd.s32 s6, s4;
	[dreg:$0x4] =	wrdreg s15  }
0x10: {  	s16 =	sadd.s32 $0xA, s4;
	s0 =	sadd.s32 $0x59A00, s0;
	[dreg:$0x5] =	wrdreg s9  }
0x11: {  	s18 =	sadd.s32 $0x14, s4;
	s2 =	smax.u32 s2, $0x1;
	[dreg:$0x11] =	wrdreg s0  }
0x12: {  	s21 =	sadd.s32 $0x1E, s4;
	s17 =	sadd.s32 s12, s16;
	[dreg:$0x12] =	wrdreg s2  }
0x13: {  	s4 =	sadd.s32 $0x28, s4;
	s7 =	sadd.s32 s6, s16;
	[dreg:$0x6] =	wrdreg s17  }
0x14: {  	s19 =	sadd.s32 s12, s18;
	s9 =	sadd.s32 s6, s18;
	[dreg:$0x7] =	wrdreg s7  }
0x15: {  	s13 =	sadd.s32 s12, s21;
	s22 =	sadd.s32 s12, s4;
	[dreg:$0x8] =	wrdreg s19  }
0x16: {  	s4 =	sadd.s32 s6, s4;
	s2 =	sshrl.u32 s10, $0x3;
	[dreg:$0x9] =	wrdreg s9  }
0x17: {  	s15 =	sadd.s32 $0x3C0, s1;
	s18 =	sadd.s32 $0x370, s1;
	[dreg:$0xa] =	wrdreg s13  }
0x18: {  	s10 =	simm.s32 $0xE;
	s9 =	sadd.s32 s6, s21;
	[dreg:$0xc] =	wrdreg s22  }
0x19: {  	s7 =	sshrl.u32 s20, $0x2;
	[dreg:$0xd] =	wrdreg s4;
	s4 =	sshrl.u32 s26, $0x3  }
0x1a: {  	s13 =	sshrl.u32 s11, $0x3;
	s26 =	sadd.s32 s2, s6;
	s28 =	sadd.s32 s2, s12  }
0x1b: {  	s16 =	sshrl.u32 s15, $0x3;
	s17 =	sadd.s32 $0x280, s1;
	s1 =	sadd.s32 $0x320, s1  }
0x1c: {  	s20 =	sshrl.u32 s18, $0x3;
	s11 =	simm.s32 $0xB;
	[dreg:$0xb] =	wrdreg s9  }
0x1d: {  	s23 =	sadd.s32 s7, s3;
	s7 =	sadd.s32 s4, s6;
	s0 =	sadd.s32 s4, s12  }
0x1e: {  	s9 =	sshrl.u32 s8, $0x3;
	s29 =	sadd.s32 s13, s6;
	[dreg:$0x15] =	wrdreg s17  }
0x1f: {  	s30 =	sadd.s32 s13, s12;
	s19 =	sadd.s32 s16, s6;
	[dreg:$0xe] =	wrdreg s23  }
0x20: {  	s1 =	sshrl.u32 s1, $0x3;
	s2 =	sadd.s32 s20, s6;
	[dreg:$0x13] =	wrdreg s7  }
0x21: {  	s8 =	simm.s32 $0x5;
	s13 =	simm.s32 $0xF;
	[dreg:$0x14] =	wrdreg s0  }
0x22: {  	s24 =	sadd.s32 s9, s6;
	s25 =	sadd.s32 s9, s12;
	[dreg:$0x16] =	wrdreg s19  }
0x23: {  	s0 =	sadd.s32 s16, s12;
	[dreg:$0x18] =	wrdreg s2;
	s21 =	sadd.s32 s1, s6  }
0x24: {  	s23 =	smov.u32 s12;
	s22 =	sadd.s32 s1, s12;
	s19 =	simm.s32 $0x800  }
.Ltmp0:
0x25: {  	s1 =	simm.s32 $0x4;
	s2 =	simm.s32 $0x9;
	(pc) =	sbr.rel .LBB2_1-.Ltmp0, $4  }
0x26: {  	s7 =	simm.s32 $0xD;
	s9 =	simm.s32 $0xA;
	[dreg:$0x17] =	wrdreg s0  }
0x27: {  	s16 =	simm.s32 $0xC;
	s6 =	simm.s32 $0x0;
	[dreg:$0x1a] =	wrdreg s21  }
0x28: {  	s0 =	sadd.s32 s20, s12;
	[dreg:$0x1b] =	wrdreg s22;
	s20 =	simm.s32 $0x11  }
0x29: {  	s12 =	simm.s32 $0x50;
	[dreg:$0x19] =	wrdreg s0;
	s0 =	simm.s32 $0x8000  }
.LBB2_5:
0x2a: {  	_ =	swait.ge [sflag:s7], $0x2800  }
0x2b: {  	[sflag:s7] =	ssyncset.done $0x0  }
0x2c: {  	[sflag:s7] =	ssyncadd.s32 $0xFFFFD800  }
0x2d: {  	[bflag:$0x0] =	sbarrier.arrive $0xFFFF  }
0x2e: {  	s14 =	rddreg [dreg:$0x10]  }
0x2f: {  	s4 =	rddreg [dreg:$0x11]  }
0x30: {  	s20 =	simm.s32 $0x11;
	s6 =	rddreg [dreg:$0x1d]  }
0x31: {  	[hbm:s4], [sflag:s14] =	dma.local [spmem:s6], $0x2780  }
0x32: {  	_ =	swait.ge [sflag:s20], $0x2780  }
0x33: {  	s21 =	rddreg [dreg:$0x1c]  }
0x34: {  	s22 =	rddreg [dreg:$0x12];
	s6 =	sadd.s32 $0x1, s21  }
0x35: {  	p0 =	sne.s32 s6, s22  }
.Ltmp1:
0x36: {  	_ = 	snop;
	(pc) =	sbr.rel @!p0 .LBB2_6-.Ltmp1, $3  }
0x37: {  	_ =	sdelay $0x1  }
0x38: {  	[sflag:s20] =	ssyncset.done $0x0  }
0x39: {  	[sflag:s20] =	ssyncadd.s32 $0xFFFFD880  }
.LBB2_1:
0x3a: {  	[dreg:$0x1c] =	wrdreg s6  }
0x3b: {  	s21 =	rddreg [dreg:$0x4]  }
0x3c: {  	s4 =	simm.s32 $0x0;
	s22 =	rddreg [dreg:$0x5]  }
0x3d: {  	[tilespmem:s4], [sflag:$0x1] =	stream.linear.gather [hbm4b:s21+s4], $0x50, $0x38;
	[tilespmem:$0x1E400] =	vst v63  }
0x3e: {  	s15 =	simm.s32 $0x400;
	s17 =	rddreg [dreg:$0x6]  }
0x3f: {  	[tilespmem:s15], [sflag:$0x1] =	stream.linear.gather [hbm4b:s22+s4], $0x50, $0x38;
	[tilespmem:$0x1E400] =	vst v63  }
0x40: {  	s18 =	rddreg [dreg:$0x7];
	s15 =	simm.s32 $0x80  }
0x41: {  	[tilespmem:s15], [sflag:$0x2] =	stream.linear.gather [hbm4b:s17+s4], $0x50, $0x38;
	[tilespmem:$0x1E400] =	vst v63  }
0x42: {  	s21 =	rddreg [dreg:$0x8];
	s17 =	simm.s32 $0x480  }
0x43: {  	[tilespmem:s17], [sflag:$0x2] =	stream.linear.gather [hbm4b:s18+s4], $0x50, $0x38;
	[tilespmem:$0x1E400] =	vst v63  }
0x44: {  	s22 =	rddreg [dreg:$0x9];
	s17 =	simm.s32 $0x100  }
0x45: {  	[tilespmem:s17], [sflag:$0x3] =	stream.linear.gather [hbm4b:s21+s4], $0x50, $0x38;
	[tilespmem:$0x1E400] =	vst v63  }
0x46: {  	s18 =	simm.s32 $0x500;
	s21 =	rddreg [dreg:$0xa]  }
0x47: {  	[tilespmem:s18], [sflag:$0x3] =	stream.linear.gather [hbm4b:s22+s4], $0x50, $0x38;
	[tilespmem:$0x1E400] =	vst v63  }
0x48: {  	s22 =	simm.s32 $0x180;
	s18 =	rddreg [dreg:$0xe]  }
0x49: {  	[tilespmem:s22], [sflag:$0x4] =	stream.linear.gather [hbm4b:s21+s4], $0x50, $0x38;
	[tilespmem:$0x1E400] =	vst v63  }
0x4a: {  	s21 =	rddreg [dreg:$0xb];
	s22 =	simm.s32 $0x580  }
0x4b: {  	[tilespmem:s22], [sflag:$0x4] =	stream.linear.gather [hbm4b:s21+s4], $0x50, $0x38;
	[tilespmem:$0x1E400] =	vst v63  }
0x4c: {  	s21 =	rddreg [dreg:$0xc];
	s22 =	simm.s32 $0x200  }
0x4d: {  	[tilespmem:s22], [sflag:$0x5] =	stream.linear.gather [hbm4b:s21+s4], $0x50, $0x38;
	[tilespmem:$0x1E400] =	vst v63  }
0x4e: {  	s21 =	rddreg [dreg:$0xd];
	s22 =	simm.s32 $0x600  }
0x4f: {  	[tilespmem:s22], [sflag:$0x5] =	stream.linear.gather [hbm4b:s21+s4], $0x50, $0x38;
	[tilespmem:$0x1E400] =	vst v63  }
0x50: {  	s21 =	sshrl.u32 s18, $0x3;
	s22 =	rddreg [dreg:$0xf]  }
0x51: {  	[dreg:$0x1d] =	wrdreg s21  }
0x52: {  	[spmem:s21], [sflag:s14] =	dma.local [hbm:s22], $0x2780  }
0x53: {  	_ =	swait.ge [sflag:s20], $0x2780  }
0x54: {  	[sflag:s20] =	ssyncset.done $0x0  }
0x55: {  	[sflag:s20] =	ssyncadd.s32 $0xFFFFD880  }
0x56: {  	[bflag:$0x0] =	sbarrier.arrive $0xFFFF  }
0x57: {  	_ =	swait.ge [sflag:s31], $0x50  }
0x58: {  	[sflag:s31] =	ssyncset.done $0x0  }
0x59: {  	[sflag:s31] =	ssyncadd.s32 $0xFFFFFFB0  }
0x5a: {  	_ =	swait.ge [sflag:s31], $0x50  }
0x5b: {  	[sflag:s31] =	ssyncset.done $0x0  }
0x5c: {  	s18 =	simm.s32 $0x2;
	[sflag:s31] =	ssyncadd.s32 $0xFFFFFFB0  }
0x5d: {  	[tilespmem:s19], [sflag:$0x9] =	stream.indirect.gather [hbm4b:s5+s12], $0x80, s4, s12, $0xb8;
	[tilespmem:$0x1E400] =	vst v63  }
0x5e: {  	_ =	swait.ge [sflag:s18], $0x50  }
0x5f: {  	[sflag:s18] =	ssyncset.done $0x0  }
0x60: {  	[sflag:s18] =	ssyncadd.s32 $0xFFFFFFB0  }
0x61: {  	_ =	swait.ge [sflag:s18], $0x50  }
0x62: {  	[sflag:s18] =	ssyncset.done $0x0  }
0x63: {  	s21 =	simm.s32 $0x3;
	s20 =	simm.s32 $0x3000;
	[sflag:s18] =	ssyncadd.s32 $0xFFFFFFB0  }
0x64: {  	[tilespmem:s20], [sflag:$0xA] =	stream.indirect.gather [hbm4b:s5+s12], $0x80, s15, s12, $0xb8;
	[tilespmem:$0x1E400] =	vst v63  }
0x65: {  	_ =	swait.ge [sflag:s21], $0x50  }
0x66: {  	[sflag:s21] =	ssyncset.done $0x0  }
0x67: {  	[sflag:s21] =	ssyncadd.s32 $0xFFFFFFB0  }
.Ltmp2:
0x68: {  	_ =	swait.ge [sflag:s21], $0x50;
	(pc) =	sbr.rel .LBB2_2-.Ltmp2, $4  }
0x69: {  	[sflag:s21] =	ssyncset.done $0x0  }
0x6a: {  	s22 =	simm.s32 $0x5800;
	s14 =	simm.s32 $0x0;
	[sflag:s21] =	ssyncadd.s32 $0xFFFFFFB0  }
0x6b: {  	[tilespmem:s22], [sflag:$0xB] =	stream.indirect.gather [hbm4b:s5+s12], $0x80, s17, s12, $0xb8;
	[tilespmem:$0x1E400] =	vst v63  }
0x6c: {  	s20 =	simm.s32 $0x0;
	s18 =	rddreg [dreg:$0x15];
	s17 =	simm.s32 $0x7  }
.LBB2_4:
0x6d: {  	s20 =	sadd.s32 $0x50, s20  }
0x6e: {  	p0 =	sne.s32 s20, $0x500  }
.Ltmp3:
0x6f: {  	_ = 	snop;
	(pc) =	sbr.rel @!p0 .LBB2_5-.Ltmp3, $2  }
0x70: {  	_ =	sdelay $0x2  }
0x71: {  	s14 =	sadd.s32 $0x1, s14;
	s18 =	sadd.s32 $0x280, s18;
	s17 =	sadd.s32 $0x8, s17  }
.LBB2_2:
0x72: {  	p0 =	seq.s32 s20, $0x0  }
0x73: {  	s4 =	simm.s32 @!p0 $0x10  }
0x74: {  	_ =	swait.ge @!p0 [sflag:s4], $0x2800  }
0x75: {  	[sflag:s4] =	ssyncset.done @!p0 $0x0  }
0x76: {  	[sflag:s4] =	ssyncadd.s32 @!p0 $0xFFFFD800  }
0x77: {  	_ =	swait.ge [sflag:s1], $0x50  }
0x78: {  	[sflag:s1] =	ssyncset.done $0x0  }
0x79: {  	[sflag:s1] =	ssyncadd.s32 $0xFFFFFFB0  }
0x7a: {  	_ =	swait.ge [sflag:s1], $0x50  }
0x7b: {  	[sflag:s1] =	ssyncset.done $0x0  }
0x7c: {  	s6 =	simm.s32 $0x180;
	[sflag:s1] =	ssyncadd.s32 $0xFFFFFFB0  }
0x7d: {  	[tilespmem:s0], [sflag:$0xC] =	stream.indirect.gather [hbm4b:s5+s12], $0x80, s6, s12, $0xb8;
	[tilespmem:$0x1E400] =	vst v63  }
0x7e: {  	_ =	swait.ge [sflag:s2], $0x2800  }
0x7f: {  	s21 =	sadd.s32 $0xFFFFFFFE, s17;
	[sflag:s2] =	ssyncset.done $0x0  }
0x80: {  	s15 =	simm.s32 $0x400;
	p1 =	sgt.u32 s21, $0x7C;
	[sflag:s2] =	ssyncadd.s32 $0xFFFFD800  }
0x81: {  	[spmem:s3] =	stream.indirect.scatter.add.f32 [tilespmem:s19], [sflag:$0xD], $0x80, s15, s12, $0xb8;
	[tilespmem:$0x1E400] =	vst v63  }
0x82: {  	s21 =	simm.s32 @!p1 $0x280;
	s4 =	sadd.s32 @!p1 s20, s25;
	s15 =	simm.s32 @!p1 $0x0  }
0x83: {  	[tilespmem:s21], [sflag:$0x6] =	stream.linear.gather @!p1 [hbm4b:s4+s15], $0x50, $0x38;
	[tilespmem:$0x1E400] =	vst v63  }
0x84: {  	s6 =	simm.s32 @!p1 $0x680;
	s4 =	sadd.s32 @!p1 s20, s24  }
0x85: {  	[tilespmem:s6], [sflag:$0x6] =	stream.linear.gather @!p1 [hbm4b:s4+s15], $0x50, $0x38;
	[tilespmem:$0x1E400] =	vst v63  }
0x86: {  	_ =	swait.ge [sflag:s7], $0x2800  }
0x87: {  	[sflag:s7] =	ssyncset.done $0x0  }
0x88: {  	[sflag:s7] =	ssyncadd.s32 $0xFFFFD800  }
0x89: {  	_ =	swait.ge [sflag:s8], $0x50  }
0x8a: {  	[sflag:s8] =	ssyncset.done $0x0  }
0x8b: {  	[sflag:s8] =	ssyncadd.s32 $0xFFFFFFB0  }
0x8c: {  	_ =	swait.ge [sflag:s8], $0x50  }
0x8d: {  	[sflag:s8] =	ssyncset.done $0x0  }
0x8e: {  	s22 =	simm.s32 $0x200;
	[sflag:s8] =	ssyncadd.s32 $0xFFFFFFB0  }
0x8f: {  	[tilespmem:s19], [sflag:$0x9] =	stream.indirect.gather [hbm4b:s5+s12], $0x80, s22, s12, $0xb8;
	[tilespmem:$0x1E400] =	vst v63  }
0x90: {  	_ =	swait.ge [sflag:s9], $0x2800  }
0x91: {  	s6 =	simm.s32 $0x480;
	s22 =	sadd.s32 $0xFFFFFFFF, s17;
	[sflag:s9] =	ssyncset.done $0x0  }
0x92: {  	s15 =	simm.s32 $0x3000;
	p0 =	sgt.u32 s22, $0x7C;
	[sflag:s9] =	ssyncadd.s32 $0xFFFFD800  }
0x93: {  	[spmem:s3] =	stream.indirect.scatter.add.f32 [tilespmem:s15], [sflag:$0xE], $0x80, s6, s12, $0xb8;
	[tilespmem:$0x1E400] =	vst v63  }
0x94: {  	s4 =	sadd.s32 @!p0 s20, s30;
	s6 =	simm.s32 @!p0 $0x0;
	s15 =	simm.s32 @!p0 $0x300  }
0x95: {  	[tilespmem:s15], [sflag:$0x7] =	stream.linear.gather @!p0 [hbm4b:s4+s6], $0x50, $0x38;
	[tilespmem:$0x1E400] =	vst v63  }
0x96: {  	s4 =	sadd.s32 @!p0 s20, s29;
	s15 =	simm.s32 @!p0 $0x700  }
0x97: {  	[tilespmem:s15], [sflag:$0x7] =	stream.linear.gather @!p0 [hbm4b:s4+s6], $0x50, $0x38;
	[tilespmem:$0x1E400] =	vst v63  }
0x98: {  	_ =	swait.ge [sflag:s10], $0x2800  }
0x99: {  	[sflag:s10] =	ssyncset.done $0x0  }
0x9a: {  	s4 =	simm.s32 @!p1 $0x6;
	[sflag:s10] =	ssyncadd.s32 $0xFFFFD800  }
0x9b: {  	_ =	swait.ge @!p1 [sflag:s4], $0x50  }
0x9c: {  	[sflag:s4] =	ssyncset.done @!p1 $0x0  }
0x9d: {  	[sflag:s4] =	ssyncadd.s32 @!p1 $0xFFFFFFB0  }
0x9e: {  	_ =	swait.ge @!p1 [sflag:s4], $0x50  }
0x9f: {  	[sflag:s4] =	ssyncset.done @!p1 $0x0  }
0xa0: {  	s6 =	simm.s32 @!p1 $0x3000;
	[sflag:s4] =	ssyncadd.s32 @!p1 $0xFFFFFFB0;
	s4 =	simm.s32 @!p1 $0x50  }
0xa1: {  	[tilespmem:s6], [sflag:$0xA] =	stream.indirect.gather @!p1 [hbm4b:s5+s4], $0x80, s21, s4, $0xb8;
	[tilespmem:$0x1E400] =	vst v63  }
0xa2: {  	_ =	swait.ge [sflag:s11], $0x2800  }
0xa3: {  	s15 =	simm.s32 $0x5800;
	[sflag:s11] =	ssyncset.done $0x0  }
0xa4: {  	p0 =	sgt.u32 s17, $0x7C;
	s6 =	simm.s32 $0x500;
	[sflag:s11] =	ssyncadd.s32 $0xFFFFD800  }
0xa5: {  	[spmem:s3] =	stream.indirect.scatter.add.f32 [tilespmem:s15], [sflag:$0xF], $0x80, s6, s12, $0xb8;
	[tilespmem:$0x1E400] =	vst v63  }
0xa6: {  	s4 =	sadd.s32 @!p0 s20, s28;
	s6 =	simm.s32 @!p0 $0x0;
	s15 =	simm.s32 @!p0 $0x380  }
0xa7: {  	[tilespmem:s15], [sflag:$0x8] =	stream.linear.gather @!p0 [hbm4b:s4+s6], $0x50, $0x38;
	[tilespmem:$0x1E400] =	vst v63  }
0xa8: {  	s4 =	sadd.s32 @!p0 s20, s26;
	s15 =	simm.s32 @!p0 $0x780  }
0xa9: {  	[tilespmem:s15], [sflag:$0x8] =	stream.linear.gather @!p0 [hbm4b:s4+s6], $0x50, $0x38;
	[tilespmem:$0x1E400] =	vst v63  }
0xaa: {  	_ =	swait.ge [sflag:s13], $0x2800  }
0xab: {  	p0 =	sgt.u32 s14, $0xE;
	[sflag:s13] =	ssyncset.done $0x0  }
0xac: {  	s4 =	simm.s32 @!p0 $0x7;
	[sflag:s13] =	ssyncadd.s32 $0xFFFFD800  }
0xad: {  	_ =	swait.ge @!p0 [sflag:s4], $0x50  }
0xae: {  	[sflag:s4] =	ssyncset.done @!p0 $0x0  }
0xaf: {  	[sflag:s4] =	ssyncadd.s32 @!p0 $0xFFFFFFB0  }
0xb0: {  	_ =	swait.ge @!p0 [sflag:s4], $0x50  }
0xb1: {  	s6 =	simm.s32 @!p0 $0x300;
	[sflag:s4] =	ssyncset.done @!p0 $0x0  }
0xb2: {  	s15 =	simm.s32 @!p0 $0x5800;
	[sflag:s4] =	ssyncadd.s32 @!p0 $0xFFFFFFB0;
	s4 =	simm.s32 @!p0 $0x50  }
0xb3: {  	[tilespmem:s15], [sflag:$0xB] =	stream.indirect.gather @!p0 [hbm4b:s5+s4], $0x80, s6, s4, $0xb8;
	[tilespmem:$0x1E400] =	vst v63  }
0xb4: {  	_ =	swait.ge [sflag:s16], $0x2800  }
0xb5: {  	p2 =	sne.s32 s20, $0x4B0;
	[sflag:s16] =	ssyncset.done $0x0  }
0xb6: {  	s21 =	simm.s32 $0x580;
	s6 =	sshrl.u32 @p2 s18, $0x3;
	[sflag:s16] =	ssyncadd.s32 $0xFFFFD800  }
0xb7: {  	[spmem:s3] =	stream.indirect.scatter.add.f32 [tilespmem:s0], [sflag:$0x10], $0x80, s21, s12, $0xb8;
	[tilespmem:$0x1E400] =	vst v63  }
0xb8: {  	s22 =	simm.s32 @p2 $0x0;
	s21 =	sadd.s32 @p2 s23, s6  }
0xb9: {  	[tilespmem:s22], [sflag:$0x1] =	stream.linear.gather @p2 [hbm4b:s21+s22], $0x50, $0x38;
	[tilespmem:$0x1E400] =	vst v63  }
0xba: {  	s21 =	rddreg [dreg:$0x1]  }
0xbb: {  	s6 =	sadd.s32 @p2 s21, s6;
	s21 =	simm.s32 @p2 $0x400  }
0xbc: {  	[tilespmem:s21], [sflag:$0x1] =	stream.linear.gather @p2 [hbm4b:s6+s22], $0x50, $0x38;
	[tilespmem:$0x1E400] =	vst v63  }
0xbd: {  	s6 =	simm.s32 @p2 $0x10  }
0xbe: {  	p3 =	sgt.u32 @p2 s14, $0xE;
	_ =	swait.ge @p2 [sflag:s6], $0x2800  }
0xbf: {  	p3 =	por p3, !p2;
	[sflag:s6] =	ssyncset.done @p2 $0x0  }
0xc0: {  	[sflag:s6] =	ssyncadd.s32 @p2 $0xFFFFD800;
	s6 =	simm.s32 @!p3 $0x8  }
0xc1: {  	_ =	swait.ge @!p3 [sflag:s6], $0x50  }
0xc2: {  	[sflag:s6] =	ssyncset.done @!p3 $0x0  }
0xc3: {  	[sflag:s6] =	ssyncadd.s32 @!p3 $0xFFFFFFB0  }
0xc4: {  	_ =	swait.ge @!p3 [sflag:s6], $0x50  }
0xc5: {  	s21 =	simm.s32 @!p3 $0x380;
	[sflag:s6] =	ssyncset.done @!p3 $0x0  }
0xc6: {  	s22 =	simm.s32 @!p3 $0x8000;
	[sflag:s6] =	ssyncadd.s32 @!p3 $0xFFFFFFB0;
	s6 =	simm.s32 @!p3 $0x50  }
0xc7: {  	[tilespmem:s22], [sflag:$0xC] =	stream.indirect.gather @!p3 [hbm4b:s5+s6], $0x80, s21, s6, $0xb8;
	[tilespmem:$0x1E400] =	vst v63  }
0xc8: {  	s6 =	simm.s32 @!p2 $0x10  }
0xc9: {  	_ =	swait.ge @!p2 [sflag:s6], $0x2800  }
0xca: {  	[sflag:s6] =	ssyncset.done @!p2 $0x0  }
0xcb: {  	[sflag:s6] =	ssyncadd.s32 @!p2 $0xFFFFD800  }
0xcc: {  	_ =	swait.ge [sflag:s2], $0x2800  }
0xcd: {  	s22 =	simm.s32 $0x600;
	p2 =	seq.s32 s20, $0x4B0;
	[sflag:s2] =	ssyncset.done $0x0  }
0xce: {  	s21 =	simm.s32 @!p2 $0x0;
	s6 =	rddreg [dreg:$0x14];
	[sflag:s2] =	ssyncadd.s32 $0xFFFFD800  }
0xcf: {  	[spmem:s3] =	stream.indirect.scatter.add.f32 [tilespmem:s19], [sflag:$0xD], $0x80, s22, s12, $0xb8;
	[tilespmem:$0x1E400] =	vst v63  }
.Ltmp4:
0xd0: {  	s6 =	sadd.s32 @!p2 s20, s6;
	s22 =	simm.s32 @!p2 $0x80;
	(pc) =	sbr.rel @p1 .LBB2_4-.Ltmp4, $4  }
0xd1: {  	[tilespmem:s22], [sflag:$0x2] =	stream.linear.gather @!p2 [hbm4b:s6+s21], $0x50, $0x38;
	[tilespmem:$0x1E400] =	vst v63  }
0xd2: {  	s6 =	rddreg [dreg:$0x13]  }
0xd3: {  	s22 =	simm.s32 @!p2 $0x480;
	s6 =	sadd.s32 @!p2 s20, s6  }
0xd4: {  	[tilespmem:s22], [sflag:$0x2] =	stream.linear.gather @!p2 [hbm4b:s6+s21], $0x50, $0x38;
	[tilespmem:$0x1E400] =	vst v63  }
0xd5: {  	_ =	swait.ge [sflag:s7], $0x2800  }
0xd6: {  	[sflag:s7] =	ssyncset.done $0x0  }
0xd7: {  	[sflag:s7] =	ssyncadd.s32 $0xFFFFD800  }
0xd8: {  	_ =	swait.ge [sflag:s31], $0x50  }
0xd9: {  	[sflag:s31] =	ssyncset.done $0x0  }
0xda: {  	[sflag:s31] =	ssyncadd.s32 $0xFFFFFFB0  }
0xdb: {  	_ =	swait.ge [sflag:s31], $0x50  }
0xdc: {  	[sflag:s31] =	ssyncset.done $0x0  }
0xdd: {  	s21 =	simm.s32 $0x0;
	[sflag:s31] =	ssyncadd.s32 $0xFFFFFFB0  }
0xde: {  	[tilespmem:s19], [sflag:$0x9] =	stream.indirect.gather [hbm4b:s5+s12], $0x80, s21, s12, $0xb8;
	[tilespmem:$0x1E400] =	vst v63  }
0xdf: {  	_ =	swait.ge [sflag:s9], $0x2800  }
0xe0: {  	[sflag:s9] =	ssyncset.done $0x0  }
0xe1: {  	s6 =	simm.s32 $0x3000;
	s22 =	simm.s32 $0x680;
	[sflag:s9] =	ssyncadd.s32 $0xFFFFD800  }
0xe2: {  	[spmem:s3] =	stream.indirect.scatter.add.f32 [tilespmem:s6], [sflag:$0xE], $0x80, s22, s12, $0xb8;
	[tilespmem:$0x1E400] =	vst v63  }
0xe3: {  	s22 =	rddreg [dreg:$0x1b]  }
0xe4: {  	s6 =	sadd.s32 s20, s22;
	s22 =	simm.s32 $0x100  }
0xe5: {  	[tilespmem:s22], [sflag:$0x3] =	stream.linear.gather [hbm4b:s6+s21], $0x50, $0x38;
	[tilespmem:$0x1E400] =	vst v63  }
0xe6: {  	s22 =	rddreg [dreg:$0x1a]  }
0xe7: {  	s6 =	sadd.s32 s20, s22;
	s22 =	simm.s32 $0x500  }
0xe8: {  	[tilespmem:s22], [sflag:$0x3] =	stream.linear.gather [hbm4b:s6+s21], $0x50, $0x38;
	[tilespmem:$0x1E400] =	vst v63  }
0xe9: {  	s6 =	simm.s32 @!p0 $0xE  }
0xea: {  	_ =	swait.ge @!p0 [sflag:s6], $0x2800  }
0xeb: {  	[sflag:s6] =	ssyncset.done @!p0 $0x0  }
0xec: {  	[sflag:s6] =	ssyncadd.s32 @!p0 $0xFFFFD800;
	s6 =	simm.s32 @!p0 $0x2  }
0xed: {  	_ =	swait.ge @!p0 [sflag:s6], $0x50  }
0xee: {  	[sflag:s6] =	ssyncset.done @!p0 $0x0  }
0xef: {  	[sflag:s6] =	ssyncadd.s32 @!p0 $0xFFFFFFB0  }
0xf0: {  	_ =	swait.ge @!p0 [sflag:s6], $0x50  }
0xf1: {  	[sflag:s6] =	ssyncset.done @!p0 $0x0  }
0xf2: {  	s21 =	simm.s32 @!p0 $0x3000;
	[sflag:s6] =	ssyncadd.s32 @!p0 $0xFFFFFFB0;
	s6 =	simm.s32 @!p0 $0x80  }
0xf3: {  	[tilespmem:s21], [sflag:$0xA] =	stream.indirect.gather @!p0 [hbm4b:s5+s4], $0x80, s6, s4, $0xb8;
	[tilespmem:$0x1E400] =	vst v63  }
0xf4: {  	s6 =	simm.s32 @!p0 $0xB  }
0xf5: {  	_ =	swait.ge @!p0 [sflag:s6], $0x2800  }
0xf6: {  	[sflag:s6] =	ssyncset.done @!p0 $0x0  }
0xf7: {  	[sflag:s6] =	ssyncadd.s32 @!p0 $0xFFFFD800;
	s6 =	simm.s32 @!p0 $0x700  }
0xf8: {  	[spmem:s3] =	stream.indirect.scatter.add.f32 @!p0 [tilespmem:s15], [sflag:$0xF], $0x80, s6, s4, $0xb8;
	[tilespmem:$0x1E400] =	vst v63  }
0xf9: {  	s6 =	rddreg [dreg:$0x19]  }
0xfa: {  	s22 =	simm.s32 @!p0 $0x180;
	s21 =	simm.s32 @!p0 $0x0;
	s6 =	sadd.s32 @!p0 s20, s6  }
0xfb: {  	[tilespmem:s22], [sflag:$0x4] =	stream.linear.gather @!p0 [hbm4b:s6+s21], $0x50, $0x38;
	[tilespmem:$0x1E400] =	vst v63  }
0xfc: {  	s6 =	rddreg [dreg:$0x18]  }
0xfd: {  	s22 =	simm.s32 @!p0 $0x580;
	s6 =	sadd.s32 @!p0 s20, s6  }
0xfe: {  	[tilespmem:s22], [sflag:$0x4] =	stream.linear.gather @!p0 [hbm4b:s6+s21], $0x50, $0x38;
	[tilespmem:$0x1E400] =	vst v63  }
0xff: {  	s6 =	simm.s32 @!p0 $0xF  }
0x100: {  	_ =	swait.ge @!p0 [sflag:s6], $0x2800  }
0x101: {  	[sflag:s6] =	ssyncset.done @!p0 $0x0  }
0x102: {  	[sflag:s6] =	ssyncadd.s32 @!p0 $0xFFFFD800;
	s6 =	simm.s32 @!p0 $0x3  }
0x103: {  	_ =	swait.ge @!p0 [sflag:s6], $0x50  }
0x104: {  	[sflag:s6] =	ssyncset.done @!p0 $0x0  }
0x105: {  	[sflag:s6] =	ssyncadd.s32 @!p0 $0xFFFFFFB0  }
0x106: {  	_ =	swait.ge @!p0 [sflag:s6], $0x50  }
0x107: {  	[sflag:s6] =	ssyncset.done @!p0 $0x0  }
0x108: {  	[sflag:s6] =	ssyncadd.s32 @!p0 $0xFFFFFFB0;
	s6 =	simm.s32 @!p0 $0x100  }
0x109: {  	[tilespmem:s15], [sflag:$0xB] =	stream.indirect.gather @!p0 [hbm4b:s5+s4], $0x80, s6, s4, $0xb8;
	[tilespmem:$0x1E400] =	vst v63  }
0x10a: {  	s6 =	simm.s32 @!p0 $0xC  }
0x10b: {  	_ =	swait.ge @!p0 [sflag:s6], $0x2800  }
0x10c: {  	[sflag:s6] =	ssyncset.done @!p0 $0x0  }
0x10d: {  	s15 =	simm.s32 @!p0 $0x8000;
	[sflag:s6] =	ssyncadd.s32 @!p0 $0xFFFFD800;
	s6 =	simm.s32 @!p0 $0x780  }
0x10e: {  	[spmem:s3] =	stream.indirect.scatter.add.f32 @!p0 [tilespmem:s15], [sflag:$0x10], $0x80, s6, s4, $0xb8;
	[tilespmem:$0x1E400] =	vst v63  }
0x10f: {  	s4 =	rddreg [dreg:$0x17]  }
.Ltmp5:
0x110: {  	s6 =	simm.s32 @!p0 $0x200;
	s4 =	sadd.s32 @!p0 s20, s4;
	(pc) =	sbr.rel .LBB2_4-.Ltmp5, $4  }
0x111: {  	[tilespmem:s6], [sflag:$0x5] =	stream.linear.gather @!p0 [hbm4b:s4+s21], $0x50, $0x38;
	[tilespmem:$0x1E400] =	vst v63  }
0x112: {  	s4 =	rddreg [dreg:$0x16]  }
0x113: {  	s6 =	simm.s32 @!p0 $0x600;
	s4 =	sadd.s32 @!p0 s20, s4  }
0x114: {  	[tilespmem:s6], [sflag:$0x5] =	stream.linear.gather @!p0 [hbm4b:s4+s21], $0x50, $0x38;
	[tilespmem:$0x1E400] =	vst v63  }
.LBB2_6:
0x115: {  	_ =	sfence.sel $0x180000  }
0x116: {  	[bflag:$0x0] =	sbarrier.arrive $0xFFFF  }
0x117: {  	_ =	strace $0x90000047  }
0x118: {  	s0 =	stileid.u32;
	[bflag:$0x2] =	sbarrier.arrive $0xFFFF  }
0x119: {  	p0 =	sne.s32 s0, $0x0;
	s0 =	rddreg [dreg:$0x3]  }
0x11a: {  	s0 =	sadd.s32 @!p0 $0x100000, s0  }
0x11b: {  	[sflag:s0] =	ssyncadd.tile.s32 @!p0 $0x1;
	_ =	shalt  }
.Lfunc_end2:
_tile_overlayer_lowered:
.L_overlay_start_2:
0x11c: {  	(tag) =	ssettag $0x2  }
0x11d: {  	s0 =	rddreg [dreg:$0x0];
	s2 =	stileid.u32  }
0x11e: {  	s1 =	rddreg [dreg:$0x1];
	p0 =	sne.s32 s2, $0x0  }
0x11f: {  	s3 =	rddreg [dreg:$0x2];
	[bflag:$0x3] =	sbarrier.arrive $0xFFFF;
	s2 =	simm.s32 @!p0 $0x1C11  }
0x120: {  	[timem:s3], [sflag:s2] =	dma.local @!p0 [hbm:s0], s1  }
0x121: {  	s0 =	simm.s32 @!p0 $0x11  }
0x122: {  	_ =	swait.ge @!p0 [sflag:s0], s1  }
0x123: {  	s1 =	ssub.s32 @!p0 $0x0, s1;
	[sflag:s0] =	ssyncset.done @!p0 $0x0  }
0x124: {  	[sflag:s0] =	ssyncadd.s32 @!p0 s1  }
0x125: {  	[bflag:$0x3] =	sbarrier.arrive $0xFFFF  }
0x126: {  	_ =	shalt  }

</sc_bundles>
